<compile_context>
chip_gen: v7x
topology: tpu7x:2x2x1
jax: 0.10.2.dev20260603
libtpu: 0.0.44.dev20260713+nightly
codegen_flags: <defaults>
</compile_context>

<pallas_src>
import functools

import jax
import jax.numpy as jnp
from jax import lax
from jax.experimental import pallas as pl
from jax.experimental.pallas import tpu as pltpu
from jax.experimental.pallas import tpu_sc as plsc

_VOCAB = 100000
_NC, _NS = 2, 16
_NW = _NC * _NS
_D = 64
_PPW = _D // _NW
_NBUF = 3


def _sc_gather_t(idx1d, table1d, b, s):
  mesh = plsc.VectorSubcoreMesh(core_axis_name="c", subcore_axis_name="s")
  assert s % _NBUF == 2

  @functools.partial(
      pl.kernel,
      out_type=jax.ShapeDtypeStruct((s * _D * b,), jnp.float32),
      mesh=mesh,
      scratch_types=[
          pltpu.VMEM((_VOCAB,), jnp.float32),
          pltpu.VMEM((_NBUF, b), jnp.int32),
          pltpu.VMEM((_NBUF, b), jnp.float32),
          pltpu.SemaphoreType.DMA,
          pltpu.SemaphoreType.DMA,
          pltpu.SemaphoreType.DMA,
          pltpu.SemaphoreType.DMA,
      ],
      compiler_params=pltpu.CompilerParams(
          use_tc_tiling_on_sc=False, needs_layout_passes=False),
  )
  def k(idx_hbm, table_hbm, out_hbm, plane_v, idx_v, ob_v, isem, os0, os1, os2):
    wid = lax.axis_index("s") * _NC + lax.axis_index("c")
    osems = (os0, os1, os2)

    def idx_start(si, t):
      return pltpu.async_copy(idx_hbm.at[pl.ds(si * b, b)], idx_v.at[t], isem)

    def idx_wait(t):
      pltpu.make_async_copy(idx_hbm.at[pl.ds(0, b)], idx_v.at[t], isem).wait()

    def gather(t):
      @plsc.parallel_loop(0, b, 16, unroll=8)
      def _(i):
        iv = idx_v[t, pl.ds(i, 16)]
        ob_v[t, pl.ds(i, 16)] = plsc.load_gather(plane_v, [iv])

    def out_start(si, p, t):
      return pltpu.async_copy(
          ob_v.at[t], out_hbm.at[pl.ds((si * _D + p) * b, b)], osems[t])

    def out_wait(t):
      pltpu.make_async_copy(ob_v.at[t], out_hbm.at[pl.ds(0, b)], osems[t]).wait()

    def step(si, p, t, first_round, prefetch):
      idx_wait(t)
      if not first_round:
        out_wait(t)
      gather(t)
      out_start(si, p, t)
      if prefetch:
        idx_start(si + _NBUF, t)

    for pi in range(_PPW):
      p = wid * _PPW + pi
      pltpu.sync_copy(table_hbm.at[pl.ds(p * _VOCAB, _VOCAB)], plane_v)

      for t in range(_NBUF):
        idx_start(t, t)
      for t in range(_NBUF):
        step(t, p, t, first_round=True, prefetch=True)

      def grp(g, carry):
        si = _NBUF * g
        for t in range(_NBUF):
          step(si + t, p, t, first_round=False, prefetch=True)
        return carry

      n_grp = (s - 2) // _NBUF
      lax.fori_loop(1, n_grp - 1, grp, 0)

      si = (n_grp - 1) * _NBUF
      step(si, p, 0, first_round=False, prefetch=True)
      step(si + 1, p, 1, first_round=False, prefetch=True)
      step(si + 2, p, 2, first_round=False, prefetch=False)

      si = s - 2
      step(si, p, 0, first_round=False, prefetch=False)
      step(si + 1, p, 1, first_round=False, prefetch=False)
      out_wait(2)
      out_wait(0)
      out_wait(1)

  return k(idx1d, table1d)


def kernel(inputs, kernel):
  b, s = inputs.shape
  idx1d = inputs.T.reshape(s * b).astype(jnp.int32)
  table1d = kernel.transpose(1, 2, 0).reshape(_D * _VOCAB)
  out1d = _sc_gather_t(idx1d, table1d, b, s)
  return out1d.reshape(s, 8, 8, b).transpose(3, 0, 1, 2)

# --- scband reference (transcript-rebuilt; emitter-appended) ---
"""Pipeline reference for scband-spatial-embedding-28235115004047 (READ-ONLY COPY).

The authoritative reference and input builder live on the scoring server;
editing this copy changes nothing except your own understanding.
"""

import jax, jax.numpy as jnp
import numpy as np

VOCAB_SIZE = 100000
FILTER_DIM = (8, 8)

def setup_inputs(seed: int = 0) -> dict:
    key = jax.random.key(seed)
    k1, k2 = jax.random.split(key)
    inputs = jax.random.randint(k1, (4096, 50), 0, VOCAB_SIZE, dtype=jnp.int64 if jax.config.jax_enable_x64 else jnp.int32)
    kernel = jax.random.normal(k2, (VOCAB_SIZE, FILTER_DIM[0], FILTER_DIM[1]), dtype=jnp.float32) * 0.05
    return {"inputs": inputs, "kernel": kernel}

def reference(inputs, kernel):
    # tf.nn.embedding_lookup(kernel, inputs) -> gather along axis 0
    return jnp.take(kernel, inputs, axis=0)

if __name__ == "__main__":
    import jax
    _d = setup_inputs()
    print(jax.jit(kernel)(*tuple(_d.values())))

</pallas_src>

<mosaic_0001>
#map = affine_map<(d0, d1) -> (0)>
module attributes {stable_mosaic.version = 14 : i64} {
  func.func @k(%arg0: i32, %arg1: i32, %arg2: memref<204800xi32, #tpu.memory_space<hbm>>, %arg3: memref<6400000xf32, #tpu.memory_space<hbm>>, %arg4: memref<13107200xf32, #tpu.memory_space<hbm>>, %arg5: memref<100000xf32, #tpu.memory_space<vmem>>, %arg6: memref<3x4096xi32, #tpu.memory_space<vmem>>, %arg7: memref<3x4096xf32, #tpu.memory_space<vmem>>, %arg8: memref<!tpu.dma_semaphore, #tpu.memory_space<semaphore_mem>>, %arg9: memref<!tpu.dma_semaphore, #tpu.memory_space<semaphore_mem>>, %arg10: memref<!tpu.dma_semaphore, #tpu.memory_space<semaphore_mem>>, %arg11: memref<!tpu.dma_semaphore, #tpu.memory_space<semaphore_mem>>) attributes {dimension_semantics = [#tpu.dimension_semantics<core_parallel>, #tpu.dimension_semantics<subcore_parallel>], iteration_bounds = array<i64: 2, 16>, scalar_prefetch = 0 : i64, scratch_operands = 7 : i64, tpu.core_type = #tpu.core_type<sc_vector_subcore>, window_params = [{transform_indices = #map}, {transform_indices = #map}, {transform_indices = #map}]} {
    %mul3A = arith.constant 2 : i32
    %mul3A_0 = arith.muli %arg1, %mul3A : i32
    %add3A = arith.addi %mul3A_0, %arg0 : i32
    %mul3A_1 = arith.constant 2 : i32
    %mul3A_2 = arith.muli %add3A, %mul3A_1 : i32
    %add3A_3 = arith.constant 0 : i32
    %add3A_4 = arith.addi %mul3A_2, %add3A_3 : i32
    %mul3A_5 = arith.constant 100000 : i32
    %mul3A_6 = arith.muli %add3A_4, %mul3A_5 : i32
    "tpu.region"() ({
      %run_scoped3A = tpu.sem_alloc : memref<!tpu.dma_semaphore, #tpu.memory_space<semaphore_mem>>
      %dma_start3A_805 = tpu.memref_slice %arg3[%mul3A_6] : memref<6400000xf32, #tpu.memory_space<hbm>> -> memref<100000xf32, #tpu.memory_space<hbm>>
      %dma_start3A_806 = tpu.memref_slice %arg3[%mul3A_6] : memref<6400000xf32, #tpu.memory_space<hbm>> -> memref<100000xf32, #tpu.memory_space<hbm>>
      tpu.enqueue_dma source(%dma_start3A_806 : memref<100000xf32, #tpu.memory_space<hbm>>) target(%arg5 : memref<100000xf32, #tpu.memory_space<vmem>>) target_semaphore(%run_scoped3A : memref<!tpu.dma_semaphore, #tpu.memory_space<semaphore_mem>>)
      %dma_wait3A_807 = tpu.memref_slice %arg3[%mul3A_6] : memref<6400000xf32, #tpu.memory_space<hbm>> -> memref<100000xf32, #tpu.memory_space<hbm>>
      %dma_wait3A_808 = tpu.memref_slice %arg3[%mul3A_6] : memref<6400000xf32, #tpu.memory_space<hbm>> -> memref<100000xf32, #tpu.memory_space<hbm>>
      tpu.wait_dma2 semaphore(%run_scoped3A : memref<!tpu.dma_semaphore, #tpu.memory_space<semaphore_mem>>) src(%dma_wait3A_808 : memref<100000xf32, #tpu.memory_space<hbm>>) dst(%arg5 : memref<100000xf32, #tpu.memory_space<vmem>>)
      tpu.yield
    }) : () -> ()
    %dma_start3A = arith.constant 0 : i32
    %dma_start3A_7 = arith.constant 0 : i32
    %dma_start3A_8 = tpu.memref_slice %arg6[%dma_start3A, %dma_start3A_7] : memref<3x4096xi32, #tpu.memory_space<vmem>> -> memref<1x4096xi32, #tpu.memory_space<vmem>>
    %dma_start3A_9 = tpu.memref_squeeze %dma_start3A_8 : memref<1x4096xi32, #tpu.memory_space<vmem>> -> memref<4096xi32, #tpu.memory_space<vmem>>
    %dma_start3A_10 = arith.constant 0 : i32
    %dma_start3A_11 = tpu.memref_slice %arg2[%dma_start3A_10] : memref<204800xi32, #tpu.memory_space<hbm>> -> memref<4096xi32, #tpu.memory_space<hbm>>
    %dma_start3A_12 = arith.constant 0 : i32
    %dma_start3A_13 = tpu.memref_slice %arg6[%dma_start3A, %dma_start3A_12] : memref<3x4096xi32, #tpu.memory_space<vmem>> -> memref<1x4096xi32, #tpu.memory_space<vmem>>
    %dma_start3A_14 = tpu.memref_squeeze %dma_start3A_13 : memref<1x4096xi32, #tpu.memory_space<vmem>> -> memref<4096xi32, #tpu.memory_space<vmem>>
    %dma_start3A_15 = arith.constant 0 : i32
    %dma_start3A_16 = tpu.memref_slice %arg2[%dma_start3A_15] : memref<204800xi32, #tpu.memory_space<hbm>> -> memref<4096xi32, #tpu.memory_space<hbm>>
    tpu.enqueue_dma source(%dma_start3A_16 : memref<4096xi32, #tpu.memory_space<hbm>>) target(%dma_start3A_14 : memref<4096xi32, #tpu.memory_space<vmem>>) target_semaphore(%arg8 : memref<!tpu.dma_semaphore, #tpu.memory_space<semaphore_mem>>)
    %dma_start3A_17 = arith.constant 1 : i32
    %dma_start3A_18 = arith.constant 0 : i32
    %dma_start3A_19 = tpu.memref_slice %arg6[%dma_start3A_17, %dma_start3A_18] : memref<3x4096xi32, #tpu.memory_space<vmem>> -> memref<1x4096xi32, #tpu.memory_space<vmem>>
    %dma_start3A_20 = tpu.memref_squeeze %dma_start3A_19 : memref<1x4096xi32, #tpu.memory_space<vmem>> -> memref<4096xi32, #tpu.memory_space<vmem>>
    %dma_start3A_21 = arith.constant 4096 : i32
    %dma_start3A_22 = tpu.memref_slice %arg2[%dma_start3A_21] : memref<204800xi32, #tpu.memory_space<hbm>> -> memref<4096xi32, #tpu.memory_space<hbm>>
    %dma_start3A_23 = arith.constant 0 : i32
    %dma_start3A_24 = tpu.memref_slice %arg6[%dma_start3A_17, %dma_start3A_23] : memref<3x4096xi32, #tpu.memory_space<vmem>> -> memref<1x4096xi32, #tpu.memory_space<vmem>>
    %dma_start3A_25 = tpu.memref_squeeze %dma_start3A_24 : memref<1x4096xi32, #tpu.memory_space<vmem>> -> memref<4096xi32, #tpu.memory_space<vmem>>
    %dma_start3A_26 = arith.constant 4096 : i32
    %dma_start3A_27 = tpu.memref_slice %arg2[%dma_start3A_26] : memref<204800xi32, #tpu.memory_space<hbm>> -> memref<4096xi32, #tpu.memory_space<hbm>>
    tpu.enqueue_dma source(%dma_start3A_27 : memref<4096xi32, #tpu.memory_space<hbm>>) target(%dma_start3A_25 : memref<4096xi32, #tpu.memory_space<vmem>>) target_semaphore(%arg8 : memref<!tpu.dma_semaphore, #tpu.memory_space<semaphore_mem>>)
    %dma_start3A_28 = arith.constant 2 : i32
    %dma_start3A_29 = arith.constant 0 : i32
    %dma_start3A_30 = tpu.memref_slice %arg6[%dma_start3A_28, %dma_start3A_29] : memref<3x4096xi32, #tpu.memory_space<vmem>> -> memref<1x4096xi32, #tpu.memory_space<vmem>>
    %dma_start3A_31 = tpu.memref_squeeze %dma_start3A_30 : memref<1x4096xi32, #tpu.memory_space<vmem>> -> memref<4096xi32, #tpu.memory_space<vmem>>
    %dma_start3A_32 = arith.constant 8192 : i32
    %dma_start3A_33 = tpu.memref_slice %arg2[%dma_start3A_32] : memref<204800xi32, #tpu.memory_space<hbm>> -> memref<4096xi32, #tpu.memory_space<hbm>>
    %dma_start3A_34 = arith.constant 0 : i32
    %dma_start3A_35 = tpu.memref_slice %arg6[%dma_start3A_28, %dma_start3A_34] : memref<3x4096xi32, #tpu.memory_space<vmem>> -> memref<1x4096xi32, #tpu.memory_space<vmem>>
    %dma_start3A_36 = tpu.memref_squeeze %dma_start3A_35 : memref<1x4096xi32, #tpu.memory_space<vmem>> -> memref<4096xi32, #tpu.memory_space<vmem>>
    %dma_start3A_37 = arith.constant 8192 : i32
    %dma_start3A_38 = tpu.memref_slice %arg2[%dma_start3A_37] : memref<204800xi32, #tpu.memory_space<hbm>> -> memref<4096xi32, #tpu.memory_space<hbm>>
    tpu.enqueue_dma source(%dma_start3A_38 : memref<4096xi32, #tpu.memory_space<hbm>>) target(%dma_start3A_36 : memref<4096xi32, #tpu.memory_space<vmem>>) target_semaphore(%arg8 : memref<!tpu.dma_semaphore, #tpu.memory_space<semaphore_mem>>)
    %dma_wait3A = arith.constant 0 : i32
    %dma_wait3A_39 = arith.constant 0 : i32
    %dma_wait3A_40 = tpu.memref_slice %arg6[%dma_wait3A, %dma_wait3A_39] : memref<3x4096xi32, #tpu.memory_space<vmem>> -> memref<1x4096xi32, #tpu.memory_space<vmem>>
    %dma_wait3A_41 = tpu.memref_squeeze %dma_wait3A_40 : memref<1x4096xi32, #tpu.memory_space<vmem>> -> memref<4096xi32, #tpu.memory_space<vmem>>
    %dma_wait3A_42 = arith.constant 0 : i32
    %dma_wait3A_43 = tpu.memref_slice %arg2[%dma_wait3A_42] : memref<204800xi32, #tpu.memory_space<hbm>> -> memref<4096xi32, #tpu.memory_space<hbm>>
    %dma_wait3A_44 = arith.constant 0 : i32
    %dma_wait3A_45 = tpu.memref_slice %arg6[%dma_wait3A, %dma_wait3A_44] : memref<3x4096xi32, #tpu.memory_space<vmem>> -> memref<1x4096xi32, #tpu.memory_space<vmem>>
    %dma_wait3A_46 = tpu.memref_squeeze %dma_wait3A_45 : memref<1x4096xi32, #tpu.memory_space<vmem>> -> memref<4096xi32, #tpu.memory_space<vmem>>
    %dma_wait3A_47 = arith.constant 0 : i32
    %dma_wait3A_48 = tpu.memref_slice %arg2[%dma_wait3A_47] : memref<204800xi32, #tpu.memory_space<hbm>> -> memref<4096xi32, #tpu.memory_space<hbm>>
    tpu.wait_dma2 semaphore(%arg8 : memref<!tpu.dma_semaphore, #tpu.memory_space<semaphore_mem>>) src(%dma_wait3A_48 : memref<4096xi32, #tpu.memory_space<hbm>>) dst(%dma_wait3A_46 : memref<4096xi32, #tpu.memory_space<vmem>>)
    %parallel_loop3A = arith.constant 0 : i32
    %parallel_loop3A_49 = arith.constant 4096 : i32
    %parallel_loop3A_50 = arith.constant 16 : i32
    scf.for %parallel_loop3A_805 = %parallel_loop3A to %parallel_loop3A_49 step %parallel_loop3A_50  : i32 {
      %parallel_loop3A_806 = arith.constant 0 : i32
      %parallel_loop3A_807 = arith.index_cast %parallel_loop3A_806 : i32 to index
      %parallel_loop3A_808 = arith.index_cast %parallel_loop3A_805 : i32 to index
      %parallel_loop3A_809 = tpu.vector_load %arg6[%parallel_loop3A_807, %parallel_loop3A_808] {strides = array<i32>} : memref<3x4096xi32, #tpu.memory_space<vmem>>, vector<16xi32>,
      %parallel_loop3A_810 = tpu.vector_load_idx %arg5[%parallel_loop3A_809] : memref<100000xf32, #tpu.memory_space<vmem>>[vector<16xi32>], vector<16xf32>,
      %parallel_loop3A_811 = arith.constant 0 : i32
      %parallel_loop3A_812 = arith.index_cast %parallel_loop3A_811 : i32 to index
      %parallel_loop3A_813 = arith.index_cast %parallel_loop3A_805 : i32 to index
      %parallel_loop3A_814 = tpu.vector_load %arg7[%parallel_loop3A_812, %parallel_loop3A_813] {strides = array<i32>} : memref<3x4096xf32, #tpu.memory_space<vmem>>, vector<16xf32>,
      tpu.vector_store %arg7[%parallel_loop3A_812, %parallel_loop3A_813], %parallel_loop3A_810 {strides = array<i32>} : memref<3x4096xf32, #tpu.memory_space<vmem>>, vector<16xf32>,
    } {sc.loop_unroll_factor = 8 : i64, sc.parallel_access}
    %add3A_51 = arith.constant 0 : i32
    %add3A_52 = arith.addi %add3A_51, %add3A_4 : i32
    %mul3A_53 = arith.constant 4096 : i32
    %mul3A_54 = arith.muli %add3A_52, %mul3A_53 : i32
    %dma_start3A_55 = arith.constant 0 : i32
    %dma_start3A_56 = arith.constant 0 : i32
    %dma_start3A_57 = tpu.memref_slice %arg7[%dma_start3A_55, %dma_start3A_56] : memref<3x4096xf32, #tpu.memory_space<vmem>> -> memref<1x4096xf32, #tpu.memory_space<vmem>>
    %dma_start3A_58 = tpu.memref_squeeze %dma_start3A_57 : memref<1x4096xf32, #tpu.memory_space<vmem>> -> memref<4096xf32, #tpu.memory_space<vmem>>
    %dma_start3A_59 = tpu.memref_slice %arg4[%mul3A_54] : memref<13107200xf32, #tpu.memory_space<hbm>> -> memref<4096xf32, #tpu.memory_space<hbm>>
    %dma_start3A_60 = tpu.memref_slice %arg4[%mul3A_54] : memref<13107200xf32, #tpu.memory_space<hbm>> -> memref<4096xf32, #tpu.memory_space<hbm>>
    %dma_start3A_61 = arith.constant 0 : i32
    %dma_start3A_62 = tpu.memref_slice %arg7[%dma_start3A_55, %dma_start3A_61] : memref<3x4096xf32, #tpu.memory_space<vmem>> -> memref<1x4096xf32, #tpu.memory_space<vmem>>
    %dma_start3A_63 = tpu.memref_squeeze %dma_start3A_62 : memref<1x4096xf32, #tpu.memory_space<vmem>> -> memref<4096xf32, #tpu.memory_space<vmem>>
    tpu.enqueue_dma source(%dma_start3A_63 : memref<4096xf32, #tpu.memory_space<vmem>>) target(%dma_start3A_60 : memref<4096xf32, #tpu.memory_space<hbm>>) target_semaphore(%arg9 : memref<!tpu.dma_semaphore, #tpu.memory_space<semaphore_mem>>)
    %dma_start3A_64 = arith.constant 0 : i32
    %dma_start3A_65 = arith.constant 0 : i32
    %dma_start3A_66 = tpu.memref_slice %arg6[%dma_start3A_64, %dma_start3A_65] : memref<3x4096xi32, #tpu.memory_space<vmem>> -> memref<1x4096xi32, #tpu.memory_space<vmem>>
    %dma_start3A_67 = tpu.memref_squeeze %dma_start3A_66 : memref<1x4096xi32, #tpu.memory_space<vmem>> -> memref<4096xi32, #tpu.memory_space<vmem>>
    %dma_start3A_68 = arith.constant 12288 : i32
    %dma_start3A_69 = tpu.memref_slice %arg2[%dma_start3A_68] : memref<204800xi32, #tpu.memory_space<hbm>> -> memref<4096xi32, #tpu.memory_space<hbm>>
    %dma_start3A_70 = arith.constant 0 : i32
    %dma_start3A_71 = tpu.memref_slice %arg6[%dma_start3A_64, %dma_start3A_70] : memref<3x4096xi32, #tpu.memory_space<vmem>> -> memref<1x4096xi32, #tpu.memory_space<vmem>>
    %dma_start3A_72 = tpu.memref_squeeze %dma_start3A_71 : memref<1x4096xi32, #tpu.memory_space<vmem>> -> memref<4096xi32, #tpu.memory_space<vmem>>
    %dma_start3A_73 = arith.constant 12288 : i32
    %dma_start3A_74 = tpu.memref_slice %arg2[%dma_start3A_73] : memref<204800xi32, #tpu.memory_space<hbm>> -> memref<4096xi32, #tpu.memory_space<hbm>>
    tpu.enqueue_dma source(%dma_start3A_74 : memref<4096xi32, #tpu.memory_space<hbm>>) target(%dma_start3A_72 : memref<4096xi32, #tpu.memory_space<vmem>>) target_semaphore(%arg8 : memref<!tpu.dma_semaphore, #tpu.memory_space<semaphore_mem>>)
    %dma_wait3A_75 = arith.constant 1 : i32
    %dma_wait3A_76 = arith.constant 0 : i32
    %dma_wait3A_77 = tpu.memref_slice %arg6[%dma_wait3A_75, %dma_wait3A_76] : memref<3x4096xi32, #tpu.memory_space<vmem>> -> memref<1x4096xi32, #tpu.memory_space<vmem>>
    %dma_wait3A_78 = tpu.memref_squeeze %dma_wait3A_77 : memref<1x4096xi32, #tpu.memory_space<vmem>> -> memref<4096xi32, #tpu.memory_space<vmem>>
    %dma_wait3A_79 = arith.constant 0 : i32
    %dma_wait3A_80 = tpu.memref_slice %arg2[%dma_wait3A_79] : memref<204800xi32, #tpu.memory_space<hbm>> -> memref<4096xi32, #tpu.memory_space<hbm>>
    %dma_wait3A_81 = arith.constant 0 : i32
    %dma_wait3A_82 = tpu.memref_slice %arg6[%dma_wait3A_75, %dma_wait3A_81] : memref<3x4096xi32, #tpu.memory_space<vmem>> -> memref<1x4096xi32, #tpu.memory_space<vmem>>
    %dma_wait3A_83 = tpu.memref_squeeze %dma_wait3A_82 : memref<1x4096xi32, #tpu.memory_space<vmem>> -> memref<4096xi32, #tpu.memory_space<vmem>>
    %dma_wait3A_84 = arith.constant 0 : i32
    %dma_wait3A_85 = tpu.memref_slice %arg2[%dma_wait3A_84] : memref<204800xi32, #tpu.memory_space<hbm>> -> memref<4096xi32, #tpu.memory_space<hbm>>
    tpu.wait_dma2 semaphore(%arg8 : memref<!tpu.dma_semaphore, #tpu.memory_space<semaphore_mem>>) src(%dma_wait3A_85 : memref<4096xi32, #tpu.memory_space<hbm>>) dst(%dma_wait3A_83 : memref<4096xi32, #tpu.memory_space<vmem>>)
    %parallel_loop3A_86 = arith.constant 0 : i32
    %parallel_loop3A_87 = arith.constant 4096 : i32
    %parallel_loop3A_88 = arith.constant 16 : i32
    scf.for %parallel_loop3A_805 = %parallel_loop3A_86 to %parallel_loop3A_87 step %parallel_loop3A_88  : i32 {
      %parallel_loop3A_806 = arith.constant 1 : i32
      %parallel_loop3A_807 = arith.index_cast %parallel_loop3A_806 : i32 to index
      %parallel_loop3A_808 = arith.index_cast %parallel_loop3A_805 : i32 to index
      %parallel_loop3A_809 = tpu.vector_load %arg6[%parallel_loop3A_807, %parallel_loop3A_808] {strides = array<i32>} : memref<3x4096xi32, #tpu.memory_space<vmem>>, vector<16xi32>,
      %parallel_loop3A_810 = tpu.vector_load_idx %arg5[%parallel_loop3A_809] : memref<100000xf32, #tpu.memory_space<vmem>>[vector<16xi32>], vector<16xf32>,
      %parallel_loop3A_811 = arith.constant 1 : i32
      %parallel_loop3A_812 = arith.index_cast %parallel_loop3A_811 : i32 to index
      %parallel_loop3A_813 = arith.index_cast %parallel_loop3A_805 : i32 to index
      %parallel_loop3A_814 = tpu.vector_load %arg7[%parallel_loop3A_812, %parallel_loop3A_813] {strides = array<i32>} : memref<3x4096xf32, #tpu.memory_space<vmem>>, vector<16xf32>,
      tpu.vector_store %arg7[%parallel_loop3A_812, %parallel_loop3A_813], %parallel_loop3A_810 {strides = array<i32>} : memref<3x4096xf32, #tpu.memory_space<vmem>>, vector<16xf32>,
    } {sc.loop_unroll_factor = 8 : i64, sc.parallel_access}
    %add3A_89 = arith.constant 64 : i32
    %add3A_90 = arith.addi %add3A_89, %add3A_4 : i32
    %mul3A_91 = arith.constant 4096 : i32
    %mul3A_92 = arith.muli %add3A_90, %mul3A_91 : i32
    %dma_start3A_93 = arith.constant 1 : i32
    %dma_start3A_94 = arith.constant 0 : i32
    %dma_start3A_95 = tpu.memref_slice %arg7[%dma_start3A_93, %dma_start3A_94] : memref<3x4096xf32, #tpu.memory_space<vmem>> -> memref<1x4096xf32, #tpu.memory_space<vmem>>
    %dma_start3A_96 = tpu.memref_squeeze %dma_start3A_95 : memref<1x4096xf32, #tpu.memory_space<vmem>> -> memref<4096xf32, #tpu.memory_space<vmem>>
    %dma_start3A_97 = tpu.memref_slice %arg4[%mul3A_92] : memref<13107200xf32, #tpu.memory_space<hbm>> -> memref<4096xf32, #tpu.memory_space<hbm>>
    %dma_start3A_98 = tpu.memref_slice %arg4[%mul3A_92] : memref<13107200xf32, #tpu.memory_space<hbm>> -> memref<4096xf32, #tpu.memory_space<hbm>>
    %dma_start3A_99 = arith.constant 0 : i32
    %dma_start3A_100 = tpu.memref_slice %arg7[%dma_start3A_93, %dma_start3A_99] : memref<3x4096xf32, #tpu.memory_space<vmem>> -> memref<1x4096xf32, #tpu.memory_space<vmem>>
    %dma_start3A_101 = tpu.memref_squeeze %dma_start3A_100 : memref<1x4096xf32, #tpu.memory_space<vmem>> -> memref<4096xf32, #tpu.memory_space<vmem>>
    tpu.enqueue_dma source(%dma_start3A_101 : memref<4096xf32, #tpu.memory_space<vmem>>) target(%dma_start3A_98 : memref<4096xf32, #tpu.memory_space<hbm>>) target_semaphore(%arg10 : memref<!tpu.dma_semaphore, #tpu.memory_space<semaphore_mem>>)
    %dma_start3A_102 = arith.constant 1 : i32
    %dma_start3A_103 = arith.constant 0 : i32
    %dma_start3A_104 = tpu.memref_slice %arg6[%dma_start3A_102, %dma_start3A_103] : memref<3x4096xi32, #tpu.memory_space<vmem>> -> memref<1x4096xi32, #tpu.memory_space<vmem>>
    %dma_start3A_105 = tpu.memref_squeeze %dma_start3A_104 : memref<1x4096xi32, #tpu.memory_space<vmem>> -> memref<4096xi32, #tpu.memory_space<vmem>>
    %dma_start3A_106 = arith.constant 16384 : i32
    %dma_start3A_107 = tpu.memref_slice %arg2[%dma_start3A_106] : memref<204800xi32, #tpu.memory_space<hbm>> -> memref<4096xi32, #tpu.memory_space<hbm>>
    %dma_start3A_108 = arith.constant 0 : i32
    %dma_start3A_109 = tpu.memref_slice %arg6[%dma_start3A_102, %dma_start3A_108] : memref<3x4096xi32, #tpu.memory_space<vmem>> -> memref<1x4096xi32, #tpu.memory_space<vmem>>
    %dma_start3A_110 = tpu.memref_squeeze %dma_start3A_109 : memref<1x4096xi32, #tpu.memory_space<vmem>> -> memref<4096xi32, #tpu.memory_space<vmem>>
    %dma_start3A_111 = arith.constant 16384 : i32
    %dma_start3A_112 = tpu.memref_slice %arg2[%dma_start3A_111] : memref<204800xi32, #tpu.memory_space<hbm>> -> memref<4096xi32, #tpu.memory_space<hbm>>
    tpu.enqueue_dma source(%dma_start3A_112 : memref<4096xi32, #tpu.memory_space<hbm>>) target(%dma_start3A_110 : memref<4096xi32, #tpu.memory_space<vmem>>) target_semaphore(%arg8 : memref<!tpu.dma_semaphore, #tpu.memory_space<semaphore_mem>>)
    %dma_wait3A_113 = arith.constant 2 : i32
    %dma_wait3A_114 = arith.constant 0 : i32
    %dma_wait3A_115 = tpu.memref_slice %arg6[%dma_wait3A_113, %dma_wait3A_114] : memref<3x4096xi32, #tpu.memory_space<vmem>> -> memref<1x4096xi32, #tpu.memory_space<vmem>>
    %dma_wait3A_116 = tpu.memref_squeeze %dma_wait3A_115 : memref<1x4096xi32, #tpu.memory_space<vmem>> -> memref<4096xi32, #tpu.memory_space<vmem>>
    %dma_wait3A_117 = arith.constant 0 : i32
    %dma_wait3A_118 = tpu.memref_slice %arg2[%dma_wait3A_117] : memref<204800xi32, #tpu.memory_space<hbm>> -> memref<4096xi32, #tpu.memory_space<hbm>>
    %dma_wait3A_119 = arith.constant 0 : i32
    %dma_wait3A_120 = tpu.memref_slice %arg6[%dma_wait3A_113, %dma_wait3A_119] : memref<3x4096xi32, #tpu.memory_space<vmem>> -> memref<1x4096xi32, #tpu.memory_space<vmem>>
    %dma_wait3A_121 = tpu.memref_squeeze %dma_wait3A_120 : memref<1x4096xi32, #tpu.memory_space<vmem>> -> memref<4096xi32, #tpu.memory_space<vmem>>
    %dma_wait3A_122 = arith.constant 0 : i32
    %dma_wait3A_123 = tpu.memref_slice %arg2[%dma_wait3A_122] : memref<204800xi32, #tpu.memory_space<hbm>> -> memref<4096xi32, #tpu.memory_space<hbm>>
    tpu.wait_dma2 semaphore(%arg8 : memref<!tpu.dma_semaphore, #tpu.memory_space<semaphore_mem>>) src(%dma_wait3A_123 : memref<4096xi32, #tpu.memory_space<hbm>>) dst(%dma_wait3A_121 : memref<4096xi32, #tpu.memory_space<vmem>>)
    %parallel_loop3A_124 = arith.constant 0 : i32
    %parallel_loop3A_125 = arith.constant 4096 : i32
    %parallel_loop3A_126 = arith.constant 16 : i32
    scf.for %parallel_loop3A_805 = %parallel_loop3A_124 to %parallel_loop3A_125 step %parallel_loop3A_126  : i32 {
      %parallel_loop3A_806 = arith.constant 2 : i32
      %parallel_loop3A_807 = arith.index_cast %parallel_loop3A_806 : i32 to index
      %parallel_loop3A_808 = arith.index_cast %parallel_loop3A_805 : i32 to index
      %parallel_loop3A_809 = tpu.vector_load %arg6[%parallel_loop3A_807, %parallel_loop3A_808] {strides = array<i32>} : memref<3x4096xi32, #tpu.memory_space<vmem>>, vector<16xi32>,
      %parallel_loop3A_810 = tpu.vector_load_idx %arg5[%parallel_loop3A_809] : memref<100000xf32, #tpu.memory_space<vmem>>[vector<16xi32>], vector<16xf32>,
      %parallel_loop3A_811 = arith.constant 2 : i32
      %parallel_loop3A_812 = arith.index_cast %parallel_loop3A_811 : i32 to index
      %parallel_loop3A_813 = arith.index_cast %parallel_loop3A_805 : i32 to index
      %parallel_loop3A_814 = tpu.vector_load %arg7[%parallel_loop3A_812, %parallel_loop3A_813] {strides = array<i32>} : memref<3x4096xf32, #tpu.memory_space<vmem>>, vector<16xf32>,
      tpu.vector_store %arg7[%parallel_loop3A_812, %parallel_loop3A_813], %parallel_loop3A_810 {strides = array<i32>} : memref<3x4096xf32, #tpu.memory_space<vmem>>, vector<16xf32>,
    } {sc.loop_unroll_factor = 8 : i64, sc.parallel_access}
    %add3A_127 = arith.constant 128 : i32
    %add3A_128 = arith.addi %add3A_127, %add3A_4 : i32
    %mul3A_129 = arith.constant 4096 : i32
    %mul3A_130 = arith.muli %add3A_128, %mul3A_129 : i32
    %dma_start3A_131 = arith.constant 2 : i32
    %dma_start3A_132 = arith.constant 0 : i32
    %dma_start3A_133 = tpu.memref_slice %arg7[%dma_start3A_131, %dma_start3A_132] : memref<3x4096xf32, #tpu.memory_space<vmem>> -> memref<1x4096xf32, #tpu.memory_space<vmem>>
    %dma_start3A_134 = tpu.memref_squeeze %dma_start3A_133 : memref<1x4096xf32, #tpu.memory_space<vmem>> -> memref<4096xf32, #tpu.memory_space<vmem>>
    %dma_start3A_135 = tpu.memref_slice %arg4[%mul3A_130] : memref<13107200xf32, #tpu.memory_space<hbm>> -> memref<4096xf32, #tpu.memory_space<hbm>>
    %dma_start3A_136 = tpu.memref_slice %arg4[%mul3A_130] : memref<13107200xf32, #tpu.memory_space<hbm>> -> memref<4096xf32, #tpu.memory_space<hbm>>
    %dma_start3A_137 = arith.constant 0 : i32
    %dma_start3A_138 = tpu.memref_slice %arg7[%dma_start3A_131, %dma_start3A_137] : memref<3x4096xf32, #tpu.memory_space<vmem>> -> memref<1x4096xf32, #tpu.memory_space<vmem>>
    %dma_start3A_139 = tpu.memref_squeeze %dma_start3A_138 : memref<1x4096xf32, #tpu.memory_space<vmem>> -> memref<4096xf32, #tpu.memory_space<vmem>>
    tpu.enqueue_dma source(%dma_start3A_139 : memref<4096xf32, #tpu.memory_space<vmem>>) target(%dma_start3A_136 : memref<4096xf32, #tpu.memory_space<hbm>>) target_semaphore(%arg11 : memref<!tpu.dma_semaphore, #tpu.memory_space<semaphore_mem>>)
    %dma_start3A_140 = arith.constant 2 : i32
    %dma_start3A_141 = arith.constant 0 : i32
    %dma_start3A_142 = tpu.memref_slice %arg6[%dma_start3A_140, %dma_start3A_141] : memref<3x4096xi32, #tpu.memory_space<vmem>> -> memref<1x4096xi32, #tpu.memory_space<vmem>>
    %dma_start3A_143 = tpu.memref_squeeze %dma_start3A_142 : memref<1x4096xi32, #tpu.memory_space<vmem>> -> memref<4096xi32, #tpu.memory_space<vmem>>
    %dma_start3A_144 = arith.constant 20480 : i32
    %dma_start3A_145 = tpu.memref_slice %arg2[%dma_start3A_144] : memref<204800xi32, #tpu.memory_space<hbm>> -> memref<4096xi32, #tpu.memory_space<hbm>>
    %dma_start3A_146 = arith.constant 0 : i32
    %dma_start3A_147 = tpu.memref_slice %arg6[%dma_start3A_140, %dma_start3A_146] : memref<3x4096xi32, #tpu.memory_space<vmem>> -> memref<1x4096xi32, #tpu.memory_space<vmem>>
    %dma_start3A_148 = tpu.memref_squeeze %dma_start3A_147 : memref<1x4096xi32, #tpu.memory_space<vmem>> -> memref<4096xi32, #tpu.memory_space<vmem>>
    %dma_start3A_149 = arith.constant 20480 : i32
    %dma_start3A_150 = tpu.memref_slice %arg2[%dma_start3A_149] : memref<204800xi32, #tpu.memory_space<hbm>> -> memref<4096xi32, #tpu.memory_space<hbm>>
    tpu.enqueue_dma source(%dma_start3A_150 : memref<4096xi32, #tpu.memory_space<hbm>>) target(%dma_start3A_148 : memref<4096xi32, #tpu.memory_space<vmem>>) target_semaphore(%arg8 : memref<!tpu.dma_semaphore, #tpu.memory_space<semaphore_mem>>)
    %scan3A = arith.constant 0 : i32
    %scan3A_151 = arith.constant 1 : i32
    %scan3A_152 = arith.constant 14 : i32
    %scan3A_153 = arith.addi %scan3A_151, %scan3A_152 : i32
    %scan3A_154 = arith.constant 1 : i32
    scf.for %scan3A_805 = %scan3A_151 to %scan3A_153 step %scan3A_154  : i32 {
      %mul3A_806 = arith.constant 3 : i32
      %mul3A_807 = arith.muli %mul3A_806, %scan3A_805 : i32
      %add3A_808 = arith.constant 0 : i32
      %add3A_809 = arith.addi %mul3A_807, %add3A_808 : i32
      %dma_wait3A_810 = arith.constant 0 : i32
      %dma_wait3A_811 = arith.constant 0 : i32
      %dma_wait3A_812 = tpu.memref_slice %arg6[%dma_wait3A_810, %dma_wait3A_811] : memref<3x4096xi32, #tpu.memory_space<vmem>> -> memref<1x4096xi32, #tpu.memory_space<vmem>>
      %dma_wait3A_813 = tpu.memref_squeeze %dma_wait3A_812 : memref<1x4096xi32, #tpu.memory_space<vmem>> -> memref<4096xi32, #tpu.memory_space<vmem>>
      %dma_wait3A_814 = arith.constant 0 : i32
      %dma_wait3A_815 = tpu.memref_slice %arg2[%dma_wait3A_814] : memref<204800xi32, #tpu.memory_space<hbm>> -> memref<4096xi32, #tpu.memory_space<hbm>>
      %dma_wait3A_816 = arith.constant 0 : i32
      %dma_wait3A_817 = tpu.memref_slice %arg6[%dma_wait3A_810, %dma_wait3A_816] : memref<3x4096xi32, #tpu.memory_space<vmem>> -> memref<1x4096xi32, #tpu.memory_space<vmem>>
      %dma_wait3A_818 = tpu.memref_squeeze %dma_wait3A_817 : memref<1x4096xi32, #tpu.memory_space<vmem>> -> memref<4096xi32, #tpu.memory_space<vmem>>
      %dma_wait3A_819 = arith.constant 0 : i32
      %dma_wait3A_820 = tpu.memref_slice %arg2[%dma_wait3A_819] : memref<204800xi32, #tpu.memory_space<hbm>> -> memref<4096xi32, #tpu.memory_space<hbm>>
      tpu.wait_dma2 semaphore(%arg8 : memref<!tpu.dma_semaphore, #tpu.memory_space<semaphore_mem>>) src(%dma_wait3A_820 : memref<4096xi32, #tpu.memory_space<hbm>>) dst(%dma_wait3A_818 : memref<4096xi32, #tpu.memory_space<vmem>>)
      %dma_wait3A_821 = arith.constant 0 : i32
      %dma_wait3A_822 = arith.constant 0 : i32
      %dma_wait3A_823 = tpu.memref_slice %arg7[%dma_wait3A_821, %dma_wait3A_822] : memref<3x4096xf32, #tpu.memory_space<vmem>> -> memref<1x4096xf32, #tpu.memory_space<vmem>>
      %dma_wait3A_824 = tpu.memref_squeeze %dma_wait3A_823 : memref<1x4096xf32, #tpu.memory_space<vmem>> -> memref<4096xf32, #tpu.memory_space<vmem>>
      %dma_wait3A_825 = arith.constant 0 : i32
      %dma_wait3A_826 = tpu.memref_slice %arg4[%dma_wait3A_825] : memref<13107200xf32, #tpu.memory_space<hbm>> -> memref<4096xf32, #tpu.memory_space<hbm>>
      %dma_wait3A_827 = arith.constant 0 : i32
      %dma_wait3A_828 = tpu.memref_slice %arg4[%dma_wait3A_827] : memref<13107200xf32, #tpu.memory_space<hbm>> -> memref<4096xf32, #tpu.memory_space<hbm>>
      %dma_wait3A_829 = arith.constant 0 : i32
      %dma_wait3A_830 = tpu.memref_slice %arg7[%dma_wait3A_821, %dma_wait3A_829] : memref<3x4096xf32, #tpu.memory_space<vmem>> -> memref<1x4096xf32, #tpu.memory_space<vmem>>
      %dma_wait3A_831 = tpu.memref_squeeze %dma_wait3A_830 : memref<1x4096xf32, #tpu.memory_space<vmem>> -> memref<4096xf32, #tpu.memory_space<vmem>>
      tpu.wait_dma2 semaphore(%arg9 : memref<!tpu.dma_semaphore, #tpu.memory_space<semaphore_mem>>) src(%dma_wait3A_831 : memref<4096xf32, #tpu.memory_space<vmem>>) dst(%dma_wait3A_828 : memref<4096xf32, #tpu.memory_space<hbm>>)
      %parallel_loop3A_832 = arith.constant 0 : i32
      %parallel_loop3A_833 = arith.constant 4096 : i32
      %parallel_loop3A_834 = arith.constant 16 : i32
      scf.for %parallel_loop3A_970 = %parallel_loop3A_832 to %parallel_loop3A_833 step %parallel_loop3A_834  : i32 {
        %parallel_loop3A_971 = arith.constant 0 : i32
        %parallel_loop3A_972 = arith.index_cast %parallel_loop3A_971 : i32 to index
        %parallel_loop3A_973 = arith.index_cast %parallel_loop3A_970 : i32 to index
        %parallel_loop3A_974 = tpu.vector_load %arg6[%parallel_loop3A_972, %parallel_loop3A_973] {strides = array<i32>} : memref<3x4096xi32, #tpu.memory_space<vmem>>, vector<16xi32>,
        %parallel_loop3A_975 = tpu.vector_load_idx %arg5[%parallel_loop3A_974] : memref<100000xf32, #tpu.memory_space<vmem>>[vector<16xi32>], vector<16xf32>,
        %parallel_loop3A_976 = arith.constant 0 : i32
        %parallel_loop3A_977 = arith.index_cast %parallel_loop3A_976 : i32 to index
        %parallel_loop3A_978 = arith.index_cast %parallel_loop3A_970 : i32 to index
        %parallel_loop3A_979 = tpu.vector_load %arg7[%parallel_loop3A_977, %parallel_loop3A_978] {strides = array<i32>} : memref<3x4096xf32, #tpu.memory_space<vmem>>, vector<16xf32>,
        tpu.vector_store %arg7[%parallel_loop3A_977, %parallel_loop3A_978], %parallel_loop3A_975 {strides = array<i32>} : memref<3x4096xf32, #tpu.memory_space<vmem>>, vector<16xf32>,
      } {sc.loop_unroll_factor = 8 : i64, sc.parallel_access}
      %mul3A_835 = arith.constant 64 : i32
      %mul3A_836 = arith.muli %add3A_809, %mul3A_835 : i32
      %add3A_837 = arith.addi %mul3A_836, %add3A_4 : i32
      %mul3A_838 = arith.constant 4096 : i32
      %mul3A_839 = arith.muli %add3A_837, %mul3A_838 : i32
      %dma_start3A_840 = arith.constant 0 : i32
      %dma_start3A_841 = arith.constant 0 : i32
      %dma_start3A_842 = tpu.memref_slice %arg7[%dma_start3A_840, %dma_start3A_841] : memref<3x4096xf32, #tpu.memory_space<vmem>> -> memref<1x4096xf32, #tpu.memory_space<vmem>>
      %dma_start3A_843 = tpu.memref_squeeze %dma_start3A_842 : memref<1x4096xf32, #tpu.memory_space<vmem>> -> memref<4096xf32, #tpu.memory_space<vmem>>
      %dma_start3A_844 = tpu.memref_slice %arg4[%mul3A_839] : memref<13107200xf32, #tpu.memory_space<hbm>> -> memref<4096xf32, #tpu.memory_space<hbm>>
      %dma_start3A_845 = tpu.memref_slice %arg4[%mul3A_839] : memref<13107200xf32, #tpu.memory_space<hbm>> -> memref<4096xf32, #tpu.memory_space<hbm>>
      %dma_start3A_846 = arith.constant 0 : i32
      %dma_start3A_847 = tpu.memref_slice %arg7[%dma_start3A_840, %dma_start3A_846] : memref<3x4096xf32, #tpu.memory_space<vmem>> -> memref<1x4096xf32, #tpu.memory_space<vmem>>
      %dma_start3A_848 = tpu.memref_squeeze %dma_start3A_847 : memref<1x4096xf32, #tpu.memory_space<vmem>> -> memref<4096xf32, #tpu.memory_space<vmem>>
      tpu.enqueue_dma source(%dma_start3A_848 : memref<4096xf32, #tpu.memory_space<vmem>>) target(%dma_start3A_845 : memref<4096xf32, #tpu.memory_space<hbm>>) target_semaphore(%arg9 : memref<!tpu.dma_semaphore, #tpu.memory_space<semaphore_mem>>)
      %add3A_849 = arith.constant 3 : i32
      %add3A_850 = arith.addi %add3A_809, %add3A_849 : i32
      %mul3A_851 = arith.constant 4096 : i32
      %mul3A_852 = arith.muli %add3A_850, %mul3A_851 : i32
      %dma_start3A_853 = arith.constant 0 : i32
      %dma_start3A_854 = arith.constant 0 : i32
      %dma_start3A_855 = tpu.memref_slice %arg6[%dma_start3A_853, %dma_start3A_854] : memref<3x4096xi32, #tpu.memory_space<vmem>> -> memref<1x4096xi32, #tpu.memory_space<vmem>>
      %dma_start3A_856 = tpu.memref_squeeze %dma_start3A_855 : memref<1x4096xi32, #tpu.memory_space<vmem>> -> memref<4096xi32, #tpu.memory_space<vmem>>
      %dma_start3A_857 = tpu.memref_slice %arg2[%mul3A_852] : memref<204800xi32, #tpu.memory_space<hbm>> -> memref<4096xi32, #tpu.memory_space<hbm>>
      %dma_start3A_858 = arith.constant 0 : i32
      %dma_start3A_859 = tpu.memref_slice %arg6[%dma_start3A_853, %dma_start3A_858] : memref<3x4096xi32, #tpu.memory_space<vmem>> -> memref<1x4096xi32, #tpu.memory_space<vmem>>
      %dma_start3A_860 = tpu.memref_squeeze %dma_start3A_859 : memref<1x4096xi32, #tpu.memory_space<vmem>> -> memref<4096xi32, #tpu.memory_space<vmem>>
      %dma_start3A_861 = tpu.memref_slice %arg2[%mul3A_852] : memref<204800xi32, #tpu.memory_space<hbm>> -> memref<4096xi32, #tpu.memory_space<hbm>>
      tpu.enqueue_dma source(%dma_start3A_861 : memref<4096xi32, #tpu.memory_space<hbm>>) target(%dma_start3A_860 : memref<4096xi32, #tpu.memory_space<vmem>>) target_semaphore(%arg8 : memref<!tpu.dma_semaphore, #tpu.memory_space<semaphore_mem>>)
      %add3A_862 = arith.constant 1 : i32
      %add3A_863 = arith.addi %mul3A_807, %add3A_862 : i32
      %dma_wait3A_864 = arith.constant 1 : i32
      %dma_wait3A_865 = arith.constant 0 : i32
      %dma_wait3A_866 = tpu.memref_slice %arg6[%dma_wait3A_864, %dma_wait3A_865] : memref<3x4096xi32, #tpu.memory_space<vmem>> -> memref<1x4096xi32, #tpu.memory_space<vmem>>
      %dma_wait3A_867 = tpu.memref_squeeze %dma_wait3A_866 : memref<1x4096xi32, #tpu.memory_space<vmem>> -> memref<4096xi32, #tpu.memory_space<vmem>>
      %dma_wait3A_868 = arith.constant 0 : i32
      %dma_wait3A_869 = tpu.memref_slice %arg2[%dma_wait3A_868] : memref<204800xi32, #tpu.memory_space<hbm>> -> memref<4096xi32, #tpu.memory_space<hbm>>
      %dma_wait3A_870 = arith.constant 0 : i32
      %dma_wait3A_871 = tpu.memref_slice %arg6[%dma_wait3A_864, %dma_wait3A_870] : memref<3x4096xi32, #tpu.memory_space<vmem>> -> memref<1x4096xi32, #tpu.memory_space<vmem>>
      %dma_wait3A_872 = tpu.memref_squeeze %dma_wait3A_871 : memref<1x4096xi32, #tpu.memory_space<vmem>> -> memref<4096xi32, #tpu.memory_space<vmem>>
      %dma_wait3A_873 = arith.constant 0 : i32
      %dma_wait3A_874 = tpu.memref_slice %arg2[%dma_wait3A_873] : memref<204800xi32, #tpu.memory_space<hbm>> -> memref<4096xi32, #tpu.memory_space<hbm>>
      tpu.wait_dma2 semaphore(%arg8 : memref<!tpu.dma_semaphore, #tpu.memory_space<semaphore_mem>>) src(%dma_wait3A_874 : memref<4096xi32, #tpu.memory_space<hbm>>) dst(%dma_wait3A_872 : memref<4096xi32, #tpu.memory_space<vmem>>)
      %dma_wait3A_875 = arith.constant 1 : i32
      %dma_wait3A_876 = arith.constant 0 : i32
      %dma_wait3A_877 = tpu.memref_slice %arg7[%dma_wait3A_875, %dma_wait3A_876] : memref<3x4096xf32, #tpu.memory_space<vmem>> -> memref<1x4096xf32, #tpu.memory_space<vmem>>
      %dma_wait3A_878 = tpu.memref_squeeze %dma_wait3A_877 : memref<1x4096xf32, #tpu.memory_space<vmem>> -> memref<4096xf32, #tpu.memory_space<vmem>>
      %dma_wait3A_879 = arith.constant 0 : i32
      %dma_wait3A_880 = tpu.memref_slice %arg4[%dma_wait3A_879] : memref<13107200xf32, #tpu.memory_space<hbm>> -> memref<4096xf32, #tpu.memory_space<hbm>>
      %dma_wait3A_881 = arith.constant 0 : i32
      %dma_wait3A_882 = tpu.memref_slice %arg4[%dma_wait3A_881] : memref<13107200xf32, #tpu.memory_space<hbm>> -> memref<4096xf32, #tpu.memory_space<hbm>>
      %dma_wait3A_883 = arith.constant 0 : i32
      %dma_wait3A_884 = tpu.memref_slice %arg7[%dma_wait3A_875, %dma_wait3A_883] : memref<3x4096xf32, #tpu.memory_space<vmem>> -> memref<1x4096xf32, #tpu.memory_space<vmem>>
      %dma_wait3A_885 = tpu.memref_squeeze %dma_wait3A_884 : memref<1x4096xf32, #tpu.memory_space<vmem>> -> memref<4096xf32, #tpu.memory_space<vmem>>
      tpu.wait_dma2 semaphore(%arg10 : memref<!tpu.dma_semaphore, #tpu.memory_space<semaphore_mem>>) src(%dma_wait3A_885 : memref<4096xf32, #tpu.memory_space<vmem>>) dst(%dma_wait3A_882 : memref<4096xf32, #tpu.memory_space<hbm>>)
      %parallel_loop3A_886 = arith.constant 0 : i32
      %parallel_loop3A_887 = arith.constant 4096 : i32
      %parallel_loop3A_888 = arith.constant 16 : i32
      scf.for %parallel_loop3A_970 = %parallel_loop3A_886 to %parallel_loop3A_887 step %parallel_loop3A_888  : i32 {
        %parallel_loop3A_971 = arith.constant 1 : i32
        %parallel_loop3A_972 = arith.index_cast %parallel_loop3A_971 : i32 to index
        %parallel_loop3A_973 = arith.index_cast %parallel_loop3A_970 : i32 to index
        %parallel_loop3A_974 = tpu.vector_load %arg6[%parallel_loop3A_972, %parallel_loop3A_973] {strides = array<i32>} : memref<3x4096xi32, #tpu.memory_space<vmem>>, vector<16xi32>,
        %parallel_loop3A_975 = tpu.vector_load_idx %arg5[%parallel_loop3A_974] : memref<100000xf32, #tpu.memory_space<vmem>>[vector<16xi32>], vector<16xf32>,
        %parallel_loop3A_976 = arith.constant 1 : i32
        %parallel_loop3A_977 = arith.index_cast %parallel_loop3A_976 : i32 to index
        %parallel_loop3A_978 = arith.index_cast %parallel_loop3A_970 : i32 to index
        %parallel_loop3A_979 = tpu.vector_load %arg7[%parallel_loop3A_977, %parallel_loop3A_978] {strides = array<i32>} : memref<3x4096xf32, #tpu.memory_space<vmem>>, vector<16xf32>,
        tpu.vector_store %arg7[%parallel_loop3A_977, %parallel_loop3A_978], %parallel_loop3A_975 {strides = array<i32>} : memref<3x4096xf32, #tpu.memory_space<vmem>>, vector<16xf32>,
      } {sc.loop_unroll_factor = 8 : i64, sc.parallel_access}
      %mul3A_889 = arith.constant 64 : i32
      %mul3A_890 = arith.muli %add3A_863, %mul3A_889 : i32
      %add3A_891 = arith.addi %mul3A_890, %add3A_4 : i32
      %mul3A_892 = arith.constant 4096 : i32
      %mul3A_893 = arith.muli %add3A_891, %mul3A_892 : i32
      %dma_start3A_894 = arith.constant 1 : i32
      %dma_start3A_895 = arith.constant 0 : i32
      %dma_start3A_896 = tpu.memref_slice %arg7[%dma_start3A_894, %dma_start3A_895] : memref<3x4096xf32, #tpu.memory_space<vmem>> -> memref<1x4096xf32, #tpu.memory_space<vmem>>
      %dma_start3A_897 = tpu.memref_squeeze %dma_start3A_896 : memref<1x4096xf32, #tpu.memory_space<vmem>> -> memref<4096xf32, #tpu.memory_space<vmem>>
      %dma_start3A_898 = tpu.memref_slice %arg4[%mul3A_893] : memref<13107200xf32, #tpu.memory_space<hbm>> -> memref<4096xf32, #tpu.memory_space<hbm>>
      %dma_start3A_899 = tpu.memref_slice %arg4[%mul3A_893] : memref<13107200xf32, #tpu.memory_space<hbm>> -> memref<4096xf32, #tpu.memory_space<hbm>>
      %dma_start3A_900 = arith.constant 0 : i32
      %dma_start3A_901 = tpu.memref_slice %arg7[%dma_start3A_894, %dma_start3A_900] : memref<3x4096xf32, #tpu.memory_space<vmem>> -> memref<1x4096xf32, #tpu.memory_space<vmem>>
      %dma_start3A_902 = tpu.memref_squeeze %dma_start3A_901 : memref<1x4096xf32, #tpu.memory_space<vmem>> -> memref<4096xf32, #tpu.memory_space<vmem>>
      tpu.enqueue_dma source(%dma_start3A_902 : memref<4096xf32, #tpu.memory_space<vmem>>) target(%dma_start3A_899 : memref<4096xf32, #tpu.memory_space<hbm>>) target_semaphore(%arg10 : memref<!tpu.dma_semaphore, #tpu.memory_space<semaphore_mem>>)
      %add3A_903 = arith.constant 3 : i32
      %add3A_904 = arith.addi %add3A_863, %add3A_903 : i32
      %mul3A_905 = arith.constant 4096 : i32
      %mul3A_906 = arith.muli %add3A_904, %mul3A_905 : i32
      %dma_start3A_907 = arith.constant 1 : i32
      %dma_start3A_908 = arith.constant 0 : i32
      %dma_start3A_909 = tpu.memref_slice %arg6[%dma_start3A_907, %dma_start3A_908] : memref<3x4096xi32, #tpu.memory_space<vmem>> -> memref<1x4096xi32, #tpu.memory_space<vmem>>
      %dma_start3A_910 = tpu.memref_squeeze %dma_start3A_909 : memref<1x4096xi32, #tpu.memory_space<vmem>> -> memref<4096xi32, #tpu.memory_space<vmem>>
      %dma_start3A_911 = tpu.memref_slice %arg2[%mul3A_906] : memref<204800xi32, #tpu.memory_space<hbm>> -> memref<4096xi32, #tpu.memory_space<hbm>>
      %dma_start3A_912 = arith.constant 0 : i32
      %dma_start3A_913 = tpu.memref_slice %arg6[%dma_start3A_907, %dma_start3A_912] : memref<3x4096xi32, #tpu.memory_space<vmem>> -> memref<1x4096xi32, #tpu.memory_space<vmem>>
      %dma_start3A_914 = tpu.memref_squeeze %dma_start3A_913 : memref<1x4096xi32, #tpu.memory_space<vmem>> -> memref<4096xi32, #tpu.memory_space<vmem>>
      %dma_start3A_915 = tpu.memref_slice %arg2[%mul3A_906] : memref<204800xi32, #tpu.memory_space<hbm>> -> memref<4096xi32, #tpu.memory_space<hbm>>
      tpu.enqueue_dma source(%dma_start3A_915 : memref<4096xi32, #tpu.memory_space<hbm>>) target(%dma_start3A_914 : memref<4096xi32, #tpu.memory_space<vmem>>) target_semaphore(%arg8 : memref<!tpu.dma_semaphore, #tpu.memory_space<semaphore_mem>>)
      %add3A_916 = arith.constant 2 : i32
      %add3A_917 = arith.addi %mul3A_807, %add3A_916 : i32
      %dma_wait3A_918 = arith.constant 2 : i32
      %dma_wait3A_919 = arith.constant 0 : i32
      %dma_wait3A_920 = tpu.memref_slice %arg6[%dma_wait3A_918, %dma_wait3A_919] : memref<3x4096xi32, #tpu.memory_space<vmem>> -> memref<1x4096xi32, #tpu.memory_space<vmem>>
      %dma_wait3A_921 = tpu.memref_squeeze %dma_wait3A_920 : memref<1x4096xi32, #tpu.memory_space<vmem>> -> memref<4096xi32, #tpu.memory_space<vmem>>
      %dma_wait3A_922 = arith.constant 0 : i32
      %dma_wait3A_923 = tpu.memref_slice %arg2[%dma_wait3A_922] : memref<204800xi32, #tpu.memory_space<hbm>> -> memref<4096xi32, #tpu.memory_space<hbm>>
      %dma_wait3A_924 = arith.constant 0 : i32
      %dma_wait3A_925 = tpu.memref_slice %arg6[%dma_wait3A_918, %dma_wait3A_924] : memref<3x4096xi32, #tpu.memory_space<vmem>> -> memref<1x4096xi32, #tpu.memory_space<vmem>>
      %dma_wait3A_926 = tpu.memref_squeeze %dma_wait3A_925 : memref<1x4096xi32, #tpu.memory_space<vmem>> -> memref<4096xi32, #tpu.memory_space<vmem>>
      %dma_wait3A_927 = arith.constant 0 : i32
      %dma_wait3A_928 = tpu.memref_slice %arg2[%dma_wait3A_927] : memref<204800xi32, #tpu.memory_space<hbm>> -> memref<4096xi32, #tpu.memory_space<hbm>>
      tpu.wait_dma2 semaphore(%arg8 : memref<!tpu.dma_semaphore, #tpu.memory_space<semaphore_mem>>) src(%dma_wait3A_928 : memref<4096xi32, #tpu.memory_space<hbm>>) dst(%dma_wait3A_926 : memref<4096xi32, #tpu.memory_space<vmem>>)
      %dma_wait3A_929 = arith.constant 2 : i32
      %dma_wait3A_930 = arith.constant 0 : i32
      %dma_wait3A_931 = tpu.memref_slice %arg7[%dma_wait3A_929, %dma_wait3A_930] : memref<3x4096xf32, #tpu.memory_space<vmem>> -> memref<1x4096xf32, #tpu.memory_space<vmem>>
      %dma_wait3A_932 = tpu.memref_squeeze %dma_wait3A_931 : memref<1x4096xf32, #tpu.memory_space<vmem>> -> memref<4096xf32, #tpu.memory_space<vmem>>
      %dma_wait3A_933 = arith.constant 0 : i32
      %dma_wait3A_934 = tpu.memref_slice %arg4[%dma_wait3A_933] : memref<13107200xf32, #tpu.memory_space<hbm>> -> memref<4096xf32, #tpu.memory_space<hbm>>
      %dma_wait3A_935 = arith.constant 0 : i32
      %dma_wait3A_936 = tpu.memref_slice %arg4[%dma_wait3A_935] : memref<13107200xf32, #tpu.memory_space<hbm>> -> memref<4096xf32, #tpu.memory_space<hbm>>
      %dma_wait3A_937 = arith.constant 0 : i32
      %dma_wait3A_938 = tpu.memref_slice %arg7[%dma_wait3A_929, %dma_wait3A_937] : memref<3x4096xf32, #tpu.memory_space<vmem>> -> memref<1x4096xf32, #tpu.memory_space<vmem>>
      %dma_wait3A_939 = tpu.memref_squeeze %dma_wait3A_938 : memref<1x4096xf32, #tpu.memory_space<vmem>> -> memref<4096xf32, #tpu.memory_space<vmem>>
      tpu.wait_dma2 semaphore(%arg11 : memref<!tpu.dma_semaphore, #tpu.memory_space<semaphore_mem>>) src(%dma_wait3A_939 : memref<4096xf32, #tpu.memory_space<vmem>>) dst(%dma_wait3A_936 : memref<4096xf32, #tpu.memory_space<hbm>>)
      %parallel_loop3A_940 = arith.constant 0 : i32
      %parallel_loop3A_941 = arith.constant 4096 : i32
      %parallel_loop3A_942 = arith.constant 16 : i32
      scf.for %parallel_loop3A_970 = %parallel_loop3A_940 to %parallel_loop3A_941 step %parallel_loop3A_942  : i32 {
        %parallel_loop3A_971 = arith.constant 2 : i32
        %parallel_loop3A_972 = arith.index_cast %parallel_loop3A_971 : i32 to index
        %parallel_loop3A_973 = arith.index_cast %parallel_loop3A_970 : i32 to index
        %parallel_loop3A_974 = tpu.vector_load %arg6[%parallel_loop3A_972, %parallel_loop3A_973] {strides = array<i32>} : memref<3x4096xi32, #tpu.memory_space<vmem>>, vector<16xi32>,
        %parallel_loop3A_975 = tpu.vector_load_idx %arg5[%parallel_loop3A_974] : memref<100000xf32, #tpu.memory_space<vmem>>[vector<16xi32>], vector<16xf32>,
        %parallel_loop3A_976 = arith.constant 2 : i32
        %parallel_loop3A_977 = arith.index_cast %parallel_loop3A_976 : i32 to index
        %parallel_loop3A_978 = arith.index_cast %parallel_loop3A_970 : i32 to index
        %parallel_loop3A_979 = tpu.vector_load %arg7[%parallel_loop3A_977, %parallel_loop3A_978] {strides = array<i32>} : memref<3x4096xf32, #tpu.memory_space<vmem>>, vector<16xf32>,
        tpu.vector_store %arg7[%parallel_loop3A_977, %parallel_loop3A_978], %parallel_loop3A_975 {strides = array<i32>} : memref<3x4096xf32, #tpu.memory_space<vmem>>, vector<16xf32>,
      } {sc.loop_unroll_factor = 8 : i64, sc.parallel_access}
      %mul3A_943 = arith.constant 64 : i32
      %mul3A_944 = arith.muli %add3A_917, %mul3A_943 : i32
      %add3A_945 = arith.addi %mul3A_944, %add3A_4 : i32
      %mul3A_946 = arith.constant 4096 : i32
      %mul3A_947 = arith.muli %add3A_945, %mul3A_946 : i32
      %dma_start3A_948 = arith.constant 2 : i32
      %dma_start3A_949 = arith.constant 0 : i32
      %dma_start3A_950 = tpu.memref_slice %arg7[%dma_start3A_948, %dma_start3A_949] : memref<3x4096xf32, #tpu.memory_space<vmem>> -> memref<1x4096xf32, #tpu.memory_space<vmem>>
      %dma_start3A_951 = tpu.memref_squeeze %dma_start3A_950 : memref<1x4096xf32, #tpu.memory_space<vmem>> -> memref<4096xf32, #tpu.memory_space<vmem>>
      %dma_start3A_952 = tpu.memref_slice %arg4[%mul3A_947] : memref<13107200xf32, #tpu.memory_space<hbm>> -> memref<4096xf32, #tpu.memory_space<hbm>>
      %dma_start3A_953 = tpu.memref_slice %arg4[%mul3A_947] : memref<13107200xf32, #tpu.memory_space<hbm>> -> memref<4096xf32, #tpu.memory_space<hbm>>
      %dma_start3A_954 = arith.constant 0 : i32
      %dma_start3A_955 = tpu.memref_slice %arg7[%dma_start3A_948, %dma_start3A_954] : memref<3x4096xf32, #tpu.memory_space<vmem>> -> memref<1x4096xf32, #tpu.memory_space<vmem>>
      %dma_start3A_956 = tpu.memref_squeeze %dma_start3A_955 : memref<1x4096xf32, #tpu.memory_space<vmem>> -> memref<4096xf32, #tpu.memory_space<vmem>>
      tpu.enqueue_dma source(%dma_start3A_956 : memref<4096xf32, #tpu.memory_space<vmem>>) target(%dma_start3A_953 : memref<4096xf32, #tpu.memory_space<hbm>>) target_semaphore(%arg11 : memref<!tpu.dma_semaphore, #tpu.memory_space<semaphore_mem>>)
      %add3A_957 = arith.constant 3 : i32
      %add3A_958 = arith.addi %add3A_917, %add3A_957 : i32
      %mul3A_959 = arith.constant 4096 : i32
      %mul3A_960 = arith.muli %add3A_958, %mul3A_959 : i32
      %dma_start3A_961 = arith.constant 2 : i32
      %dma_start3A_962 = arith.constant 0 : i32
      %dma_start3A_963 = tpu.memref_slice %arg6[%dma_start3A_961, %dma_start3A_962] : memref<3x4096xi32, #tpu.memory_space<vmem>> -> memref<1x4096xi32, #tpu.memory_space<vmem>>
      %dma_start3A_964 = tpu.memref_squeeze %dma_start3A_963 : memref<1x4096xi32, #tpu.memory_space<vmem>> -> memref<4096xi32, #tpu.memory_space<vmem>>
      %dma_start3A_965 = tpu.memref_slice %arg2[%mul3A_960] : memref<204800xi32, #tpu.memory_space<hbm>> -> memref<4096xi32, #tpu.memory_space<hbm>>
      %dma_start3A_966 = arith.constant 0 : i32
      %dma_start3A_967 = tpu.memref_slice %arg6[%dma_start3A_961, %dma_start3A_966] : memref<3x4096xi32, #tpu.memory_space<vmem>> -> memref<1x4096xi32, #tpu.memory_space<vmem>>
      %dma_start3A_968 = tpu.memref_squeeze %dma_start3A_967 : memref<1x4096xi32, #tpu.memory_space<vmem>> -> memref<4096xi32, #tpu.memory_space<vmem>>
      %dma_start3A_969 = tpu.memref_slice %arg2[%mul3A_960] : memref<204800xi32, #tpu.memory_space<hbm>> -> memref<4096xi32, #tpu.memory_space<hbm>>
      tpu.enqueue_dma source(%dma_start3A_969 : memref<4096xi32, #tpu.memory_space<hbm>>) target(%dma_start3A_968 : memref<4096xi32, #tpu.memory_space<vmem>>) target_semaphore(%arg8 : memref<!tpu.dma_semaphore, #tpu.memory_space<semaphore_mem>>)
    }
    %scan3A_155 = arith.constant 14 : i32
    %dma_wait3A_156 = arith.constant 0 : i32
    %dma_wait3A_157 = arith.constant 0 : i32
    %dma_wait3A_158 = tpu.memref_slice %arg6[%dma_wait3A_156, %dma_wait3A_157] : memref<3x4096xi32, #tpu.memory_space<vmem>> -> memref<1x4096xi32, #tpu.memory_space<vmem>>
    %dma_wait3A_159 = tpu.memref_squeeze %dma_wait3A_158 : memref<1x4096xi32, #tpu.memory_space<vmem>> -> memref<4096xi32, #tpu.memory_space<vmem>>
    %dma_wait3A_160 = arith.constant 0 : i32
    %dma_wait3A_161 = tpu.memref_slice %arg2[%dma_wait3A_160] : memref<204800xi32, #tpu.memory_space<hbm>> -> memref<4096xi32, #tpu.memory_space<hbm>>
    %dma_wait3A_162 = arith.constant 0 : i32
    %dma_wait3A_163 = tpu.memref_slice %arg6[%dma_wait3A_156, %dma_wait3A_162] : memref<3x4096xi32, #tpu.memory_space<vmem>> -> memref<1x4096xi32, #tpu.memory_space<vmem>>
    %dma_wait3A_164 = tpu.memref_squeeze %dma_wait3A_163 : memref<1x4096xi32, #tpu.memory_space<vmem>> -> memref<4096xi32, #tpu.memory_space<vmem>>
    %dma_wait3A_165 = arith.constant 0 : i32
    %dma_wait3A_166 = tpu.memref_slice %arg2[%dma_wait3A_165] : memref<204800xi32, #tpu.memory_space<hbm>> -> memref<4096xi32, #tpu.memory_space<hbm>>
    tpu.wait_dma2 semaphore(%arg8 : memref<!tpu.dma_semaphore, #tpu.memory_space<semaphore_mem>>) src(%dma_wait3A_166 : memref<4096xi32, #tpu.memory_space<hbm>>) dst(%dma_wait3A_164 : memref<4096xi32, #tpu.memory_space<vmem>>)
    %dma_wait3A_167 = arith.constant 0 : i32
    %dma_wait3A_168 = arith.constant 0 : i32
    %dma_wait3A_169 = tpu.memref_slice %arg7[%dma_wait3A_167, %dma_wait3A_168] : memref<3x4096xf32, #tpu.memory_space<vmem>> -> memref<1x4096xf32, #tpu.memory_space<vmem>>
    %dma_wait3A_170 = tpu.memref_squeeze %dma_wait3A_169 : memref<1x4096xf32, #tpu.memory_space<vmem>> -> memref<4096xf32, #tpu.memory_space<vmem>>
    %dma_wait3A_171 = arith.constant 0 : i32
    %dma_wait3A_172 = tpu.memref_slice %arg4[%dma_wait3A_171] : memref<13107200xf32, #tpu.memory_space<hbm>> -> memref<4096xf32, #tpu.memory_space<hbm>>
    %dma_wait3A_173 = arith.constant 0 : i32
    %dma_wait3A_174 = tpu.memref_slice %arg4[%dma_wait3A_173] : memref<13107200xf32, #tpu.memory_space<hbm>> -> memref<4096xf32, #tpu.memory_space<hbm>>
    %dma_wait3A_175 = arith.constant 0 : i32
    %dma_wait3A_176 = tpu.memref_slice %arg7[%dma_wait3A_167, %dma_wait3A_175] : memref<3x4096xf32, #tpu.memory_space<vmem>> -> memref<1x4096xf32, #tpu.memory_space<vmem>>
    %dma_wait3A_177 = tpu.memref_squeeze %dma_wait3A_176 : memref<1x4096xf32, #tpu.memory_space<vmem>> -> memref<4096xf32, #tpu.memory_space<vmem>>
    tpu.wait_dma2 semaphore(%arg9 : memref<!tpu.dma_semaphore, #tpu.memory_space<semaphore_mem>>) src(%dma_wait3A_177 : memref<4096xf32, #tpu.memory_space<vmem>>) dst(%dma_wait3A_174 : memref<4096xf32, #tpu.memory_space<hbm>>)
    %parallel_loop3A_178 = arith.constant 0 : i32
    %parallel_loop3A_179 = arith.constant 4096 : i32
    %parallel_loop3A_180 = arith.constant 16 : i32
    scf.for %parallel_loop3A_805 = %parallel_loop3A_178 to %parallel_loop3A_179 step %parallel_loop3A_180  : i32 {
      %parallel_loop3A_806 = arith.constant 0 : i32
      %parallel_loop3A_807 = arith.index_cast %parallel_loop3A_806 : i32 to index
      %parallel_loop3A_808 = arith.index_cast %parallel_loop3A_805 : i32 to index
      %parallel_loop3A_809 = tpu.vector_load %arg6[%parallel_loop3A_807, %parallel_loop3A_808] {strides = array<i32>} : memref<3x4096xi32, #tpu.memory_space<vmem>>, vector<16xi32>,
      %parallel_loop3A_810 = tpu.vector_load_idx %arg5[%parallel_loop3A_809] : memref<100000xf32, #tpu.memory_space<vmem>>[vector<16xi32>], vector<16xf32>,
      %parallel_loop3A_811 = arith.constant 0 : i32
      %parallel_loop3A_812 = arith.index_cast %parallel_loop3A_811 : i32 to index
      %parallel_loop3A_813 = arith.index_cast %parallel_loop3A_805 : i32 to index
      %parallel_loop3A_814 = tpu.vector_load %arg7[%parallel_loop3A_812, %parallel_loop3A_813] {strides = array<i32>} : memref<3x4096xf32, #tpu.memory_space<vmem>>, vector<16xf32>,
      tpu.vector_store %arg7[%parallel_loop3A_812, %parallel_loop3A_813], %parallel_loop3A_810 {strides = array<i32>} : memref<3x4096xf32, #tpu.memory_space<vmem>>, vector<16xf32>,
    } {sc.loop_unroll_factor = 8 : i64, sc.parallel_access}
    %add3A_181 = arith.constant 2880 : i32
    %add3A_182 = arith.addi %add3A_181, %add3A_4 : i32
    %mul3A_183 = arith.constant 4096 : i32
    %mul3A_184 = arith.muli %add3A_182, %mul3A_183 : i32
    %dma_start3A_185 = arith.constant 0 : i32
    %dma_start3A_186 = arith.constant 0 : i32
    %dma_start3A_187 = tpu.memref_slice %arg7[%dma_start3A_185, %dma_start3A_186] : memref<3x4096xf32, #tpu.memory_space<vmem>> -> memref<1x4096xf32, #tpu.memory_space<vmem>>
    %dma_start3A_188 = tpu.memref_squeeze %dma_start3A_187 : memref<1x4096xf32, #tpu.memory_space<vmem>> -> memref<4096xf32, #tpu.memory_space<vmem>>
    %dma_start3A_189 = tpu.memref_slice %arg4[%mul3A_184] : memref<13107200xf32, #tpu.memory_space<hbm>> -> memref<4096xf32, #tpu.memory_space<hbm>>
    %dma_start3A_190 = tpu.memref_slice %arg4[%mul3A_184] : memref<13107200xf32, #tpu.memory_space<hbm>> -> memref<4096xf32, #tpu.memory_space<hbm>>
    %dma_start3A_191 = arith.constant 0 : i32
    %dma_start3A_192 = tpu.memref_slice %arg7[%dma_start3A_185, %dma_start3A_191] : memref<3x4096xf32, #tpu.memory_space<vmem>> -> memref<1x4096xf32, #tpu.memory_space<vmem>>
    %dma_start3A_193 = tpu.memref_squeeze %dma_start3A_192 : memref<1x4096xf32, #tpu.memory_space<vmem>> -> memref<4096xf32, #tpu.memory_space<vmem>>
    tpu.enqueue_dma source(%dma_start3A_193 : memref<4096xf32, #tpu.memory_space<vmem>>) target(%dma_start3A_190 : memref<4096xf32, #tpu.memory_space<hbm>>) target_semaphore(%arg9 : memref<!tpu.dma_semaphore, #tpu.memory_space<semaphore_mem>>)
    %dma_start3A_194 = arith.constant 0 : i32
    %dma_start3A_195 = arith.constant 0 : i32
    %dma_start3A_196 = tpu.memref_slice %arg6[%dma_start3A_194, %dma_start3A_195] : memref<3x4096xi32, #tpu.memory_space<vmem>> -> memref<1x4096xi32, #tpu.memory_space<vmem>>
    %dma_start3A_197 = tpu.memref_squeeze %dma_start3A_196 : memref<1x4096xi32, #tpu.memory_space<vmem>> -> memref<4096xi32, #tpu.memory_space<vmem>>
    %dma_start3A_198 = arith.constant 196608 : i32
    %dma_start3A_199 = tpu.memref_slice %arg2[%dma_start3A_198] : memref<204800xi32, #tpu.memory_space<hbm>> -> memref<4096xi32, #tpu.memory_space<hbm>>
    %dma_start3A_200 = arith.constant 0 : i32
    %dma_start3A_201 = tpu.memref_slice %arg6[%dma_start3A_194, %dma_start3A_200] : memref<3x4096xi32, #tpu.memory_space<vmem>> -> memref<1x4096xi32, #tpu.memory_space<vmem>>
    %dma_start3A_202 = tpu.memref_squeeze %dma_start3A_201 : memref<1x4096xi32, #tpu.memory_space<vmem>> -> memref<4096xi32, #tpu.memory_space<vmem>>
    %dma_start3A_203 = arith.constant 196608 : i32
    %dma_start3A_204 = tpu.memref_slice %arg2[%dma_start3A_203] : memref<204800xi32, #tpu.memory_space<hbm>> -> memref<4096xi32, #tpu.memory_space<hbm>>
    tpu.enqueue_dma source(%dma_start3A_204 : memref<4096xi32, #tpu.memory_space<hbm>>) target(%dma_start3A_202 : memref<4096xi32, #tpu.memory_space<vmem>>) target_semaphore(%arg8 : memref<!tpu.dma_semaphore, #tpu.memory_space<semaphore_mem>>)
    %dma_wait3A_205 = arith.constant 1 : i32
    %dma_wait3A_206 = arith.constant 0 : i32
    %dma_wait3A_207 = tpu.memref_slice %arg6[%dma_wait3A_205, %dma_wait3A_206] : memref<3x4096xi32, #tpu.memory_space<vmem>> -> memref<1x4096xi32, #tpu.memory_space<vmem>>
    %dma_wait3A_208 = tpu.memref_squeeze %dma_wait3A_207 : memref<1x4096xi32, #tpu.memory_space<vmem>> -> memref<4096xi32, #tpu.memory_space<vmem>>
    %dma_wait3A_209 = arith.constant 0 : i32
    %dma_wait3A_210 = tpu.memref_slice %arg2[%dma_wait3A_209] : memref<204800xi32, #tpu.memory_space<hbm>> -> memref<4096xi32, #tpu.memory_space<hbm>>
    %dma_wait3A_211 = arith.constant 0 : i32
    %dma_wait3A_212 = tpu.memref_slice %arg6[%dma_wait3A_205, %dma_wait3A_211] : memref<3x4096xi32, #tpu.memory_space<vmem>> -> memref<1x4096xi32, #tpu.memory_space<vmem>>
    %dma_wait3A_213 = tpu.memref_squeeze %dma_wait3A_212 : memref<1x4096xi32, #tpu.memory_space<vmem>> -> memref<4096xi32, #tpu.memory_space<vmem>>
    %dma_wait3A_214 = arith.constant 0 : i32
    %dma_wait3A_215 = tpu.memref_slice %arg2[%dma_wait3A_214] : memref<204800xi32, #tpu.memory_space<hbm>> -> memref<4096xi32, #tpu.memory_space<hbm>>
    tpu.wait_dma2 semaphore(%arg8 : memref<!tpu.dma_semaphore, #tpu.memory_space<semaphore_mem>>) src(%dma_wait3A_215 : memref<4096xi32, #tpu.memory_space<hbm>>) dst(%dma_wait3A_213 : memref<4096xi32, #tpu.memory_space<vmem>>)
    %dma_wait3A_216 = arith.constant 1 : i32
    %dma_wait3A_217 = arith.constant 0 : i32
    %dma_wait3A_218 = tpu.memref_slice %arg7[%dma_wait3A_216, %dma_wait3A_217] : memref<3x4096xf32, #tpu.memory_space<vmem>> -> memref<1x4096xf32, #tpu.memory_space<vmem>>
    %dma_wait3A_219 = tpu.memref_squeeze %dma_wait3A_218 : memref<1x4096xf32, #tpu.memory_space<vmem>> -> memref<4096xf32, #tpu.memory_space<vmem>>
    %dma_wait3A_220 = arith.constant 0 : i32
    %dma_wait3A_221 = tpu.memref_slice %arg4[%dma_wait3A_220] : memref<13107200xf32, #tpu.memory_space<hbm>> -> memref<4096xf32, #tpu.memory_space<hbm>>
    %dma_wait3A_222 = arith.constant 0 : i32
    %dma_wait3A_223 = tpu.memref_slice %arg4[%dma_wait3A_222] : memref<13107200xf32, #tpu.memory_space<hbm>> -> memref<4096xf32, #tpu.memory_space<hbm>>
    %dma_wait3A_224 = arith.constant 0 : i32
    %dma_wait3A_225 = tpu.memref_slice %arg7[%dma_wait3A_216, %dma_wait3A_224] : memref<3x4096xf32, #tpu.memory_space<vmem>> -> memref<1x4096xf32, #tpu.memory_space<vmem>>
    %dma_wait3A_226 = tpu.memref_squeeze %dma_wait3A_225 : memref<1x4096xf32, #tpu.memory_space<vmem>> -> memref<4096xf32, #tpu.memory_space<vmem>>
    tpu.wait_dma2 semaphore(%arg10 : memref<!tpu.dma_semaphore, #tpu.memory_space<semaphore_mem>>) src(%dma_wait3A_226 : memref<4096xf32, #tpu.memory_space<vmem>>) dst(%dma_wait3A_223 : memref<4096xf32, #tpu.memory_space<hbm>>)
    %parallel_loop3A_227 = arith.constant 0 : i32
    %parallel_loop3A_228 = arith.constant 4096 : i32
    %parallel_loop3A_229 = arith.constant 16 : i32
    scf.for %parallel_loop3A_805 = %parallel_loop3A_227 to %parallel_loop3A_228 step %parallel_loop3A_229  : i32 {
      %parallel_loop3A_806 = arith.constant 1 : i32
      %parallel_loop3A_807 = arith.index_cast %parallel_loop3A_806 : i32 to index
      %parallel_loop3A_808 = arith.index_cast %parallel_loop3A_805 : i32 to index
      %parallel_loop3A_809 = tpu.vector_load %arg6[%parallel_loop3A_807, %parallel_loop3A_808] {strides = array<i32>} : memref<3x4096xi32, #tpu.memory_space<vmem>>, vector<16xi32>,
      %parallel_loop3A_810 = tpu.vector_load_idx %arg5[%parallel_loop3A_809] : memref<100000xf32, #tpu.memory_space<vmem>>[vector<16xi32>], vector<16xf32>,
      %parallel_loop3A_811 = arith.constant 1 : i32
      %parallel_loop3A_812 = arith.index_cast %parallel_loop3A_811 : i32 to index
      %parallel_loop3A_813 = arith.index_cast %parallel_loop3A_805 : i32 to index
      %parallel_loop3A_814 = tpu.vector_load %arg7[%parallel_loop3A_812, %parallel_loop3A_813] {strides = array<i32>} : memref<3x4096xf32, #tpu.memory_space<vmem>>, vector<16xf32>,
      tpu.vector_store %arg7[%parallel_loop3A_812, %parallel_loop3A_813], %parallel_loop3A_810 {strides = array<i32>} : memref<3x4096xf32, #tpu.memory_space<vmem>>, vector<16xf32>,
    } {sc.loop_unroll_factor = 8 : i64, sc.parallel_access}
    %add3A_230 = arith.constant 2944 : i32
    %add3A_231 = arith.addi %add3A_230, %add3A_4 : i32
    %mul3A_232 = arith.constant 4096 : i32
    %mul3A_233 = arith.muli %add3A_231, %mul3A_232 : i32
    %dma_start3A_234 = arith.constant 1 : i32
    %dma_start3A_235 = arith.constant 0 : i32
    %dma_start3A_236 = tpu.memref_slice %arg7[%dma_start3A_234, %dma_start3A_235] : memref<3x4096xf32, #tpu.memory_space<vmem>> -> memref<1x4096xf32, #tpu.memory_space<vmem>>
    %dma_start3A_237 = tpu.memref_squeeze %dma_start3A_236 : memref<1x4096xf32, #tpu.memory_space<vmem>> -> memref<4096xf32, #tpu.memory_space<vmem>>
    %dma_start3A_238 = tpu.memref_slice %arg4[%mul3A_233] : memref<13107200xf32, #tpu.memory_space<hbm>> -> memref<4096xf32, #tpu.memory_space<hbm>>
    %dma_start3A_239 = tpu.memref_slice %arg4[%mul3A_233] : memref<13107200xf32, #tpu.memory_space<hbm>> -> memref<4096xf32, #tpu.memory_space<hbm>>
    %dma_start3A_240 = arith.constant 0 : i32
    %dma_start3A_241 = tpu.memref_slice %arg7[%dma_start3A_234, %dma_start3A_240] : memref<3x4096xf32, #tpu.memory_space<vmem>> -> memref<1x4096xf32, #tpu.memory_space<vmem>>
    %dma_start3A_242 = tpu.memref_squeeze %dma_start3A_241 : memref<1x4096xf32, #tpu.memory_space<vmem>> -> memref<4096xf32, #tpu.memory_space<vmem>>
    tpu.enqueue_dma source(%dma_start3A_242 : memref<4096xf32, #tpu.memory_space<vmem>>) target(%dma_start3A_239 : memref<4096xf32, #tpu.memory_space<hbm>>) target_semaphore(%arg10 : memref<!tpu.dma_semaphore, #tpu.memory_space<semaphore_mem>>)
    %dma_start3A_243 = arith.constant 1 : i32
    %dma_start3A_244 = arith.constant 0 : i32
    %dma_start3A_245 = tpu.memref_slice %arg6[%dma_start3A_243, %dma_start3A_244] : memref<3x4096xi32, #tpu.memory_space<vmem>> -> memref<1x4096xi32, #tpu.memory_space<vmem>>
    %dma_start3A_246 = tpu.memref_squeeze %dma_start3A_245 : memref<1x4096xi32, #tpu.memory_space<vmem>> -> memref<4096xi32, #tpu.memory_space<vmem>>
    %dma_start3A_247 = arith.constant 200704 : i32
    %dma_start3A_248 = tpu.memref_slice %arg2[%dma_start3A_247] : memref<204800xi32, #tpu.memory_space<hbm>> -> memref<4096xi32, #tpu.memory_space<hbm>>
    %dma_start3A_249 = arith.constant 0 : i32
    %dma_start3A_250 = tpu.memref_slice %arg6[%dma_start3A_243, %dma_start3A_249] : memref<3x4096xi32, #tpu.memory_space<vmem>> -> memref<1x4096xi32, #tpu.memory_space<vmem>>
    %dma_start3A_251 = tpu.memref_squeeze %dma_start3A_250 : memref<1x4096xi32, #tpu.memory_space<vmem>> -> memref<4096xi32, #tpu.memory_space<vmem>>
    %dma_start3A_252 = arith.constant 200704 : i32
    %dma_start3A_253 = tpu.memref_slice %arg2[%dma_start3A_252] : memref<204800xi32, #tpu.memory_space<hbm>> -> memref<4096xi32, #tpu.memory_space<hbm>>
    tpu.enqueue_dma source(%dma_start3A_253 : memref<4096xi32, #tpu.memory_space<hbm>>) target(%dma_start3A_251 : memref<4096xi32, #tpu.memory_space<vmem>>) target_semaphore(%arg8 : memref<!tpu.dma_semaphore, #tpu.memory_space<semaphore_mem>>)
    %dma_wait3A_254 = arith.constant 2 : i32
    %dma_wait3A_255 = arith.constant 0 : i32
    %dma_wait3A_256 = tpu.memref_slice %arg6[%dma_wait3A_254, %dma_wait3A_255] : memref<3x4096xi32, #tpu.memory_space<vmem>> -> memref<1x4096xi32, #tpu.memory_space<vmem>>
    %dma_wait3A_257 = tpu.memref_squeeze %dma_wait3A_256 : memref<1x4096xi32, #tpu.memory_space<vmem>> -> memref<4096xi32, #tpu.memory_space<vmem>>
    %dma_wait3A_258 = arith.constant 0 : i32
    %dma_wait3A_259 = tpu.memref_slice %arg2[%dma_wait3A_258] : memref<204800xi32, #tpu.memory_space<hbm>> -> memref<4096xi32, #tpu.memory_space<hbm>>
    %dma_wait3A_260 = arith.constant 0 : i32
    %dma_wait3A_261 = tpu.memref_slice %arg6[%dma_wait3A_254, %dma_wait3A_260] : memref<3x4096xi32, #tpu.memory_space<vmem>> -> memref<1x4096xi32, #tpu.memory_space<vmem>>
    %dma_wait3A_262 = tpu.memref_squeeze %dma_wait3A_261 : memref<1x4096xi32, #tpu.memory_space<vmem>> -> memref<4096xi32, #tpu.memory_space<vmem>>
    %dma_wait3A_263 = arith.constant 0 : i32
    %dma_wait3A_264 = tpu.memref_slice %arg2[%dma_wait3A_263] : memref<204800xi32, #tpu.memory_space<hbm>> -> memref<4096xi32, #tpu.memory_space<hbm>>
    tpu.wait_dma2 semaphore(%arg8 : memref<!tpu.dma_semaphore, #tpu.memory_space<semaphore_mem>>) src(%dma_wait3A_264 : memref<4096xi32, #tpu.memory_space<hbm>>) dst(%dma_wait3A_262 : memref<4096xi32, #tpu.memory_space<vmem>>)
    %dma_wait3A_265 = arith.constant 2 : i32
    %dma_wait3A_266 = arith.constant 0 : i32
    %dma_wait3A_267 = tpu.memref_slice %arg7[%dma_wait3A_265, %dma_wait3A_266] : memref<3x4096xf32, #tpu.memory_space<vmem>> -> memref<1x4096xf32, #tpu.memory_space<vmem>>
    %dma_wait3A_268 = tpu.memref_squeeze %dma_wait3A_267 : memref<1x4096xf32, #tpu.memory_space<vmem>> -> memref<4096xf32, #tpu.memory_space<vmem>>
    %dma_wait3A_269 = arith.constant 0 : i32
    %dma_wait3A_270 = tpu.memref_slice %arg4[%dma_wait3A_269] : memref<13107200xf32, #tpu.memory_space<hbm>> -> memref<4096xf32, #tpu.memory_space<hbm>>
    %dma_wait3A_271 = arith.constant 0 : i32
    %dma_wait3A_272 = tpu.memref_slice %arg4[%dma_wait3A_271] : memref<13107200xf32, #tpu.memory_space<hbm>> -> memref<4096xf32, #tpu.memory_space<hbm>>
    %dma_wait3A_273 = arith.constant 0 : i32
    %dma_wait3A_274 = tpu.memref_slice %arg7[%dma_wait3A_265, %dma_wait3A_273] : memref<3x4096xf32, #tpu.memory_space<vmem>> -> memref<1x4096xf32, #tpu.memory_space<vmem>>
    %dma_wait3A_275 = tpu.memref_squeeze %dma_wait3A_274 : memref<1x4096xf32, #tpu.memory_space<vmem>> -> memref<4096xf32, #tpu.memory_space<vmem>>
    tpu.wait_dma2 semaphore(%arg11 : memref<!tpu.dma_semaphore, #tpu.memory_space<semaphore_mem>>) src(%dma_wait3A_275 : memref<4096xf32, #tpu.memory_space<vmem>>) dst(%dma_wait3A_272 : memref<4096xf32, #tpu.memory_space<hbm>>)
    %parallel_loop3A_276 = arith.constant 0 : i32
    %parallel_loop3A_277 = arith.constant 4096 : i32
    %parallel_loop3A_278 = arith.constant 16 : i32
    scf.for %parallel_loop3A_805 = %parallel_loop3A_276 to %parallel_loop3A_277 step %parallel_loop3A_278  : i32 {
      %parallel_loop3A_806 = arith.constant 2 : i32
      %parallel_loop3A_807 = arith.index_cast %parallel_loop3A_806 : i32 to index
      %parallel_loop3A_808 = arith.index_cast %parallel_loop3A_805 : i32 to index
      %parallel_loop3A_809 = tpu.vector_load %arg6[%parallel_loop3A_807, %parallel_loop3A_808] {strides = array<i32>} : memref<3x4096xi32, #tpu.memory_space<vmem>>, vector<16xi32>,
      %parallel_loop3A_810 = tpu.vector_load_idx %arg5[%parallel_loop3A_809] : memref<100000xf32, #tpu.memory_space<vmem>>[vector<16xi32>], vector<16xf32>,
      %parallel_loop3A_811 = arith.constant 2 : i32
      %parallel_loop3A_812 = arith.index_cast %parallel_loop3A_811 : i32 to index
      %parallel_loop3A_813 = arith.index_cast %parallel_loop3A_805 : i32 to index
      %parallel_loop3A_814 = tpu.vector_load %arg7[%parallel_loop3A_812, %parallel_loop3A_813] {strides = array<i32>} : memref<3x4096xf32, #tpu.memory_space<vmem>>, vector<16xf32>,
      tpu.vector_store %arg7[%parallel_loop3A_812, %parallel_loop3A_813], %parallel_loop3A_810 {strides = array<i32>} : memref<3x4096xf32, #tpu.memory_space<vmem>>, vector<16xf32>,
    } {sc.loop_unroll_factor = 8 : i64, sc.parallel_access}
    %add3A_279 = arith.constant 3008 : i32
    %add3A_280 = arith.addi %add3A_279, %add3A_4 : i32
    %mul3A_281 = arith.constant 4096 : i32
    %mul3A_282 = arith.muli %add3A_280, %mul3A_281 : i32
    %dma_start3A_283 = arith.constant 2 : i32
    %dma_start3A_284 = arith.constant 0 : i32
    %dma_start3A_285 = tpu.memref_slice %arg7[%dma_start3A_283, %dma_start3A_284] : memref<3x4096xf32, #tpu.memory_space<vmem>> -> memref<1x4096xf32, #tpu.memory_space<vmem>>
    %dma_start3A_286 = tpu.memref_squeeze %dma_start3A_285 : memref<1x4096xf32, #tpu.memory_space<vmem>> -> memref<4096xf32, #tpu.memory_space<vmem>>
    %dma_start3A_287 = tpu.memref_slice %arg4[%mul3A_282] : memref<13107200xf32, #tpu.memory_space<hbm>> -> memref<4096xf32, #tpu.memory_space<hbm>>
    %dma_start3A_288 = tpu.memref_slice %arg4[%mul3A_282] : memref<13107200xf32, #tpu.memory_space<hbm>> -> memref<4096xf32, #tpu.memory_space<hbm>>
    %dma_start3A_289 = arith.constant 0 : i32
    %dma_start3A_290 = tpu.memref_slice %arg7[%dma_start3A_283, %dma_start3A_289] : memref<3x4096xf32, #tpu.memory_space<vmem>> -> memref<1x4096xf32, #tpu.memory_space<vmem>>
    %dma_start3A_291 = tpu.memref_squeeze %dma_start3A_290 : memref<1x4096xf32, #tpu.memory_space<vmem>> -> memref<4096xf32, #tpu.memory_space<vmem>>
    tpu.enqueue_dma source(%dma_start3A_291 : memref<4096xf32, #tpu.memory_space<vmem>>) target(%dma_start3A_288 : memref<4096xf32, #tpu.memory_space<hbm>>) target_semaphore(%arg11 : memref<!tpu.dma_semaphore, #tpu.memory_space<semaphore_mem>>)
    %dma_wait3A_292 = arith.constant 0 : i32
    %dma_wait3A_293 = arith.constant 0 : i32
    %dma_wait3A_294 = tpu.memref_slice %arg6[%dma_wait3A_292, %dma_wait3A_293] : memref<3x4096xi32, #tpu.memory_space<vmem>> -> memref<1x4096xi32, #tpu.memory_space<vmem>>
    %dma_wait3A_295 = tpu.memref_squeeze %dma_wait3A_294 : memref<1x4096xi32, #tpu.memory_space<vmem>> -> memref<4096xi32, #tpu.memory_space<vmem>>
    %dma_wait3A_296 = arith.constant 0 : i32
    %dma_wait3A_297 = tpu.memref_slice %arg2[%dma_wait3A_296] : memref<204800xi32, #tpu.memory_space<hbm>> -> memref<4096xi32, #tpu.memory_space<hbm>>
    %dma_wait3A_298 = arith.constant 0 : i32
    %dma_wait3A_299 = tpu.memref_slice %arg6[%dma_wait3A_292, %dma_wait3A_298] : memref<3x4096xi32, #tpu.memory_space<vmem>> -> memref<1x4096xi32, #tpu.memory_space<vmem>>
    %dma_wait3A_300 = tpu.memref_squeeze %dma_wait3A_299 : memref<1x4096xi32, #tpu.memory_space<vmem>> -> memref<4096xi32, #tpu.memory_space<vmem>>
    %dma_wait3A_301 = arith.constant 0 : i32
    %dma_wait3A_302 = tpu.memref_slice %arg2[%dma_wait3A_301] : memref<204800xi32, #tpu.memory_space<hbm>> -> memref<4096xi32, #tpu.memory_space<hbm>>
    tpu.wait_dma2 semaphore(%arg8 : memref<!tpu.dma_semaphore, #tpu.memory_space<semaphore_mem>>) src(%dma_wait3A_302 : memref<4096xi32, #tpu.memory_space<hbm>>) dst(%dma_wait3A_300 : memref<4096xi32, #tpu.memory_space<vmem>>)
    %dma_wait3A_303 = arith.constant 0 : i32
    %dma_wait3A_304 = arith.constant 0 : i32
    %dma_wait3A_305 = tpu.memref_slice %arg7[%dma_wait3A_303, %dma_wait3A_304] : memref<3x4096xf32, #tpu.memory_space<vmem>> -> memref<1x4096xf32, #tpu.memory_space<vmem>>
    %dma_wait3A_306 = tpu.memref_squeeze %dma_wait3A_305 : memref<1x4096xf32, #tpu.memory_space<vmem>> -> memref<4096xf32, #tpu.memory_space<vmem>>
    %dma_wait3A_307 = arith.constant 0 : i32
    %dma_wait3A_308 = tpu.memref_slice %arg4[%dma_wait3A_307] : memref<13107200xf32, #tpu.memory_space<hbm>> -> memref<4096xf32, #tpu.memory_space<hbm>>
    %dma_wait3A_309 = arith.constant 0 : i32
    %dma_wait3A_310 = tpu.memref_slice %arg4[%dma_wait3A_309] : memref<13107200xf32, #tpu.memory_space<hbm>> -> memref<4096xf32, #tpu.memory_space<hbm>>
    %dma_wait3A_311 = arith.constant 0 : i32
    %dma_wait3A_312 = tpu.memref_slice %arg7[%dma_wait3A_303, %dma_wait3A_311] : memref<3x4096xf32, #tpu.memory_space<vmem>> -> memref<1x4096xf32, #tpu.memory_space<vmem>>
    %dma_wait3A_313 = tpu.memref_squeeze %dma_wait3A_312 : memref<1x4096xf32, #tpu.memory_space<vmem>> -> memref<4096xf32, #tpu.memory_space<vmem>>
    tpu.wait_dma2 semaphore(%arg9 : memref<!tpu.dma_semaphore, #tpu.memory_space<semaphore_mem>>) src(%dma_wait3A_313 : memref<4096xf32, #tpu.memory_space<vmem>>) dst(%dma_wait3A_310 : memref<4096xf32, #tpu.memory_space<hbm>>)
    %parallel_loop3A_314 = arith.constant 0 : i32
    %parallel_loop3A_315 = arith.constant 4096 : i32
    %parallel_loop3A_316 = arith.constant 16 : i32
    scf.for %parallel_loop3A_805 = %parallel_loop3A_314 to %parallel_loop3A_315 step %parallel_loop3A_316  : i32 {
      %parallel_loop3A_806 = arith.constant 0 : i32
      %parallel_loop3A_807 = arith.index_cast %parallel_loop3A_806 : i32 to index
      %parallel_loop3A_808 = arith.index_cast %parallel_loop3A_805 : i32 to index
      %parallel_loop3A_809 = tpu.vector_load %arg6[%parallel_loop3A_807, %parallel_loop3A_808] {strides = array<i32>} : memref<3x4096xi32, #tpu.memory_space<vmem>>, vector<16xi32>,
      %parallel_loop3A_810 = tpu.vector_load_idx %arg5[%parallel_loop3A_809] : memref<100000xf32, #tpu.memory_space<vmem>>[vector<16xi32>], vector<16xf32>,
      %parallel_loop3A_811 = arith.constant 0 : i32
      %parallel_loop3A_812 = arith.index_cast %parallel_loop3A_811 : i32 to index
      %parallel_loop3A_813 = arith.index_cast %parallel_loop3A_805 : i32 to index
      %parallel_loop3A_814 = tpu.vector_load %arg7[%parallel_loop3A_812, %parallel_loop3A_813] {strides = array<i32>} : memref<3x4096xf32, #tpu.memory_space<vmem>>, vector<16xf32>,
      tpu.vector_store %arg7[%parallel_loop3A_812, %parallel_loop3A_813], %parallel_loop3A_810 {strides = array<i32>} : memref<3x4096xf32, #tpu.memory_space<vmem>>, vector<16xf32>,
    } {sc.loop_unroll_factor = 8 : i64, sc.parallel_access}
    %add3A_317 = arith.constant 3072 : i32
    %add3A_318 = arith.addi %add3A_317, %add3A_4 : i32
    %mul3A_319 = arith.constant 4096 : i32
    %mul3A_320 = arith.muli %add3A_318, %mul3A_319 : i32
    %dma_start3A_321 = arith.constant 0 : i32
    %dma_start3A_322 = arith.constant 0 : i32
    %dma_start3A_323 = tpu.memref_slice %arg7[%dma_start3A_321, %dma_start3A_322] : memref<3x4096xf32, #tpu.memory_space<vmem>> -> memref<1x4096xf32, #tpu.memory_space<vmem>>
    %dma_start3A_324 = tpu.memref_squeeze %dma_start3A_323 : memref<1x4096xf32, #tpu.memory_space<vmem>> -> memref<4096xf32, #tpu.memory_space<vmem>>
    %dma_start3A_325 = tpu.memref_slice %arg4[%mul3A_320] : memref<13107200xf32, #tpu.memory_space<hbm>> -> memref<4096xf32, #tpu.memory_space<hbm>>
    %dma_start3A_326 = tpu.memref_slice %arg4[%mul3A_320] : memref<13107200xf32, #tpu.memory_space<hbm>> -> memref<4096xf32, #tpu.memory_space<hbm>>
    %dma_start3A_327 = arith.constant 0 : i32
    %dma_start3A_328 = tpu.memref_slice %arg7[%dma_start3A_321, %dma_start3A_327] : memref<3x4096xf32, #tpu.memory_space<vmem>> -> memref<1x4096xf32, #tpu.memory_space<vmem>>
    %dma_start3A_329 = tpu.memref_squeeze %dma_start3A_328 : memref<1x4096xf32, #tpu.memory_space<vmem>> -> memref<4096xf32, #tpu.memory_space<vmem>>
    tpu.enqueue_dma source(%dma_start3A_329 : memref<4096xf32, #tpu.memory_space<vmem>>) target(%dma_start3A_326 : memref<4096xf32, #tpu.memory_space<hbm>>) target_semaphore(%arg9 : memref<!tpu.dma_semaphore, #tpu.memory_space<semaphore_mem>>)
    %dma_wait3A_330 = arith.constant 1 : i32
    %dma_wait3A_331 = arith.constant 0 : i32
    %dma_wait3A_332 = tpu.memref_slice %arg6[%dma_wait3A_330, %dma_wait3A_331] : memref<3x4096xi32, #tpu.memory_space<vmem>> -> memref<1x4096xi32, #tpu.memory_space<vmem>>
    %dma_wait3A_333 = tpu.memref_squeeze %dma_wait3A_332 : memref<1x4096xi32, #tpu.memory_space<vmem>> -> memref<4096xi32, #tpu.memory_space<vmem>>
    %dma_wait3A_334 = arith.constant 0 : i32
    %dma_wait3A_335 = tpu.memref_slice %arg2[%dma_wait3A_334] : memref<204800xi32, #tpu.memory_space<hbm>> -> memref<4096xi32, #tpu.memory_space<hbm>>
    %dma_wait3A_336 = arith.constant 0 : i32
    %dma_wait3A_337 = tpu.memref_slice %arg6[%dma_wait3A_330, %dma_wait3A_336] : memref<3x4096xi32, #tpu.memory_space<vmem>> -> memref<1x4096xi32, #tpu.memory_space<vmem>>
    %dma_wait3A_338 = tpu.memref_squeeze %dma_wait3A_337 : memref<1x4096xi32, #tpu.memory_space<vmem>> -> memref<4096xi32, #tpu.memory_space<vmem>>
    %dma_wait3A_339 = arith.constant 0 : i32
    %dma_wait3A_340 = tpu.memref_slice %arg2[%dma_wait3A_339] : memref<204800xi32, #tpu.memory_space<hbm>> -> memref<4096xi32, #tpu.memory_space<hbm>>
    tpu.wait_dma2 semaphore(%arg8 : memref<!tpu.dma_semaphore, #tpu.memory_space<semaphore_mem>>) src(%dma_wait3A_340 : memref<4096xi32, #tpu.memory_space<hbm>>) dst(%dma_wait3A_338 : memref<4096xi32, #tpu.memory_space<vmem>>)
    %dma_wait3A_341 = arith.constant 1 : i32
    %dma_wait3A_342 = arith.constant 0 : i32
    %dma_wait3A_343 = tpu.memref_slice %arg7[%dma_wait3A_341, %dma_wait3A_342] : memref<3x4096xf32, #tpu.memory_space<vmem>> -> memref<1x4096xf32, #tpu.memory_space<vmem>>
    %dma_wait3A_344 = tpu.memref_squeeze %dma_wait3A_343 : memref<1x4096xf32, #tpu.memory_space<vmem>> -> memref<4096xf32, #tpu.memory_space<vmem>>
    %dma_wait3A_345 = arith.constant 0 : i32
    %dma_wait3A_346 = tpu.memref_slice %arg4[%dma_wait3A_345] : memref<13107200xf32, #tpu.memory_space<hbm>> -> memref<4096xf32, #tpu.memory_space<hbm>>
    %dma_wait3A_347 = arith.constant 0 : i32
    %dma_wait3A_348 = tpu.memref_slice %arg4[%dma_wait3A_347] : memref<13107200xf32, #tpu.memory_space<hbm>> -> memref<4096xf32, #tpu.memory_space<hbm>>
    %dma_wait3A_349 = arith.constant 0 : i32
    %dma_wait3A_350 = tpu.memref_slice %arg7[%dma_wait3A_341, %dma_wait3A_349] : memref<3x4096xf32, #tpu.memory_space<vmem>> -> memref<1x4096xf32, #tpu.memory_space<vmem>>
    %dma_wait3A_351 = tpu.memref_squeeze %dma_wait3A_350 : memref<1x4096xf32, #tpu.memory_space<vmem>> -> memref<4096xf32, #tpu.memory_space<vmem>>
    tpu.wait_dma2 semaphore(%arg10 : memref<!tpu.dma_semaphore, #tpu.memory_space<semaphore_mem>>) src(%dma_wait3A_351 : memref<4096xf32, #tpu.memory_space<vmem>>) dst(%dma_wait3A_348 : memref<4096xf32, #tpu.memory_space<hbm>>)
    %parallel_loop3A_352 = arith.constant 0 : i32
    %parallel_loop3A_353 = arith.constant 4096 : i32
    %parallel_loop3A_354 = arith.constant 16 : i32
    scf.for %parallel_loop3A_805 = %parallel_loop3A_352 to %parallel_loop3A_353 step %parallel_loop3A_354  : i32 {
      %parallel_loop3A_806 = arith.constant 1 : i32
      %parallel_loop3A_807 = arith.index_cast %parallel_loop3A_806 : i32 to index
      %parallel_loop3A_808 = arith.index_cast %parallel_loop3A_805 : i32 to index
      %parallel_loop3A_809 = tpu.vector_load %arg6[%parallel_loop3A_807, %parallel_loop3A_808] {strides = array<i32>} : memref<3x4096xi32, #tpu.memory_space<vmem>>, vector<16xi32>,
      %parallel_loop3A_810 = tpu.vector_load_idx %arg5[%parallel_loop3A_809] : memref<100000xf32, #tpu.memory_space<vmem>>[vector<16xi32>], vector<16xf32>,
      %parallel_loop3A_811 = arith.constant 1 : i32
      %parallel_loop3A_812 = arith.index_cast %parallel_loop3A_811 : i32 to index
      %parallel_loop3A_813 = arith.index_cast %parallel_loop3A_805 : i32 to index
      %parallel_loop3A_814 = tpu.vector_load %arg7[%parallel_loop3A_812, %parallel_loop3A_813] {strides = array<i32>} : memref<3x4096xf32, #tpu.memory_space<vmem>>, vector<16xf32>,
      tpu.vector_store %arg7[%parallel_loop3A_812, %parallel_loop3A_813], %parallel_loop3A_810 {strides = array<i32>} : memref<3x4096xf32, #tpu.memory_space<vmem>>, vector<16xf32>,
    } {sc.loop_unroll_factor = 8 : i64, sc.parallel_access}
    %add3A_355 = arith.constant 3136 : i32
    %add3A_356 = arith.addi %add3A_355, %add3A_4 : i32
    %mul3A_357 = arith.constant 4096 : i32
    %mul3A_358 = arith.muli %add3A_356, %mul3A_357 : i32
    %dma_start3A_359 = arith.constant 1 : i32
    %dma_start3A_360 = arith.constant 0 : i32
    %dma_start3A_361 = tpu.memref_slice %arg7[%dma_start3A_359, %dma_start3A_360] : memref<3x4096xf32, #tpu.memory_space<vmem>> -> memref<1x4096xf32, #tpu.memory_space<vmem>>
    %dma_start3A_362 = tpu.memref_squeeze %dma_start3A_361 : memref<1x4096xf32, #tpu.memory_space<vmem>> -> memref<4096xf32, #tpu.memory_space<vmem>>
    %dma_start3A_363 = tpu.memref_slice %arg4[%mul3A_358] : memref<13107200xf32, #tpu.memory_space<hbm>> -> memref<4096xf32, #tpu.memory_space<hbm>>
    %dma_start3A_364 = tpu.memref_slice %arg4[%mul3A_358] : memref<13107200xf32, #tpu.memory_space<hbm>> -> memref<4096xf32, #tpu.memory_space<hbm>>
    %dma_start3A_365 = arith.constant 0 : i32
    %dma_start3A_366 = tpu.memref_slice %arg7[%dma_start3A_359, %dma_start3A_365] : memref<3x4096xf32, #tpu.memory_space<vmem>> -> memref<1x4096xf32, #tpu.memory_space<vmem>>
    %dma_start3A_367 = tpu.memref_squeeze %dma_start3A_366 : memref<1x4096xf32, #tpu.memory_space<vmem>> -> memref<4096xf32, #tpu.memory_space<vmem>>
    tpu.enqueue_dma source(%dma_start3A_367 : memref<4096xf32, #tpu.memory_space<vmem>>) target(%dma_start3A_364 : memref<4096xf32, #tpu.memory_space<hbm>>) target_semaphore(%arg10 : memref<!tpu.dma_semaphore, #tpu.memory_space<semaphore_mem>>)
    %dma_wait3A_368 = arith.constant 2 : i32
    %dma_wait3A_369 = arith.constant 0 : i32
    %dma_wait3A_370 = tpu.memref_slice %arg7[%dma_wait3A_368, %dma_wait3A_369] : memref<3x4096xf32, #tpu.memory_space<vmem>> -> memref<1x4096xf32, #tpu.memory_space<vmem>>
    %dma_wait3A_371 = tpu.memref_squeeze %dma_wait3A_370 : memref<1x4096xf32, #tpu.memory_space<vmem>> -> memref<4096xf32, #tpu.memory_space<vmem>>
    %dma_wait3A_372 = arith.constant 0 : i32
    %dma_wait3A_373 = tpu.memref_slice %arg4[%dma_wait3A_372] : memref<13107200xf32, #tpu.memory_space<hbm>> -> memref<4096xf32, #tpu.memory_space<hbm>>
    %dma_wait3A_374 = arith.constant 0 : i32
    %dma_wait3A_375 = tpu.memref_slice %arg4[%dma_wait3A_374] : memref<13107200xf32, #tpu.memory_space<hbm>> -> memref<4096xf32, #tpu.memory_space<hbm>>
    %dma_wait3A_376 = arith.constant 0 : i32
    %dma_wait3A_377 = tpu.memref_slice %arg7[%dma_wait3A_368, %dma_wait3A_376] : memref<3x4096xf32, #tpu.memory_space<vmem>> -> memref<1x4096xf32, #tpu.memory_space<vmem>>
    %dma_wait3A_378 = tpu.memref_squeeze %dma_wait3A_377 : memref<1x4096xf32, #tpu.memory_space<vmem>> -> memref<4096xf32, #tpu.memory_space<vmem>>
    tpu.wait_dma2 semaphore(%arg11 : memref<!tpu.dma_semaphore, #tpu.memory_space<semaphore_mem>>) src(%dma_wait3A_378 : memref<4096xf32, #tpu.memory_space<vmem>>) dst(%dma_wait3A_375 : memref<4096xf32, #tpu.memory_space<hbm>>)
    %dma_wait3A_379 = arith.constant 0 : i32
    %dma_wait3A_380 = arith.constant 0 : i32
    %dma_wait3A_381 = tpu.memref_slice %arg7[%dma_wait3A_379, %dma_wait3A_380] : memref<3x4096xf32, #tpu.memory_space<vmem>> -> memref<1x4096xf32, #tpu.memory_space<vmem>>
    %dma_wait3A_382 = tpu.memref_squeeze %dma_wait3A_381 : memref<1x4096xf32, #tpu.memory_space<vmem>> -> memref<4096xf32, #tpu.memory_space<vmem>>
    %dma_wait3A_383 = arith.constant 0 : i32
    %dma_wait3A_384 = tpu.memref_slice %arg4[%dma_wait3A_383] : memref<13107200xf32, #tpu.memory_space<hbm>> -> memref<4096xf32, #tpu.memory_space<hbm>>
    %dma_wait3A_385 = arith.constant 0 : i32
    %dma_wait3A_386 = tpu.memref_slice %arg4[%dma_wait3A_385] : memref<13107200xf32, #tpu.memory_space<hbm>> -> memref<4096xf32, #tpu.memory_space<hbm>>
    %dma_wait3A_387 = arith.constant 0 : i32
    %dma_wait3A_388 = tpu.memref_slice %arg7[%dma_wait3A_379, %dma_wait3A_387] : memref<3x4096xf32, #tpu.memory_space<vmem>> -> memref<1x4096xf32, #tpu.memory_space<vmem>>
    %dma_wait3A_389 = tpu.memref_squeeze %dma_wait3A_388 : memref<1x4096xf32, #tpu.memory_space<vmem>> -> memref<4096xf32, #tpu.memory_space<vmem>>
    tpu.wait_dma2 semaphore(%arg9 : memref<!tpu.dma_semaphore, #tpu.memory_space<semaphore_mem>>) src(%dma_wait3A_389 : memref<4096xf32, #tpu.memory_space<vmem>>) dst(%dma_wait3A_386 : memref<4096xf32, #tpu.memory_space<hbm>>)
    %dma_wait3A_390 = arith.constant 1 : i32
    %dma_wait3A_391 = arith.constant 0 : i32
    %dma_wait3A_392 = tpu.memref_slice %arg7[%dma_wait3A_390, %dma_wait3A_391] : memref<3x4096xf32, #tpu.memory_space<vmem>> -> memref<1x4096xf32, #tpu.memory_space<vmem>>
    %dma_wait3A_393 = tpu.memref_squeeze %dma_wait3A_392 : memref<1x4096xf32, #tpu.memory_space<vmem>> -> memref<4096xf32, #tpu.memory_space<vmem>>
    %dma_wait3A_394 = arith.constant 0 : i32
    %dma_wait3A_395 = tpu.memref_slice %arg4[%dma_wait3A_394] : memref<13107200xf32, #tpu.memory_space<hbm>> -> memref<4096xf32, #tpu.memory_space<hbm>>
    %dma_wait3A_396 = arith.constant 0 : i32
    %dma_wait3A_397 = tpu.memref_slice %arg4[%dma_wait3A_396] : memref<13107200xf32, #tpu.memory_space<hbm>> -> memref<4096xf32, #tpu.memory_space<hbm>>
    %dma_wait3A_398 = arith.constant 0 : i32
    %dma_wait3A_399 = tpu.memref_slice %arg7[%dma_wait3A_390, %dma_wait3A_398] : memref<3x4096xf32, #tpu.memory_space<vmem>> -> memref<1x4096xf32, #tpu.memory_space<vmem>>
    %dma_wait3A_400 = tpu.memref_squeeze %dma_wait3A_399 : memref<1x4096xf32, #tpu.memory_space<vmem>> -> memref<4096xf32, #tpu.memory_space<vmem>>
    tpu.wait_dma2 semaphore(%arg10 : memref<!tpu.dma_semaphore, #tpu.memory_space<semaphore_mem>>) src(%dma_wait3A_400 : memref<4096xf32, #tpu.memory_space<vmem>>) dst(%dma_wait3A_397 : memref<4096xf32, #tpu.memory_space<hbm>>)
    %mul3A_401 = arith.constant 2 : i32
    %mul3A_402 = arith.muli %add3A, %mul3A_401 : i32
    %add3A_403 = arith.constant 1 : i32
    %add3A_404 = arith.addi %mul3A_402, %add3A_403 : i32
    %mul3A_405 = arith.constant 100000 : i32
    %mul3A_406 = arith.muli %add3A_404, %mul3A_405 : i32
    "tpu.region"() ({
      %run_scoped3A = tpu.sem_alloc : memref<!tpu.dma_semaphore, #tpu.memory_space<semaphore_mem>>
      %dma_start3A_805 = tpu.memref_slice %arg3[%mul3A_406] : memref<6400000xf32, #tpu.memory_space<hbm>> -> memref<100000xf32, #tpu.memory_space<hbm>>
      %dma_start3A_806 = tpu.memref_slice %arg3[%mul3A_406] : memref<6400000xf32, #tpu.memory_space<hbm>> -> memref<100000xf32, #tpu.memory_space<hbm>>
      tpu.enqueue_dma source(%dma_start3A_806 : memref<100000xf32, #tpu.memory_space<hbm>>) target(%arg5 : memref<100000xf32, #tpu.memory_space<vmem>>) target_semaphore(%run_scoped3A : memref<!tpu.dma_semaphore, #tpu.memory_space<semaphore_mem>>)
      %dma_wait3A_807 = tpu.memref_slice %arg3[%mul3A_406] : memref<6400000xf32, #tpu.memory_space<hbm>> -> memref<100000xf32, #tpu.memory_space<hbm>>
      %dma_wait3A_808 = tpu.memref_slice %arg3[%mul3A_406] : memref<6400000xf32, #tpu.memory_space<hbm>> -> memref<100000xf32, #tpu.memory_space<hbm>>
      tpu.wait_dma2 semaphore(%run_scoped3A : memref<!tpu.dma_semaphore, #tpu.memory_space<semaphore_mem>>) src(%dma_wait3A_808 : memref<100000xf32, #tpu.memory_space<hbm>>) dst(%arg5 : memref<100000xf32, #tpu.memory_space<vmem>>)
      tpu.yield
    }) : () -> ()
    %dma_start3A_407 = arith.constant 0 : i32
    %dma_start3A_408 = arith.constant 0 : i32
    %dma_start3A_409 = tpu.memref_slice %arg6[%dma_start3A_407, %dma_start3A_408] : memref<3x4096xi32, #tpu.memory_space<vmem>> -> memref<1x4096xi32, #tpu.memory_space<vmem>>
    %dma_start3A_410 = tpu.memref_squeeze %dma_start3A_409 : memref<1x4096xi32, #tpu.memory_space<vmem>> -> memref<4096xi32, #tpu.memory_space<vmem>>
    %dma_start3A_411 = arith.constant 0 : i32
    %dma_start3A_412 = tpu.memref_slice %arg2[%dma_start3A_411] : memref<204800xi32, #tpu.memory_space<hbm>> -> memref<4096xi32, #tpu.memory_space<hbm>>
    %dma_start3A_413 = arith.constant 0 : i32
    %dma_start3A_414 = tpu.memref_slice %arg6[%dma_start3A_407, %dma_start3A_413] : memref<3x4096xi32, #tpu.memory_space<vmem>> -> memref<1x4096xi32, #tpu.memory_space<vmem>>
    %dma_start3A_415 = tpu.memref_squeeze %dma_start3A_414 : memref<1x4096xi32, #tpu.memory_space<vmem>> -> memref<4096xi32, #tpu.memory_space<vmem>>
    %dma_start3A_416 = arith.constant 0 : i32
    %dma_start3A_417 = tpu.memref_slice %arg2[%dma_start3A_416] : memref<204800xi32, #tpu.memory_space<hbm>> -> memref<4096xi32, #tpu.memory_space<hbm>>
    tpu.enqueue_dma source(%dma_start3A_417 : memref<4096xi32, #tpu.memory_space<hbm>>) target(%dma_start3A_415 : memref<4096xi32, #tpu.memory_space<vmem>>) target_semaphore(%arg8 : memref<!tpu.dma_semaphore, #tpu.memory_space<semaphore_mem>>)
    %dma_start3A_418 = arith.constant 1 : i32
    %dma_start3A_419 = arith.constant 0 : i32
    %dma_start3A_420 = tpu.memref_slice %arg6[%dma_start3A_418, %dma_start3A_419] : memref<3x4096xi32, #tpu.memory_space<vmem>> -> memref<1x4096xi32, #tpu.memory_space<vmem>>
    %dma_start3A_421 = tpu.memref_squeeze %dma_start3A_420 : memref<1x4096xi32, #tpu.memory_space<vmem>> -> memref<4096xi32, #tpu.memory_space<vmem>>
    %dma_start3A_422 = arith.constant 4096 : i32
    %dma_start3A_423 = tpu.memref_slice %arg2[%dma_start3A_422] : memref<204800xi32, #tpu.memory_space<hbm>> -> memref<4096xi32, #tpu.memory_space<hbm>>
    %dma_start3A_424 = arith.constant 0 : i32
    %dma_start3A_425 = tpu.memref_slice %arg6[%dma_start3A_418, %dma_start3A_424] : memref<3x4096xi32, #tpu.memory_space<vmem>> -> memref<1x4096xi32, #tpu.memory_space<vmem>>
    %dma_start3A_426 = tpu.memref_squeeze %dma_start3A_425 : memref<1x4096xi32, #tpu.memory_space<vmem>> -> memref<4096xi32, #tpu.memory_space<vmem>>
    %dma_start3A_427 = arith.constant 4096 : i32
    %dma_start3A_428 = tpu.memref_slice %arg2[%dma_start3A_427] : memref<204800xi32, #tpu.memory_space<hbm>> -> memref<4096xi32, #tpu.memory_space<hbm>>
    tpu.enqueue_dma source(%dma_start3A_428 : memref<4096xi32, #tpu.memory_space<hbm>>) target(%dma_start3A_426 : memref<4096xi32, #tpu.memory_space<vmem>>) target_semaphore(%arg8 : memref<!tpu.dma_semaphore, #tpu.memory_space<semaphore_mem>>)
    %dma_start3A_429 = arith.constant 2 : i32
    %dma_start3A_430 = arith.constant 0 : i32
    %dma_start3A_431 = tpu.memref_slice %arg6[%dma_start3A_429, %dma_start3A_430] : memref<3x4096xi32, #tpu.memory_space<vmem>> -> memref<1x4096xi32, #tpu.memory_space<vmem>>
    %dma_start3A_432 = tpu.memref_squeeze %dma_start3A_431 : memref<1x4096xi32, #tpu.memory_space<vmem>> -> memref<4096xi32, #tpu.memory_space<vmem>>
    %dma_start3A_433 = arith.constant 8192 : i32
    %dma_start3A_434 = tpu.memref_slice %arg2[%dma_start3A_433] : memref<204800xi32, #tpu.memory_space<hbm>> -> memref<4096xi32, #tpu.memory_space<hbm>>
    %dma_start3A_435 = arith.constant 0 : i32
    %dma_start3A_436 = tpu.memref_slice %arg6[%dma_start3A_429, %dma_start3A_435] : memref<3x4096xi32, #tpu.memory_space<vmem>> -> memref<1x4096xi32, #tpu.memory_space<vmem>>
    %dma_start3A_437 = tpu.memref_squeeze %dma_start3A_436 : memref<1x4096xi32, #tpu.memory_space<vmem>> -> memref<4096xi32, #tpu.memory_space<vmem>>
    %dma_start3A_438 = arith.constant 8192 : i32
    %dma_start3A_439 = tpu.memref_slice %arg2[%dma_start3A_438] : memref<204800xi32, #tpu.memory_space<hbm>> -> memref<4096xi32, #tpu.memory_space<hbm>>
    tpu.enqueue_dma source(%dma_start3A_439 : memref<4096xi32, #tpu.memory_space<hbm>>) target(%dma_start3A_437 : memref<4096xi32, #tpu.memory_space<vmem>>) target_semaphore(%arg8 : memref<!tpu.dma_semaphore, #tpu.memory_space<semaphore_mem>>)
    %dma_wait3A_440 = arith.constant 0 : i32
    %dma_wait3A_441 = arith.constant 0 : i32
    %dma_wait3A_442 = tpu.memref_slice %arg6[%dma_wait3A_440, %dma_wait3A_441] : memref<3x4096xi32, #tpu.memory_space<vmem>> -> memref<1x4096xi32, #tpu.memory_space<vmem>>
    %dma_wait3A_443 = tpu.memref_squeeze %dma_wait3A_442 : memref<1x4096xi32, #tpu.memory_space<vmem>> -> memref<4096xi32, #tpu.memory_space<vmem>>
    %dma_wait3A_444 = arith.constant 0 : i32
    %dma_wait3A_445 = tpu.memref_slice %arg2[%dma_wait3A_444] : memref<204800xi32, #tpu.memory_space<hbm>> -> memref<4096xi32, #tpu.memory_space<hbm>>
    %dma_wait3A_446 = arith.constant 0 : i32
    %dma_wait3A_447 = tpu.memref_slice %arg6[%dma_wait3A_440, %dma_wait3A_446] : memref<3x4096xi32, #tpu.memory_space<vmem>> -> memref<1x4096xi32, #tpu.memory_space<vmem>>
    %dma_wait3A_448 = tpu.memref_squeeze %dma_wait3A_447 : memref<1x4096xi32, #tpu.memory_space<vmem>> -> memref<4096xi32, #tpu.memory_space<vmem>>
    %dma_wait3A_449 = arith.constant 0 : i32
    %dma_wait3A_450 = tpu.memref_slice %arg2[%dma_wait3A_449] : memref<204800xi32, #tpu.memory_space<hbm>> -> memref<4096xi32, #tpu.memory_space<hbm>>
    tpu.wait_dma2 semaphore(%arg8 : memref<!tpu.dma_semaphore, #tpu.memory_space<semaphore_mem>>) src(%dma_wait3A_450 : memref<4096xi32, #tpu.memory_space<hbm>>) dst(%dma_wait3A_448 : memref<4096xi32, #tpu.memory_space<vmem>>)
    %parallel_loop3A_451 = arith.constant 0 : i32
    %parallel_loop3A_452 = arith.constant 4096 : i32
    %parallel_loop3A_453 = arith.constant 16 : i32
    scf.for %parallel_loop3A_805 = %parallel_loop3A_451 to %parallel_loop3A_452 step %parallel_loop3A_453  : i32 {
      %parallel_loop3A_806 = arith.constant 0 : i32
      %parallel_loop3A_807 = arith.index_cast %parallel_loop3A_806 : i32 to index
      %parallel_loop3A_808 = arith.index_cast %parallel_loop3A_805 : i32 to index
      %parallel_loop3A_809 = tpu.vector_load %arg6[%parallel_loop3A_807, %parallel_loop3A_808] {strides = array<i32>} : memref<3x4096xi32, #tpu.memory_space<vmem>>, vector<16xi32>,
      %parallel_loop3A_810 = tpu.vector_load_idx %arg5[%parallel_loop3A_809] : memref<100000xf32, #tpu.memory_space<vmem>>[vector<16xi32>], vector<16xf32>,
      %parallel_loop3A_811 = arith.constant 0 : i32
      %parallel_loop3A_812 = arith.index_cast %parallel_loop3A_811 : i32 to index
      %parallel_loop3A_813 = arith.index_cast %parallel_loop3A_805 : i32 to index
      %parallel_loop3A_814 = tpu.vector_load %arg7[%parallel_loop3A_812, %parallel_loop3A_813] {strides = array<i32>} : memref<3x4096xf32, #tpu.memory_space<vmem>>, vector<16xf32>,
      tpu.vector_store %arg7[%parallel_loop3A_812, %parallel_loop3A_813], %parallel_loop3A_810 {strides = array<i32>} : memref<3x4096xf32, #tpu.memory_space<vmem>>, vector<16xf32>,
    } {sc.loop_unroll_factor = 8 : i64, sc.parallel_access}
    %add3A_454 = arith.constant 0 : i32
    %add3A_455 = arith.addi %add3A_454, %add3A_404 : i32
    %mul3A_456 = arith.constant 4096 : i32
    %mul3A_457 = arith.muli %add3A_455, %mul3A_456 : i32
    %dma_start3A_458 = arith.constant 0 : i32
    %dma_start3A_459 = arith.constant 0 : i32
    %dma_start3A_460 = tpu.memref_slice %arg7[%dma_start3A_458, %dma_start3A_459] : memref<3x4096xf32, #tpu.memory_space<vmem>> -> memref<1x4096xf32, #tpu.memory_space<vmem>>
    %dma_start3A_461 = tpu.memref_squeeze %dma_start3A_460 : memref<1x4096xf32, #tpu.memory_space<vmem>> -> memref<4096xf32, #tpu.memory_space<vmem>>
    %dma_start3A_462 = tpu.memref_slice %arg4[%mul3A_457] : memref<13107200xf32, #tpu.memory_space<hbm>> -> memref<4096xf32, #tpu.memory_space<hbm>>
    %dma_start3A_463 = tpu.memref_slice %arg4[%mul3A_457] : memref<13107200xf32, #tpu.memory_space<hbm>> -> memref<4096xf32, #tpu.memory_space<hbm>>
    %dma_start3A_464 = arith.constant 0 : i32
    %dma_start3A_465 = tpu.memref_slice %arg7[%dma_start3A_458, %dma_start3A_464] : memref<3x4096xf32, #tpu.memory_space<vmem>> -> memref<1x4096xf32, #tpu.memory_space<vmem>>
    %dma_start3A_466 = tpu.memref_squeeze %dma_start3A_465 : memref<1x4096xf32, #tpu.memory_space<vmem>> -> memref<4096xf32, #tpu.memory_space<vmem>>
    tpu.enqueue_dma source(%dma_start3A_466 : memref<4096xf32, #tpu.memory_space<vmem>>) target(%dma_start3A_463 : memref<4096xf32, #tpu.memory_space<hbm>>) target_semaphore(%arg9 : memref<!tpu.dma_semaphore, #tpu.memory_space<semaphore_mem>>)
    %dma_start3A_467 = arith.constant 0 : i32
    %dma_start3A_468 = arith.constant 0 : i32
    %dma_start3A_469 = tpu.memref_slice %arg6[%dma_start3A_467, %dma_start3A_468] : memref<3x4096xi32, #tpu.memory_space<vmem>> -> memref<1x4096xi32, #tpu.memory_space<vmem>>
    %dma_start3A_470 = tpu.memref_squeeze %dma_start3A_469 : memref<1x4096xi32, #tpu.memory_space<vmem>> -> memref<4096xi32, #tpu.memory_space<vmem>>
    %dma_start3A_471 = arith.constant 12288 : i32
    %dma_start3A_472 = tpu.memref_slice %arg2[%dma_start3A_471] : memref<204800xi32, #tpu.memory_space<hbm>> -> memref<4096xi32, #tpu.memory_space<hbm>>
    %dma_start3A_473 = arith.constant 0 : i32
    %dma_start3A_474 = tpu.memref_slice %arg6[%dma_start3A_467, %dma_start3A_473] : memref<3x4096xi32, #tpu.memory_space<vmem>> -> memref<1x4096xi32, #tpu.memory_space<vmem>>
    %dma_start3A_475 = tpu.memref_squeeze %dma_start3A_474 : memref<1x4096xi32, #tpu.memory_space<vmem>> -> memref<4096xi32, #tpu.memory_space<vmem>>
    %dma_start3A_476 = arith.constant 12288 : i32
    %dma_start3A_477 = tpu.memref_slice %arg2[%dma_start3A_476] : memref<204800xi32, #tpu.memory_space<hbm>> -> memref<4096xi32, #tpu.memory_space<hbm>>
    tpu.enqueue_dma source(%dma_start3A_477 : memref<4096xi32, #tpu.memory_space<hbm>>) target(%dma_start3A_475 : memref<4096xi32, #tpu.memory_space<vmem>>) target_semaphore(%arg8 : memref<!tpu.dma_semaphore, #tpu.memory_space<semaphore_mem>>)
    %dma_wait3A_478 = arith.constant 1 : i32
    %dma_wait3A_479 = arith.constant 0 : i32
    %dma_wait3A_480 = tpu.memref_slice %arg6[%dma_wait3A_478, %dma_wait3A_479] : memref<3x4096xi32, #tpu.memory_space<vmem>> -> memref<1x4096xi32, #tpu.memory_space<vmem>>
    %dma_wait3A_481 = tpu.memref_squeeze %dma_wait3A_480 : memref<1x4096xi32, #tpu.memory_space<vmem>> -> memref<4096xi32, #tpu.memory_space<vmem>>
    %dma_wait3A_482 = arith.constant 0 : i32
    %dma_wait3A_483 = tpu.memref_slice %arg2[%dma_wait3A_482] : memref<204800xi32, #tpu.memory_space<hbm>> -> memref<4096xi32, #tpu.memory_space<hbm>>
    %dma_wait3A_484 = arith.constant 0 : i32
    %dma_wait3A_485 = tpu.memref_slice %arg6[%dma_wait3A_478, %dma_wait3A_484] : memref<3x4096xi32, #tpu.memory_space<vmem>> -> memref<1x4096xi32, #tpu.memory_space<vmem>>
    %dma_wait3A_486 = tpu.memref_squeeze %dma_wait3A_485 : memref<1x4096xi32, #tpu.memory_space<vmem>> -> memref<4096xi32, #tpu.memory_space<vmem>>
    %dma_wait3A_487 = arith.constant 0 : i32
    %dma_wait3A_488 = tpu.memref_slice %arg2[%dma_wait3A_487] : memref<204800xi32, #tpu.memory_space<hbm>> -> memref<4096xi32, #tpu.memory_space<hbm>>
    tpu.wait_dma2 semaphore(%arg8 : memref<!tpu.dma_semaphore, #tpu.memory_space<semaphore_mem>>) src(%dma_wait3A_488 : memref<4096xi32, #tpu.memory_space<hbm>>) dst(%dma_wait3A_486 : memref<4096xi32, #tpu.memory_space<vmem>>)
    %parallel_loop3A_489 = arith.constant 0 : i32
    %parallel_loop3A_490 = arith.constant 4096 : i32
    %parallel_loop3A_491 = arith.constant 16 : i32
    scf.for %parallel_loop3A_805 = %parallel_loop3A_489 to %parallel_loop3A_490 step %parallel_loop3A_491  : i32 {
      %parallel_loop3A_806 = arith.constant 1 : i32
      %parallel_loop3A_807 = arith.index_cast %parallel_loop3A_806 : i32 to index
      %parallel_loop3A_808 = arith.index_cast %parallel_loop3A_805 : i32 to index
      %parallel_loop3A_809 = tpu.vector_load %arg6[%parallel_loop3A_807, %parallel_loop3A_808] {strides = array<i32>} : memref<3x4096xi32, #tpu.memory_space<vmem>>, vector<16xi32>,
      %parallel_loop3A_810 = tpu.vector_load_idx %arg5[%parallel_loop3A_809] : memref<100000xf32, #tpu.memory_space<vmem>>[vector<16xi32>], vector<16xf32>,
      %parallel_loop3A_811 = arith.constant 1 : i32
      %parallel_loop3A_812 = arith.index_cast %parallel_loop3A_811 : i32 to index
      %parallel_loop3A_813 = arith.index_cast %parallel_loop3A_805 : i32 to index
      %parallel_loop3A_814 = tpu.vector_load %arg7[%parallel_loop3A_812, %parallel_loop3A_813] {strides = array<i32>} : memref<3x4096xf32, #tpu.memory_space<vmem>>, vector<16xf32>,
      tpu.vector_store %arg7[%parallel_loop3A_812, %parallel_loop3A_813], %parallel_loop3A_810 {strides = array<i32>} : memref<3x4096xf32, #tpu.memory_space<vmem>>, vector<16xf32>,
    } {sc.loop_unroll_factor = 8 : i64, sc.parallel_access}
    %add3A_492 = arith.constant 64 : i32
    %add3A_493 = arith.addi %add3A_492, %add3A_404 : i32
    %mul3A_494 = arith.constant 4096 : i32
    %mul3A_495 = arith.muli %add3A_493, %mul3A_494 : i32
    %dma_start3A_496 = arith.constant 1 : i32
    %dma_start3A_497 = arith.constant 0 : i32
    %dma_start3A_498 = tpu.memref_slice %arg7[%dma_start3A_496, %dma_start3A_497] : memref<3x4096xf32, #tpu.memory_space<vmem>> -> memref<1x4096xf32, #tpu.memory_space<vmem>>
    %dma_start3A_499 = tpu.memref_squeeze %dma_start3A_498 : memref<1x4096xf32, #tpu.memory_space<vmem>> -> memref<4096xf32, #tpu.memory_space<vmem>>
    %dma_start3A_500 = tpu.memref_slice %arg4[%mul3A_495] : memref<13107200xf32, #tpu.memory_space<hbm>> -> memref<4096xf32, #tpu.memory_space<hbm>>
    %dma_start3A_501 = tpu.memref_slice %arg4[%mul3A_495] : memref<13107200xf32, #tpu.memory_space<hbm>> -> memref<4096xf32, #tpu.memory_space<hbm>>
    %dma_start3A_502 = arith.constant 0 : i32
    %dma_start3A_503 = tpu.memref_slice %arg7[%dma_start3A_496, %dma_start3A_502] : memref<3x4096xf32, #tpu.memory_space<vmem>> -> memref<1x4096xf32, #tpu.memory_space<vmem>>
    %dma_start3A_504 = tpu.memref_squeeze %dma_start3A_503 : memref<1x4096xf32, #tpu.memory_space<vmem>> -> memref<4096xf32, #tpu.memory_space<vmem>>
    tpu.enqueue_dma source(%dma_start3A_504 : memref<4096xf32, #tpu.memory_space<vmem>>) target(%dma_start3A_501 : memref<4096xf32, #tpu.memory_space<hbm>>) target_semaphore(%arg10 : memref<!tpu.dma_semaphore, #tpu.memory_space<semaphore_mem>>)
    %dma_start3A_505 = arith.constant 1 : i32
    %dma_start3A_506 = arith.constant 0 : i32
    %dma_start3A_507 = tpu.memref_slice %arg6[%dma_start3A_505, %dma_start3A_506] : memref<3x4096xi32, #tpu.memory_space<vmem>> -> memref<1x4096xi32, #tpu.memory_space<vmem>>
    %dma_start3A_508 = tpu.memref_squeeze %dma_start3A_507 : memref<1x4096xi32, #tpu.memory_space<vmem>> -> memref<4096xi32, #tpu.memory_space<vmem>>
    %dma_start3A_509 = arith.constant 16384 : i32
    %dma_start3A_510 = tpu.memref_slice %arg2[%dma_start3A_509] : memref<204800xi32, #tpu.memory_space<hbm>> -> memref<4096xi32, #tpu.memory_space<hbm>>
    %dma_start3A_511 = arith.constant 0 : i32
    %dma_start3A_512 = tpu.memref_slice %arg6[%dma_start3A_505, %dma_start3A_511] : memref<3x4096xi32, #tpu.memory_space<vmem>> -> memref<1x4096xi32, #tpu.memory_space<vmem>>
    %dma_start3A_513 = tpu.memref_squeeze %dma_start3A_512 : memref<1x4096xi32, #tpu.memory_space<vmem>> -> memref<4096xi32, #tpu.memory_space<vmem>>
    %dma_start3A_514 = arith.constant 16384 : i32
    %dma_start3A_515 = tpu.memref_slice %arg2[%dma_start3A_514] : memref<204800xi32, #tpu.memory_space<hbm>> -> memref<4096xi32, #tpu.memory_space<hbm>>
    tpu.enqueue_dma source(%dma_start3A_515 : memref<4096xi32, #tpu.memory_space<hbm>>) target(%dma_start3A_513 : memref<4096xi32, #tpu.memory_space<vmem>>) target_semaphore(%arg8 : memref<!tpu.dma_semaphore, #tpu.memory_space<semaphore_mem>>)
    %dma_wait3A_516 = arith.constant 2 : i32
    %dma_wait3A_517 = arith.constant 0 : i32
    %dma_wait3A_518 = tpu.memref_slice %arg6[%dma_wait3A_516, %dma_wait3A_517] : memref<3x4096xi32, #tpu.memory_space<vmem>> -> memref<1x4096xi32, #tpu.memory_space<vmem>>
    %dma_wait3A_519 = tpu.memref_squeeze %dma_wait3A_518 : memref<1x4096xi32, #tpu.memory_space<vmem>> -> memref<4096xi32, #tpu.memory_space<vmem>>
    %dma_wait3A_520 = arith.constant 0 : i32
    %dma_wait3A_521 = tpu.memref_slice %arg2[%dma_wait3A_520] : memref<204800xi32, #tpu.memory_space<hbm>> -> memref<4096xi32, #tpu.memory_space<hbm>>
    %dma_wait3A_522 = arith.constant 0 : i32
    %dma_wait3A_523 = tpu.memref_slice %arg6[%dma_wait3A_516, %dma_wait3A_522] : memref<3x4096xi32, #tpu.memory_space<vmem>> -> memref<1x4096xi32, #tpu.memory_space<vmem>>
    %dma_wait3A_524 = tpu.memref_squeeze %dma_wait3A_523 : memref<1x4096xi32, #tpu.memory_space<vmem>> -> memref<4096xi32, #tpu.memory_space<vmem>>
    %dma_wait3A_525 = arith.constant 0 : i32
    %dma_wait3A_526 = tpu.memref_slice %arg2[%dma_wait3A_525] : memref<204800xi32, #tpu.memory_space<hbm>> -> memref<4096xi32, #tpu.memory_space<hbm>>
    tpu.wait_dma2 semaphore(%arg8 : memref<!tpu.dma_semaphore, #tpu.memory_space<semaphore_mem>>) src(%dma_wait3A_526 : memref<4096xi32, #tpu.memory_space<hbm>>) dst(%dma_wait3A_524 : memref<4096xi32, #tpu.memory_space<vmem>>)
    %parallel_loop3A_527 = arith.constant 0 : i32
    %parallel_loop3A_528 = arith.constant 4096 : i32
    %parallel_loop3A_529 = arith.constant 16 : i32
    scf.for %parallel_loop3A_805 = %parallel_loop3A_527 to %parallel_loop3A_528 step %parallel_loop3A_529  : i32 {
      %parallel_loop3A_806 = arith.constant 2 : i32
      %parallel_loop3A_807 = arith.index_cast %parallel_loop3A_806 : i32 to index
      %parallel_loop3A_808 = arith.index_cast %parallel_loop3A_805 : i32 to index
      %parallel_loop3A_809 = tpu.vector_load %arg6[%parallel_loop3A_807, %parallel_loop3A_808] {strides = array<i32>} : memref<3x4096xi32, #tpu.memory_space<vmem>>, vector<16xi32>,
      %parallel_loop3A_810 = tpu.vector_load_idx %arg5[%parallel_loop3A_809] : memref<100000xf32, #tpu.memory_space<vmem>>[vector<16xi32>], vector<16xf32>,
      %parallel_loop3A_811 = arith.constant 2 : i32
      %parallel_loop3A_812 = arith.index_cast %parallel_loop3A_811 : i32 to index
      %parallel_loop3A_813 = arith.index_cast %parallel_loop3A_805 : i32 to index
      %parallel_loop3A_814 = tpu.vector_load %arg7[%parallel_loop3A_812, %parallel_loop3A_813] {strides = array<i32>} : memref<3x4096xf32, #tpu.memory_space<vmem>>, vector<16xf32>,
      tpu.vector_store %arg7[%parallel_loop3A_812, %parallel_loop3A_813], %parallel_loop3A_810 {strides = array<i32>} : memref<3x4096xf32, #tpu.memory_space<vmem>>, vector<16xf32>,
    } {sc.loop_unroll_factor = 8 : i64, sc.parallel_access}
    %add3A_530 = arith.constant 128 : i32
    %add3A_531 = arith.addi %add3A_530, %add3A_404 : i32
    %mul3A_532 = arith.constant 4096 : i32
    %mul3A_533 = arith.muli %add3A_531, %mul3A_532 : i32
    %dma_start3A_534 = arith.constant 2 : i32
    %dma_start3A_535 = arith.constant 0 : i32
    %dma_start3A_536 = tpu.memref_slice %arg7[%dma_start3A_534, %dma_start3A_535] : memref<3x4096xf32, #tpu.memory_space<vmem>> -> memref<1x4096xf32, #tpu.memory_space<vmem>>
    %dma_start3A_537 = tpu.memref_squeeze %dma_start3A_536 : memref<1x4096xf32, #tpu.memory_space<vmem>> -> memref<4096xf32, #tpu.memory_space<vmem>>
    %dma_start3A_538 = tpu.memref_slice %arg4[%mul3A_533] : memref<13107200xf32, #tpu.memory_space<hbm>> -> memref<4096xf32, #tpu.memory_space<hbm>>
    %dma_start3A_539 = tpu.memref_slice %arg4[%mul3A_533] : memref<13107200xf32, #tpu.memory_space<hbm>> -> memref<4096xf32, #tpu.memory_space<hbm>>
    %dma_start3A_540 = arith.constant 0 : i32
    %dma_start3A_541 = tpu.memref_slice %arg7[%dma_start3A_534, %dma_start3A_540] : memref<3x4096xf32, #tpu.memory_space<vmem>> -> memref<1x4096xf32, #tpu.memory_space<vmem>>
    %dma_start3A_542 = tpu.memref_squeeze %dma_start3A_541 : memref<1x4096xf32, #tpu.memory_space<vmem>> -> memref<4096xf32, #tpu.memory_space<vmem>>
    tpu.enqueue_dma source(%dma_start3A_542 : memref<4096xf32, #tpu.memory_space<vmem>>) target(%dma_start3A_539 : memref<4096xf32, #tpu.memory_space<hbm>>) target_semaphore(%arg11 : memref<!tpu.dma_semaphore, #tpu.memory_space<semaphore_mem>>)
    %dma_start3A_543 = arith.constant 2 : i32
    %dma_start3A_544 = arith.constant 0 : i32
    %dma_start3A_545 = tpu.memref_slice %arg6[%dma_start3A_543, %dma_start3A_544] : memref<3x4096xi32, #tpu.memory_space<vmem>> -> memref<1x4096xi32, #tpu.memory_space<vmem>>
    %dma_start3A_546 = tpu.memref_squeeze %dma_start3A_545 : memref<1x4096xi32, #tpu.memory_space<vmem>> -> memref<4096xi32, #tpu.memory_space<vmem>>
    %dma_start3A_547 = arith.constant 20480 : i32
    %dma_start3A_548 = tpu.memref_slice %arg2[%dma_start3A_547] : memref<204800xi32, #tpu.memory_space<hbm>> -> memref<4096xi32, #tpu.memory_space<hbm>>
    %dma_start3A_549 = arith.constant 0 : i32
    %dma_start3A_550 = tpu.memref_slice %arg6[%dma_start3A_543, %dma_start3A_549] : memref<3x4096xi32, #tpu.memory_space<vmem>> -> memref<1x4096xi32, #tpu.memory_space<vmem>>
    %dma_start3A_551 = tpu.memref_squeeze %dma_start3A_550 : memref<1x4096xi32, #tpu.memory_space<vmem>> -> memref<4096xi32, #tpu.memory_space<vmem>>
    %dma_start3A_552 = arith.constant 20480 : i32
    %dma_start3A_553 = tpu.memref_slice %arg2[%dma_start3A_552] : memref<204800xi32, #tpu.memory_space<hbm>> -> memref<4096xi32, #tpu.memory_space<hbm>>
    tpu.enqueue_dma source(%dma_start3A_553 : memref<4096xi32, #tpu.memory_space<hbm>>) target(%dma_start3A_551 : memref<4096xi32, #tpu.memory_space<vmem>>) target_semaphore(%arg8 : memref<!tpu.dma_semaphore, #tpu.memory_space<semaphore_mem>>)
    %scan3A_554 = arith.constant 0 : i32
    %scan3A_555 = arith.constant 1 : i32
    %scan3A_556 = arith.constant 14 : i32
    %scan3A_557 = arith.addi %scan3A_555, %scan3A_556 : i32
    %scan3A_558 = arith.constant 1 : i32
    scf.for %scan3A_805 = %scan3A_555 to %scan3A_557 step %scan3A_558  : i32 {
      %mul3A_806 = arith.constant 3 : i32
      %mul3A_807 = arith.muli %mul3A_806, %scan3A_805 : i32
      %add3A_808 = arith.constant 0 : i32
      %add3A_809 = arith.addi %mul3A_807, %add3A_808 : i32
      %dma_wait3A_810 = arith.constant 0 : i32
      %dma_wait3A_811 = arith.constant 0 : i32
      %dma_wait3A_812 = tpu.memref_slice %arg6[%dma_wait3A_810, %dma_wait3A_811] : memref<3x4096xi32, #tpu.memory_space<vmem>> -> memref<1x4096xi32, #tpu.memory_space<vmem>>
      %dma_wait3A_813 = tpu.memref_squeeze %dma_wait3A_812 : memref<1x4096xi32, #tpu.memory_space<vmem>> -> memref<4096xi32, #tpu.memory_space<vmem>>
      %dma_wait3A_814 = arith.constant 0 : i32
      %dma_wait3A_815 = tpu.memref_slice %arg2[%dma_wait3A_814] : memref<204800xi32, #tpu.memory_space<hbm>> -> memref<4096xi32, #tpu.memory_space<hbm>>
      %dma_wait3A_816 = arith.constant 0 : i32
      %dma_wait3A_817 = tpu.memref_slice %arg6[%dma_wait3A_810, %dma_wait3A_816] : memref<3x4096xi32, #tpu.memory_space<vmem>> -> memref<1x4096xi32, #tpu.memory_space<vmem>>
      %dma_wait3A_818 = tpu.memref_squeeze %dma_wait3A_817 : memref<1x4096xi32, #tpu.memory_space<vmem>> -> memref<4096xi32, #tpu.memory_space<vmem>>
      %dma_wait3A_819 = arith.constant 0 : i32
      %dma_wait3A_820 = tpu.memref_slice %arg2[%dma_wait3A_819] : memref<204800xi32, #tpu.memory_space<hbm>> -> memref<4096xi32, #tpu.memory_space<hbm>>
      tpu.wait_dma2 semaphore(%arg8 : memref<!tpu.dma_semaphore, #tpu.memory_space<semaphore_mem>>) src(%dma_wait3A_820 : memref<4096xi32, #tpu.memory_space<hbm>>) dst(%dma_wait3A_818 : memref<4096xi32, #tpu.memory_space<vmem>>)
      %dma_wait3A_821 = arith.constant 0 : i32
      %dma_wait3A_822 = arith.constant 0 : i32
      %dma_wait3A_823 = tpu.memref_slice %arg7[%dma_wait3A_821, %dma_wait3A_822] : memref<3x4096xf32, #tpu.memory_space<vmem>> -> memref<1x4096xf32, #tpu.memory_space<vmem>>
      %dma_wait3A_824 = tpu.memref_squeeze %dma_wait3A_823 : memref<1x4096xf32, #tpu.memory_space<vmem>> -> memref<4096xf32, #tpu.memory_space<vmem>>
      %dma_wait3A_825 = arith.constant 0 : i32
      %dma_wait3A_826 = tpu.memref_slice %arg4[%dma_wait3A_825] : memref<13107200xf32, #tpu.memory_space<hbm>> -> memref<4096xf32, #tpu.memory_space<hbm>>
      %dma_wait3A_827 = arith.constant 0 : i32
      %dma_wait3A_828 = tpu.memref_slice %arg4[%dma_wait3A_827] : memref<13107200xf32, #tpu.memory_space<hbm>> -> memref<4096xf32, #tpu.memory_space<hbm>>
      %dma_wait3A_829 = arith.constant 0 : i32
      %dma_wait3A_830 = tpu.memref_slice %arg7[%dma_wait3A_821, %dma_wait3A_829] : memref<3x4096xf32, #tpu.memory_space<vmem>> -> memref<1x4096xf32, #tpu.memory_space<vmem>>
      %dma_wait3A_831 = tpu.memref_squeeze %dma_wait3A_830 : memref<1x4096xf32, #tpu.memory_space<vmem>> -> memref<4096xf32, #tpu.memory_space<vmem>>
      tpu.wait_dma2 semaphore(%arg9 : memref<!tpu.dma_semaphore, #tpu.memory_space<semaphore_mem>>) src(%dma_wait3A_831 : memref<4096xf32, #tpu.memory_space<vmem>>) dst(%dma_wait3A_828 : memref<4096xf32, #tpu.memory_space<hbm>>)
      %parallel_loop3A_832 = arith.constant 0 : i32
      %parallel_loop3A_833 = arith.constant 4096 : i32
      %parallel_loop3A_834 = arith.constant 16 : i32
      scf.for %parallel_loop3A_970 = %parallel_loop3A_832 to %parallel_loop3A_833 step %parallel_loop3A_834  : i32 {
        %parallel_loop3A_971 = arith.constant 0 : i32
        %parallel_loop3A_972 = arith.index_cast %parallel_loop3A_971 : i32 to index
        %parallel_loop3A_973 = arith.index_cast %parallel_loop3A_970 : i32 to index
        %parallel_loop3A_974 = tpu.vector_load %arg6[%parallel_loop3A_972, %parallel_loop3A_973] {strides = array<i32>} : memref<3x4096xi32, #tpu.memory_space<vmem>>, vector<16xi32>,
        %parallel_loop3A_975 = tpu.vector_load_idx %arg5[%parallel_loop3A_974] : memref<100000xf32, #tpu.memory_space<vmem>>[vector<16xi32>], vector<16xf32>,
        %parallel_loop3A_976 = arith.constant 0 : i32
        %parallel_loop3A_977 = arith.index_cast %parallel_loop3A_976 : i32 to index
        %parallel_loop3A_978 = arith.index_cast %parallel_loop3A_970 : i32 to index
        %parallel_loop3A_979 = tpu.vector_load %arg7[%parallel_loop3A_977, %parallel_loop3A_978] {strides = array<i32>} : memref<3x4096xf32, #tpu.memory_space<vmem>>, vector<16xf32>,
        tpu.vector_store %arg7[%parallel_loop3A_977, %parallel_loop3A_978], %parallel_loop3A_975 {strides = array<i32>} : memref<3x4096xf32, #tpu.memory_space<vmem>>, vector<16xf32>,
      } {sc.loop_unroll_factor = 8 : i64, sc.parallel_access}
      %mul3A_835 = arith.constant 64 : i32
      %mul3A_836 = arith.muli %add3A_809, %mul3A_835 : i32
      %add3A_837 = arith.addi %mul3A_836, %add3A_404 : i32
      %mul3A_838 = arith.constant 4096 : i32
      %mul3A_839 = arith.muli %add3A_837, %mul3A_838 : i32
      %dma_start3A_840 = arith.constant 0 : i32
      %dma_start3A_841 = arith.constant 0 : i32
      %dma_start3A_842 = tpu.memref_slice %arg7[%dma_start3A_840, %dma_start3A_841] : memref<3x4096xf32, #tpu.memory_space<vmem>> -> memref<1x4096xf32, #tpu.memory_space<vmem>>
      %dma_start3A_843 = tpu.memref_squeeze %dma_start3A_842 : memref<1x4096xf32, #tpu.memory_space<vmem>> -> memref<4096xf32, #tpu.memory_space<vmem>>
      %dma_start3A_844 = tpu.memref_slice %arg4[%mul3A_839] : memref<13107200xf32, #tpu.memory_space<hbm>> -> memref<4096xf32, #tpu.memory_space<hbm>>
      %dma_start3A_845 = tpu.memref_slice %arg4[%mul3A_839] : memref<13107200xf32, #tpu.memory_space<hbm>> -> memref<4096xf32, #tpu.memory_space<hbm>>
      %dma_start3A_846 = arith.constant 0 : i32
      %dma_start3A_847 = tpu.memref_slice %arg7[%dma_start3A_840, %dma_start3A_846] : memref<3x4096xf32, #tpu.memory_space<vmem>> -> memref<1x4096xf32, #tpu.memory_space<vmem>>
      %dma_start3A_848 = tpu.memref_squeeze %dma_start3A_847 : memref<1x4096xf32, #tpu.memory_space<vmem>> -> memref<4096xf32, #tpu.memory_space<vmem>>
      tpu.enqueue_dma source(%dma_start3A_848 : memref<4096xf32, #tpu.memory_space<vmem>>) target(%dma_start3A_845 : memref<4096xf32, #tpu.memory_space<hbm>>) target_semaphore(%arg9 : memref<!tpu.dma_semaphore, #tpu.memory_space<semaphore_mem>>)
      %add3A_849 = arith.constant 3 : i32
      %add3A_850 = arith.addi %add3A_809, %add3A_849 : i32
      %mul3A_851 = arith.constant 4096 : i32
      %mul3A_852 = arith.muli %add3A_850, %mul3A_851 : i32
      %dma_start3A_853 = arith.constant 0 : i32
      %dma_start3A_854 = arith.constant 0 : i32
      %dma_start3A_855 = tpu.memref_slice %arg6[%dma_start3A_853, %dma_start3A_854] : memref<3x4096xi32, #tpu.memory_space<vmem>> -> memref<1x4096xi32, #tpu.memory_space<vmem>>
      %dma_start3A_856 = tpu.memref_squeeze %dma_start3A_855 : memref<1x4096xi32, #tpu.memory_space<vmem>> -> memref<4096xi32, #tpu.memory_space<vmem>>
      %dma_start3A_857 = tpu.memref_slice %arg2[%mul3A_852] : memref<204800xi32, #tpu.memory_space<hbm>> -> memref<4096xi32, #tpu.memory_space<hbm>>
      %dma_start3A_858 = arith.constant 0 : i32
      %dma_start3A_859 = tpu.memref_slice %arg6[%dma_start3A_853, %dma_start3A_858] : memref<3x4096xi32, #tpu.memory_space<vmem>> -> memref<1x4096xi32, #tpu.memory_space<vmem>>
      %dma_start3A_860 = tpu.memref_squeeze %dma_start3A_859 : memref<1x4096xi32, #tpu.memory_space<vmem>> -> memref<4096xi32, #tpu.memory_space<vmem>>
      %dma_start3A_861 = tpu.memref_slice %arg2[%mul3A_852] : memref<204800xi32, #tpu.memory_space<hbm>> -> memref<4096xi32, #tpu.memory_space<hbm>>
      tpu.enqueue_dma source(%dma_start3A_861 : memref<4096xi32, #tpu.memory_space<hbm>>) target(%dma_start3A_860 : memref<4096xi32, #tpu.memory_space<vmem>>) target_semaphore(%arg8 : memref<!tpu.dma_semaphore, #tpu.memory_space<semaphore_mem>>)
      %add3A_862 = arith.constant 1 : i32
      %add3A_863 = arith.addi %mul3A_807, %add3A_862 : i32
      %dma_wait3A_864 = arith.constant 1 : i32
      %dma_wait3A_865 = arith.constant 0 : i32
      %dma_wait3A_866 = tpu.memref_slice %arg6[%dma_wait3A_864, %dma_wait3A_865] : memref<3x4096xi32, #tpu.memory_space<vmem>> -> memref<1x4096xi32, #tpu.memory_space<vmem>>
      %dma_wait3A_867 = tpu.memref_squeeze %dma_wait3A_866 : memref<1x4096xi32, #tpu.memory_space<vmem>> -> memref<4096xi32, #tpu.memory_space<vmem>>
      %dma_wait3A_868 = arith.constant 0 : i32
      %dma_wait3A_869 = tpu.memref_slice %arg2[%dma_wait3A_868] : memref<204800xi32, #tpu.memory_space<hbm>> -> memref<4096xi32, #tpu.memory_space<hbm>>
      %dma_wait3A_870 = arith.constant 0 : i32
      %dma_wait3A_871 = tpu.memref_slice %arg6[%dma_wait3A_864, %dma_wait3A_870] : memref<3x4096xi32, #tpu.memory_space<vmem>> -> memref<1x4096xi32, #tpu.memory_space<vmem>>
      %dma_wait3A_872 = tpu.memref_squeeze %dma_wait3A_871 : memref<1x4096xi32, #tpu.memory_space<vmem>> -> memref<4096xi32, #tpu.memory_space<vmem>>
      %dma_wait3A_873 = arith.constant 0 : i32
      %dma_wait3A_874 = tpu.memref_slice %arg2[%dma_wait3A_873] : memref<204800xi32, #tpu.memory_space<hbm>> -> memref<4096xi32, #tpu.memory_space<hbm>>
      tpu.wait_dma2 semaphore(%arg8 : memref<!tpu.dma_semaphore, #tpu.memory_space<semaphore_mem>>) src(%dma_wait3A_874 : memref<4096xi32, #tpu.memory_space<hbm>>) dst(%dma_wait3A_872 : memref<4096xi32, #tpu.memory_space<vmem>>)
      %dma_wait3A_875 = arith.constant 1 : i32
      %dma_wait3A_876 = arith.constant 0 : i32
      %dma_wait3A_877 = tpu.memref_slice %arg7[%dma_wait3A_875, %dma_wait3A_876] : memref<3x4096xf32, #tpu.memory_space<vmem>> -> memref<1x4096xf32, #tpu.memory_space<vmem>>
      %dma_wait3A_878 = tpu.memref_squeeze %dma_wait3A_877 : memref<1x4096xf32, #tpu.memory_space<vmem>> -> memref<4096xf32, #tpu.memory_space<vmem>>
      %dma_wait3A_879 = arith.constant 0 : i32
      %dma_wait3A_880 = tpu.memref_slice %arg4[%dma_wait3A_879] : memref<13107200xf32, #tpu.memory_space<hbm>> -> memref<4096xf32, #tpu.memory_space<hbm>>
      %dma_wait3A_881 = arith.constant 0 : i32
      %dma_wait3A_882 = tpu.memref_slice %arg4[%dma_wait3A_881] : memref<13107200xf32, #tpu.memory_space<hbm>> -> memref<4096xf32, #tpu.memory_space<hbm>>
      %dma_wait3A_883 = arith.constant 0 : i32
      %dma_wait3A_884 = tpu.memref_slice %arg7[%dma_wait3A_875, %dma_wait3A_883] : memref<3x4096xf32, #tpu.memory_space<vmem>> -> memref<1x4096xf32, #tpu.memory_space<vmem>>
      %dma_wait3A_885 = tpu.memref_squeeze %dma_wait3A_884 : memref<1x4096xf32, #tpu.memory_space<vmem>> -> memref<4096xf32, #tpu.memory_space<vmem>>
      tpu.wait_dma2 semaphore(%arg10 : memref<!tpu.dma_semaphore, #tpu.memory_space<semaphore_mem>>) src(%dma_wait3A_885 : memref<4096xf32, #tpu.memory_space<vmem>>) dst(%dma_wait3A_882 : memref<4096xf32, #tpu.memory_space<hbm>>)
      %parallel_loop3A_886 = arith.constant 0 : i32
      %parallel_loop3A_887 = arith.constant 4096 : i32
      %parallel_loop3A_888 = arith.constant 16 : i32
      scf.for %parallel_loop3A_970 = %parallel_loop3A_886 to %parallel_loop3A_887 step %parallel_loop3A_888  : i32 {
        %parallel_loop3A_971 = arith.constant 1 : i32
        %parallel_loop3A_972 = arith.index_cast %parallel_loop3A_971 : i32 to index
        %parallel_loop3A_973 = arith.index_cast %parallel_loop3A_970 : i32 to index
        %parallel_loop3A_974 = tpu.vector_load %arg6[%parallel_loop3A_972, %parallel_loop3A_973] {strides = array<i32>} : memref<3x4096xi32, #tpu.memory_space<vmem>>, vector<16xi32>,
        %parallel_loop3A_975 = tpu.vector_load_idx %arg5[%parallel_loop3A_974] : memref<100000xf32, #tpu.memory_space<vmem>>[vector<16xi32>], vector<16xf32>,
        %parallel_loop3A_976 = arith.constant 1 : i32
        %parallel_loop3A_977 = arith.index_cast %parallel_loop3A_976 : i32 to index
        %parallel_loop3A_978 = arith.index_cast %parallel_loop3A_970 : i32 to index
        %parallel_loop3A_979 = tpu.vector_load %arg7[%parallel_loop3A_977, %parallel_loop3A_978] {strides = array<i32>} : memref<3x4096xf32, #tpu.memory_space<vmem>>, vector<16xf32>,
        tpu.vector_store %arg7[%parallel_loop3A_977, %parallel_loop3A_978], %parallel_loop3A_975 {strides = array<i32>} : memref<3x4096xf32, #tpu.memory_space<vmem>>, vector<16xf32>,
      } {sc.loop_unroll_factor = 8 : i64, sc.parallel_access}
      %mul3A_889 = arith.constant 64 : i32
      %mul3A_890 = arith.muli %add3A_863, %mul3A_889 : i32
      %add3A_891 = arith.addi %mul3A_890, %add3A_404 : i32
      %mul3A_892 = arith.constant 4096 : i32
      %mul3A_893 = arith.muli %add3A_891, %mul3A_892 : i32
      %dma_start3A_894 = arith.constant 1 : i32
      %dma_start3A_895 = arith.constant 0 : i32
      %dma_start3A_896 = tpu.memref_slice %arg7[%dma_start3A_894, %dma_start3A_895] : memref<3x4096xf32, #tpu.memory_space<vmem>> -> memref<1x4096xf32, #tpu.memory_space<vmem>>
      %dma_start3A_897 = tpu.memref_squeeze %dma_start3A_896 : memref<1x4096xf32, #tpu.memory_space<vmem>> -> memref<4096xf32, #tpu.memory_space<vmem>>
      %dma_start3A_898 = tpu.memref_slice %arg4[%mul3A_893] : memref<13107200xf32, #tpu.memory_space<hbm>> -> memref<4096xf32, #tpu.memory_space<hbm>>
      %dma_start3A_899 = tpu.memref_slice %arg4[%mul3A_893] : memref<13107200xf32, #tpu.memory_space<hbm>> -> memref<4096xf32, #tpu.memory_space<hbm>>
      %dma_start3A_900 = arith.constant 0 : i32
      %dma_start3A_901 = tpu.memref_slice %arg7[%dma_start3A_894, %dma_start3A_900] : memref<3x4096xf32, #tpu.memory_space<vmem>> -> memref<1x4096xf32, #tpu.memory_space<vmem>>
      %dma_start3A_902 = tpu.memref_squeeze %dma_start3A_901 : memref<1x4096xf32, #tpu.memory_space<vmem>> -> memref<4096xf32, #tpu.memory_space<vmem>>
      tpu.enqueue_dma source(%dma_start3A_902 : memref<4096xf32, #tpu.memory_space<vmem>>) target(%dma_start3A_899 : memref<4096xf32, #tpu.memory_space<hbm>>) target_semaphore(%arg10 : memref<!tpu.dma_semaphore, #tpu.memory_space<semaphore_mem>>)
      %add3A_903 = arith.constant 3 : i32
      %add3A_904 = arith.addi %add3A_863, %add3A_903 : i32
      %mul3A_905 = arith.constant 4096 : i32
      %mul3A_906 = arith.muli %add3A_904, %mul3A_905 : i32
      %dma_start3A_907 = arith.constant 1 : i32
      %dma_start3A_908 = arith.constant 0 : i32
      %dma_start3A_909 = tpu.memref_slice %arg6[%dma_start3A_907, %dma_start3A_908] : memref<3x4096xi32, #tpu.memory_space<vmem>> -> memref<1x4096xi32, #tpu.memory_space<vmem>>
      %dma_start3A_910 = tpu.memref_squeeze %dma_start3A_909 : memref<1x4096xi32, #tpu.memory_space<vmem>> -> memref<4096xi32, #tpu.memory_space<vmem>>
      %dma_start3A_911 = tpu.memref_slice %arg2[%mul3A_906] : memref<204800xi32, #tpu.memory_space<hbm>> -> memref<4096xi32, #tpu.memory_space<hbm>>
      %dma_start3A_912 = arith.constant 0 : i32
      %dma_start3A_913 = tpu.memref_slice %arg6[%dma_start3A_907, %dma_start3A_912] : memref<3x4096xi32, #tpu.memory_space<vmem>> -> memref<1x4096xi32, #tpu.memory_space<vmem>>
      %dma_start3A_914 = tpu.memref_squeeze %dma_start3A_913 : memref<1x4096xi32, #tpu.memory_space<vmem>> -> memref<4096xi32, #tpu.memory_space<vmem>>
      %dma_start3A_915 = tpu.memref_slice %arg2[%mul3A_906] : memref<204800xi32, #tpu.memory_space<hbm>> -> memref<4096xi32, #tpu.memory_space<hbm>>
      tpu.enqueue_dma source(%dma_start3A_915 : memref<4096xi32, #tpu.memory_space<hbm>>) target(%dma_start3A_914 : memref<4096xi32, #tpu.memory_space<vmem>>) target_semaphore(%arg8 : memref<!tpu.dma_semaphore, #tpu.memory_space<semaphore_mem>>)
      %add3A_916 = arith.constant 2 : i32
      %add3A_917 = arith.addi %mul3A_807, %add3A_916 : i32
      %dma_wait3A_918 = arith.constant 2 : i32
      %dma_wait3A_919 = arith.constant 0 : i32
      %dma_wait3A_920 = tpu.memref_slice %arg6[%dma_wait3A_918, %dma_wait3A_919] : memref<3x4096xi32, #tpu.memory_space<vmem>> -> memref<1x4096xi32, #tpu.memory_space<vmem>>
      %dma_wait3A_921 = tpu.memref_squeeze %dma_wait3A_920 : memref<1x4096xi32, #tpu.memory_space<vmem>> -> memref<4096xi32, #tpu.memory_space<vmem>>
      %dma_wait3A_922 = arith.constant 0 : i32
      %dma_wait3A_923 = tpu.memref_slice %arg2[%dma_wait3A_922] : memref<204800xi32, #tpu.memory_space<hbm>> -> memref<4096xi32, #tpu.memory_space<hbm>>
      %dma_wait3A_924 = arith.constant 0 : i32
      %dma_wait3A_925 = tpu.memref_slice %arg6[%dma_wait3A_918, %dma_wait3A_924] : memref<3x4096xi32, #tpu.memory_space<vmem>> -> memref<1x4096xi32, #tpu.memory_space<vmem>>
      %dma_wait3A_926 = tpu.memref_squeeze %dma_wait3A_925 : memref<1x4096xi32, #tpu.memory_space<vmem>> -> memref<4096xi32, #tpu.memory_space<vmem>>
      %dma_wait3A_927 = arith.constant 0 : i32
      %dma_wait3A_928 = tpu.memref_slice %arg2[%dma_wait3A_927] : memref<204800xi32, #tpu.memory_space<hbm>> -> memref<4096xi32, #tpu.memory_space<hbm>>
      tpu.wait_dma2 semaphore(%arg8 : memref<!tpu.dma_semaphore, #tpu.memory_space<semaphore_mem>>) src(%dma_wait3A_928 : memref<4096xi32, #tpu.memory_space<hbm>>) dst(%dma_wait3A_926 : memref<4096xi32, #tpu.memory_space<vmem>>)
      %dma_wait3A_929 = arith.constant 2 : i32
      %dma_wait3A_930 = arith.constant 0 : i32
      %dma_wait3A_931 = tpu.memref_slice %arg7[%dma_wait3A_929, %dma_wait3A_930] : memref<3x4096xf32, #tpu.memory_space<vmem>> -> memref<1x4096xf32, #tpu.memory_space<vmem>>
      %dma_wait3A_932 = tpu.memref_squeeze %dma_wait3A_931 : memref<1x4096xf32, #tpu.memory_space<vmem>> -> memref<4096xf32, #tpu.memory_space<vmem>>
      %dma_wait3A_933 = arith.constant 0 : i32
      %dma_wait3A_934 = tpu.memref_slice %arg4[%dma_wait3A_933] : memref<13107200xf32, #tpu.memory_space<hbm>> -> memref<4096xf32, #tpu.memory_space<hbm>>
      %dma_wait3A_935 = arith.constant 0 : i32
      %dma_wait3A_936 = tpu.memref_slice %arg4[%dma_wait3A_935] : memref<13107200xf32, #tpu.memory_space<hbm>> -> memref<4096xf32, #tpu.memory_space<hbm>>
      %dma_wait3A_937 = arith.constant 0 : i32
      %dma_wait3A_938 = tpu.memref_slice %arg7[%dma_wait3A_929, %dma_wait3A_937] : memref<3x4096xf32, #tpu.memory_space<vmem>> -> memref<1x4096xf32, #tpu.memory_space<vmem>>
      %dma_wait3A_939 = tpu.memref_squeeze %dma_wait3A_938 : memref<1x4096xf32, #tpu.memory_space<vmem>> -> memref<4096xf32, #tpu.memory_space<vmem>>
      tpu.wait_dma2 semaphore(%arg11 : memref<!tpu.dma_semaphore, #tpu.memory_space<semaphore_mem>>) src(%dma_wait3A_939 : memref<4096xf32, #tpu.memory_space<vmem>>) dst(%dma_wait3A_936 : memref<4096xf32, #tpu.memory_space<hbm>>)
      %parallel_loop3A_940 = arith.constant 0 : i32
      %parallel_loop3A_941 = arith.constant 4096 : i32
      %parallel_loop3A_942 = arith.constant 16 : i32
      scf.for %parallel_loop3A_970 = %parallel_loop3A_940 to %parallel_loop3A_941 step %parallel_loop3A_942  : i32 {
        %parallel_loop3A_971 = arith.constant 2 : i32
        %parallel_loop3A_972 = arith.index_cast %parallel_loop3A_971 : i32 to index
        %parallel_loop3A_973 = arith.index_cast %parallel_loop3A_970 : i32 to index
        %parallel_loop3A_974 = tpu.vector_load %arg6[%parallel_loop3A_972, %parallel_loop3A_973] {strides = array<i32>} : memref<3x4096xi32, #tpu.memory_space<vmem>>, vector<16xi32>,
        %parallel_loop3A_975 = tpu.vector_load_idx %arg5[%parallel_loop3A_974] : memref<100000xf32, #tpu.memory_space<vmem>>[vector<16xi32>], vector<16xf32>,
        %parallel_loop3A_976 = arith.constant 2 : i32
        %parallel_loop3A_977 = arith.index_cast %parallel_loop3A_976 : i32 to index
        %parallel_loop3A_978 = arith.index_cast %parallel_loop3A_970 : i32 to index
        %parallel_loop3A_979 = tpu.vector_load %arg7[%parallel_loop3A_977, %parallel_loop3A_978] {strides = array<i32>} : memref<3x4096xf32, #tpu.memory_space<vmem>>, vector<16xf32>,
        tpu.vector_store %arg7[%parallel_loop3A_977, %parallel_loop3A_978], %parallel_loop3A_975 {strides = array<i32>} : memref<3x4096xf32, #tpu.memory_space<vmem>>, vector<16xf32>,
      } {sc.loop_unroll_factor = 8 : i64, sc.parallel_access}
      %mul3A_943 = arith.constant 64 : i32
      %mul3A_944 = arith.muli %add3A_917, %mul3A_943 : i32
      %add3A_945 = arith.addi %mul3A_944, %add3A_404 : i32
      %mul3A_946 = arith.constant 4096 : i32
      %mul3A_947 = arith.muli %add3A_945, %mul3A_946 : i32
      %dma_start3A_948 = arith.constant 2 : i32
      %dma_start3A_949 = arith.constant 0 : i32
      %dma_start3A_950 = tpu.memref_slice %arg7[%dma_start3A_948, %dma_start3A_949] : memref<3x4096xf32, #tpu.memory_space<vmem>> -> memref<1x4096xf32, #tpu.memory_space<vmem>>
      %dma_start3A_951 = tpu.memref_squeeze %dma_start3A_950 : memref<1x4096xf32, #tpu.memory_space<vmem>> -> memref<4096xf32, #tpu.memory_space<vmem>>
      %dma_start3A_952 = tpu.memref_slice %arg4[%mul3A_947] : memref<13107200xf32, #tpu.memory_space<hbm>> -> memref<4096xf32, #tpu.memory_space<hbm>>
      %dma_start3A_953 = tpu.memref_slice %arg4[%mul3A_947] : memref<13107200xf32, #tpu.memory_space<hbm>> -> memref<4096xf32, #tpu.memory_space<hbm>>
      %dma_start3A_954 = arith.constant 0 : i32
      %dma_start3A_955 = tpu.memref_slice %arg7[%dma_start3A_948, %dma_start3A_954] : memref<3x4096xf32, #tpu.memory_space<vmem>> -> memref<1x4096xf32, #tpu.memory_space<vmem>>
      %dma_start3A_956 = tpu.memref_squeeze %dma_start3A_955 : memref<1x4096xf32, #tpu.memory_space<vmem>> -> memref<4096xf32, #tpu.memory_space<vmem>>
      tpu.enqueue_dma source(%dma_start3A_956 : memref<4096xf32, #tpu.memory_space<vmem>>) target(%dma_start3A_953 : memref<4096xf32, #tpu.memory_space<hbm>>) target_semaphore(%arg11 : memref<!tpu.dma_semaphore, #tpu.memory_space<semaphore_mem>>)
      %add3A_957 = arith.constant 3 : i32
      %add3A_958 = arith.addi %add3A_917, %add3A_957 : i32
      %mul3A_959 = arith.constant 4096 : i32
      %mul3A_960 = arith.muli %add3A_958, %mul3A_959 : i32
      %dma_start3A_961 = arith.constant 2 : i32
      %dma_start3A_962 = arith.constant 0 : i32
      %dma_start3A_963 = tpu.memref_slice %arg6[%dma_start3A_961, %dma_start3A_962] : memref<3x4096xi32, #tpu.memory_space<vmem>> -> memref<1x4096xi32, #tpu.memory_space<vmem>>
      %dma_start3A_964 = tpu.memref_squeeze %dma_start3A_963 : memref<1x4096xi32, #tpu.memory_space<vmem>> -> memref<4096xi32, #tpu.memory_space<vmem>>
      %dma_start3A_965 = tpu.memref_slice %arg2[%mul3A_960] : memref<204800xi32, #tpu.memory_space<hbm>> -> memref<4096xi32, #tpu.memory_space<hbm>>
      %dma_start3A_966 = arith.constant 0 : i32
      %dma_start3A_967 = tpu.memref_slice %arg6[%dma_start3A_961, %dma_start3A_966] : memref<3x4096xi32, #tpu.memory_space<vmem>> -> memref<1x4096xi32, #tpu.memory_space<vmem>>
      %dma_start3A_968 = tpu.memref_squeeze %dma_start3A_967 : memref<1x4096xi32, #tpu.memory_space<vmem>> -> memref<4096xi32, #tpu.memory_space<vmem>>
      %dma_start3A_969 = tpu.memref_slice %arg2[%mul3A_960] : memref<204800xi32, #tpu.memory_space<hbm>> -> memref<4096xi32, #tpu.memory_space<hbm>>
      tpu.enqueue_dma source(%dma_start3A_969 : memref<4096xi32, #tpu.memory_space<hbm>>) target(%dma_start3A_968 : memref<4096xi32, #tpu.memory_space<vmem>>) target_semaphore(%arg8 : memref<!tpu.dma_semaphore, #tpu.memory_space<semaphore_mem>>)
    }
    %scan3A_559 = arith.constant 14 : i32
    %dma_wait3A_560 = arith.constant 0 : i32
    %dma_wait3A_561 = arith.constant 0 : i32
    %dma_wait3A_562 = tpu.memref_slice %arg6[%dma_wait3A_560, %dma_wait3A_561] : memref<3x4096xi32, #tpu.memory_space<vmem>> -> memref<1x4096xi32, #tpu.memory_space<vmem>>
    %dma_wait3A_563 = tpu.memref_squeeze %dma_wait3A_562 : memref<1x4096xi32, #tpu.memory_space<vmem>> -> memref<4096xi32, #tpu.memory_space<vmem>>
    %dma_wait3A_564 = arith.constant 0 : i32
    %dma_wait3A_565 = tpu.memref_slice %arg2[%dma_wait3A_564] : memref<204800xi32, #tpu.memory_space<hbm>> -> memref<4096xi32, #tpu.memory_space<hbm>>
    %dma_wait3A_566 = arith.constant 0 : i32
    %dma_wait3A_567 = tpu.memref_slice %arg6[%dma_wait3A_560, %dma_wait3A_566] : memref<3x4096xi32, #tpu.memory_space<vmem>> -> memref<1x4096xi32, #tpu.memory_space<vmem>>
    %dma_wait3A_568 = tpu.memref_squeeze %dma_wait3A_567 : memref<1x4096xi32, #tpu.memory_space<vmem>> -> memref<4096xi32, #tpu.memory_space<vmem>>
    %dma_wait3A_569 = arith.constant 0 : i32
    %dma_wait3A_570 = tpu.memref_slice %arg2[%dma_wait3A_569] : memref<204800xi32, #tpu.memory_space<hbm>> -> memref<4096xi32, #tpu.memory_space<hbm>>
    tpu.wait_dma2 semaphore(%arg8 : memref<!tpu.dma_semaphore, #tpu.memory_space<semaphore_mem>>) src(%dma_wait3A_570 : memref<4096xi32, #tpu.memory_space<hbm>>) dst(%dma_wait3A_568 : memref<4096xi32, #tpu.memory_space<vmem>>)
    %dma_wait3A_571 = arith.constant 0 : i32
    %dma_wait3A_572 = arith.constant 0 : i32
    %dma_wait3A_573 = tpu.memref_slice %arg7[%dma_wait3A_571, %dma_wait3A_572] : memref<3x4096xf32, #tpu.memory_space<vmem>> -> memref<1x4096xf32, #tpu.memory_space<vmem>>
    %dma_wait3A_574 = tpu.memref_squeeze %dma_wait3A_573 : memref<1x4096xf32, #tpu.memory_space<vmem>> -> memref<4096xf32, #tpu.memory_space<vmem>>
    %dma_wait3A_575 = arith.constant 0 : i32
    %dma_wait3A_576 = tpu.memref_slice %arg4[%dma_wait3A_575] : memref<13107200xf32, #tpu.memory_space<hbm>> -> memref<4096xf32, #tpu.memory_space<hbm>>
    %dma_wait3A_577 = arith.constant 0 : i32
    %dma_wait3A_578 = tpu.memref_slice %arg4[%dma_wait3A_577] : memref<13107200xf32, #tpu.memory_space<hbm>> -> memref<4096xf32, #tpu.memory_space<hbm>>
    %dma_wait3A_579 = arith.constant 0 : i32
    %dma_wait3A_580 = tpu.memref_slice %arg7[%dma_wait3A_571, %dma_wait3A_579] : memref<3x4096xf32, #tpu.memory_space<vmem>> -> memref<1x4096xf32, #tpu.memory_space<vmem>>
    %dma_wait3A_581 = tpu.memref_squeeze %dma_wait3A_580 : memref<1x4096xf32, #tpu.memory_space<vmem>> -> memref<4096xf32, #tpu.memory_space<vmem>>
    tpu.wait_dma2 semaphore(%arg9 : memref<!tpu.dma_semaphore, #tpu.memory_space<semaphore_mem>>) src(%dma_wait3A_581 : memref<4096xf32, #tpu.memory_space<vmem>>) dst(%dma_wait3A_578 : memref<4096xf32, #tpu.memory_space<hbm>>)
    %parallel_loop3A_582 = arith.constant 0 : i32
    %parallel_loop3A_583 = arith.constant 4096 : i32
    %parallel_loop3A_584 = arith.constant 16 : i32
    scf.for %parallel_loop3A_805 = %parallel_loop3A_582 to %parallel_loop3A_583 step %parallel_loop3A_584  : i32 {
      %parallel_loop3A_806 = arith.constant 0 : i32
      %parallel_loop3A_807 = arith.index_cast %parallel_loop3A_806 : i32 to index
      %parallel_loop3A_808 = arith.index_cast %parallel_loop3A_805 : i32 to index
      %parallel_loop3A_809 = tpu.vector_load %arg6[%parallel_loop3A_807, %parallel_loop3A_808] {strides = array<i32>} : memref<3x4096xi32, #tpu.memory_space<vmem>>, vector<16xi32>,
      %parallel_loop3A_810 = tpu.vector_load_idx %arg5[%parallel_loop3A_809] : memref<100000xf32, #tpu.memory_space<vmem>>[vector<16xi32>], vector<16xf32>,
      %parallel_loop3A_811 = arith.constant 0 : i32
      %parallel_loop3A_812 = arith.index_cast %parallel_loop3A_811 : i32 to index
      %parallel_loop3A_813 = arith.index_cast %parallel_loop3A_805 : i32 to index
      %parallel_loop3A_814 = tpu.vector_load %arg7[%parallel_loop3A_812, %parallel_loop3A_813] {strides = array<i32>} : memref<3x4096xf32, #tpu.memory_space<vmem>>, vector<16xf32>,
      tpu.vector_store %arg7[%parallel_loop3A_812, %parallel_loop3A_813], %parallel_loop3A_810 {strides = array<i32>} : memref<3x4096xf32, #tpu.memory_space<vmem>>, vector<16xf32>,
    } {sc.loop_unroll_factor = 8 : i64, sc.parallel_access}
    %add3A_585 = arith.constant 2880 : i32
    %add3A_586 = arith.addi %add3A_585, %add3A_404 : i32
    %mul3A_587 = arith.constant 4096 : i32
    %mul3A_588 = arith.muli %add3A_586, %mul3A_587 : i32
    %dma_start3A_589 = arith.constant 0 : i32
    %dma_start3A_590 = arith.constant 0 : i32
    %dma_start3A_591 = tpu.memref_slice %arg7[%dma_start3A_589, %dma_start3A_590] : memref<3x4096xf32, #tpu.memory_space<vmem>> -> memref<1x4096xf32, #tpu.memory_space<vmem>>
    %dma_start3A_592 = tpu.memref_squeeze %dma_start3A_591 : memref<1x4096xf32, #tpu.memory_space<vmem>> -> memref<4096xf32, #tpu.memory_space<vmem>>
    %dma_start3A_593 = tpu.memref_slice %arg4[%mul3A_588] : memref<13107200xf32, #tpu.memory_space<hbm>> -> memref<4096xf32, #tpu.memory_space<hbm>>
    %dma_start3A_594 = tpu.memref_slice %arg4[%mul3A_588] : memref<13107200xf32, #tpu.memory_space<hbm>> -> memref<4096xf32, #tpu.memory_space<hbm>>
    %dma_start3A_595 = arith.constant 0 : i32
    %dma_start3A_596 = tpu.memref_slice %arg7[%dma_start3A_589, %dma_start3A_595] : memref<3x4096xf32, #tpu.memory_space<vmem>> -> memref<1x4096xf32, #tpu.memory_space<vmem>>
    %dma_start3A_597 = tpu.memref_squeeze %dma_start3A_596 : memref<1x4096xf32, #tpu.memory_space<vmem>> -> memref<4096xf32, #tpu.memory_space<vmem>>
    tpu.enqueue_dma source(%dma_start3A_597 : memref<4096xf32, #tpu.memory_space<vmem>>) target(%dma_start3A_594 : memref<4096xf32, #tpu.memory_space<hbm>>) target_semaphore(%arg9 : memref<!tpu.dma_semaphore, #tpu.memory_space<semaphore_mem>>)
    %dma_start3A_598 = arith.constant 0 : i32
    %dma_start3A_599 = arith.constant 0 : i32
    %dma_start3A_600 = tpu.memref_slice %arg6[%dma_start3A_598, %dma_start3A_599] : memref<3x4096xi32, #tpu.memory_space<vmem>> -> memref<1x4096xi32, #tpu.memory_space<vmem>>
    %dma_start3A_601 = tpu.memref_squeeze %dma_start3A_600 : memref<1x4096xi32, #tpu.memory_space<vmem>> -> memref<4096xi32, #tpu.memory_space<vmem>>
    %dma_start3A_602 = arith.constant 196608 : i32
    %dma_start3A_603 = tpu.memref_slice %arg2[%dma_start3A_602] : memref<204800xi32, #tpu.memory_space<hbm>> -> memref<4096xi32, #tpu.memory_space<hbm>>
    %dma_start3A_604 = arith.constant 0 : i32
    %dma_start3A_605 = tpu.memref_slice %arg6[%dma_start3A_598, %dma_start3A_604] : memref<3x4096xi32, #tpu.memory_space<vmem>> -> memref<1x4096xi32, #tpu.memory_space<vmem>>
    %dma_start3A_606 = tpu.memref_squeeze %dma_start3A_605 : memref<1x4096xi32, #tpu.memory_space<vmem>> -> memref<4096xi32, #tpu.memory_space<vmem>>
    %dma_start3A_607 = arith.constant 196608 : i32
    %dma_start3A_608 = tpu.memref_slice %arg2[%dma_start3A_607] : memref<204800xi32, #tpu.memory_space<hbm>> -> memref<4096xi32, #tpu.memory_space<hbm>>
    tpu.enqueue_dma source(%dma_start3A_608 : memref<4096xi32, #tpu.memory_space<hbm>>) target(%dma_start3A_606 : memref<4096xi32, #tpu.memory_space<vmem>>) target_semaphore(%arg8 : memref<!tpu.dma_semaphore, #tpu.memory_space<semaphore_mem>>)
    %dma_wait3A_609 = arith.constant 1 : i32
    %dma_wait3A_610 = arith.constant 0 : i32
    %dma_wait3A_611 = tpu.memref_slice %arg6[%dma_wait3A_609, %dma_wait3A_610] : memref<3x4096xi32, #tpu.memory_space<vmem>> -> memref<1x4096xi32, #tpu.memory_space<vmem>>
    %dma_wait3A_612 = tpu.memref_squeeze %dma_wait3A_611 : memref<1x4096xi32, #tpu.memory_space<vmem>> -> memref<4096xi32, #tpu.memory_space<vmem>>
    %dma_wait3A_613 = arith.constant 0 : i32
    %dma_wait3A_614 = tpu.memref_slice %arg2[%dma_wait3A_613] : memref<204800xi32, #tpu.memory_space<hbm>> -> memref<4096xi32, #tpu.memory_space<hbm>>
    %dma_wait3A_615 = arith.constant 0 : i32
    %dma_wait3A_616 = tpu.memref_slice %arg6[%dma_wait3A_609, %dma_wait3A_615] : memref<3x4096xi32, #tpu.memory_space<vmem>> -> memref<1x4096xi32, #tpu.memory_space<vmem>>
    %dma_wait3A_617 = tpu.memref_squeeze %dma_wait3A_616 : memref<1x4096xi32, #tpu.memory_space<vmem>> -> memref<4096xi32, #tpu.memory_space<vmem>>
    %dma_wait3A_618 = arith.constant 0 : i32
    %dma_wait3A_619 = tpu.memref_slice %arg2[%dma_wait3A_618] : memref<204800xi32, #tpu.memory_space<hbm>> -> memref<4096xi32, #tpu.memory_space<hbm>>
    tpu.wait_dma2 semaphore(%arg8 : memref<!tpu.dma_semaphore, #tpu.memory_space<semaphore_mem>>) src(%dma_wait3A_619 : memref<4096xi32, #tpu.memory_space<hbm>>) dst(%dma_wait3A_617 : memref<4096xi32, #tpu.memory_space<vmem>>)
    %dma_wait3A_620 = arith.constant 1 : i32
    %dma_wait3A_621 = arith.constant 0 : i32
    %dma_wait3A_622 = tpu.memref_slice %arg7[%dma_wait3A_620, %dma_wait3A_621] : memref<3x4096xf32, #tpu.memory_space<vmem>> -> memref<1x4096xf32, #tpu.memory_space<vmem>>
    %dma_wait3A_623 = tpu.memref_squeeze %dma_wait3A_622 : memref<1x4096xf32, #tpu.memory_space<vmem>> -> memref<4096xf32, #tpu.memory_space<vmem>>
    %dma_wait3A_624 = arith.constant 0 : i32
    %dma_wait3A_625 = tpu.memref_slice %arg4[%dma_wait3A_624] : memref<13107200xf32, #tpu.memory_space<hbm>> -> memref<4096xf32, #tpu.memory_space<hbm>>
    %dma_wait3A_626 = arith.constant 0 : i32
    %dma_wait3A_627 = tpu.memref_slice %arg4[%dma_wait3A_626] : memref<13107200xf32, #tpu.memory_space<hbm>> -> memref<4096xf32, #tpu.memory_space<hbm>>
    %dma_wait3A_628 = arith.constant 0 : i32
    %dma_wait3A_629 = tpu.memref_slice %arg7[%dma_wait3A_620, %dma_wait3A_628] : memref<3x4096xf32, #tpu.memory_space<vmem>> -> memref<1x4096xf32, #tpu.memory_space<vmem>>
    %dma_wait3A_630 = tpu.memref_squeeze %dma_wait3A_629 : memref<1x4096xf32, #tpu.memory_space<vmem>> -> memref<4096xf32, #tpu.memory_space<vmem>>
    tpu.wait_dma2 semaphore(%arg10 : memref<!tpu.dma_semaphore, #tpu.memory_space<semaphore_mem>>) src(%dma_wait3A_630 : memref<4096xf32, #tpu.memory_space<vmem>>) dst(%dma_wait3A_627 : memref<4096xf32, #tpu.memory_space<hbm>>)
    %parallel_loop3A_631 = arith.constant 0 : i32
    %parallel_loop3A_632 = arith.constant 4096 : i32
    %parallel_loop3A_633 = arith.constant 16 : i32
    scf.for %parallel_loop3A_805 = %parallel_loop3A_631 to %parallel_loop3A_632 step %parallel_loop3A_633  : i32 {
      %parallel_loop3A_806 = arith.constant 1 : i32
      %parallel_loop3A_807 = arith.index_cast %parallel_loop3A_806 : i32 to index
      %parallel_loop3A_808 = arith.index_cast %parallel_loop3A_805 : i32 to index
      %parallel_loop3A_809 = tpu.vector_load %arg6[%parallel_loop3A_807, %parallel_loop3A_808] {strides = array<i32>} : memref<3x4096xi32, #tpu.memory_space<vmem>>, vector<16xi32>,
      %parallel_loop3A_810 = tpu.vector_load_idx %arg5[%parallel_loop3A_809] : memref<100000xf32, #tpu.memory_space<vmem>>[vector<16xi32>], vector<16xf32>,
      %parallel_loop3A_811 = arith.constant 1 : i32
      %parallel_loop3A_812 = arith.index_cast %parallel_loop3A_811 : i32 to index
      %parallel_loop3A_813 = arith.index_cast %parallel_loop3A_805 : i32 to index
      %parallel_loop3A_814 = tpu.vector_load %arg7[%parallel_loop3A_812, %parallel_loop3A_813] {strides = array<i32>} : memref<3x4096xf32, #tpu.memory_space<vmem>>, vector<16xf32>,
      tpu.vector_store %arg7[%parallel_loop3A_812, %parallel_loop3A_813], %parallel_loop3A_810 {strides = array<i32>} : memref<3x4096xf32, #tpu.memory_space<vmem>>, vector<16xf32>,
    } {sc.loop_unroll_factor = 8 : i64, sc.parallel_access}
    %add3A_634 = arith.constant 2944 : i32
    %add3A_635 = arith.addi %add3A_634, %add3A_404 : i32
    %mul3A_636 = arith.constant 4096 : i32
    %mul3A_637 = arith.muli %add3A_635, %mul3A_636 : i32
    %dma_start3A_638 = arith.constant 1 : i32
    %dma_start3A_639 = arith.constant 0 : i32
    %dma_start3A_640 = tpu.memref_slice %arg7[%dma_start3A_638, %dma_start3A_639] : memref<3x4096xf32, #tpu.memory_space<vmem>> -> memref<1x4096xf32, #tpu.memory_space<vmem>>
    %dma_start3A_641 = tpu.memref_squeeze %dma_start3A_640 : memref<1x4096xf32, #tpu.memory_space<vmem>> -> memref<4096xf32, #tpu.memory_space<vmem>>
    %dma_start3A_642 = tpu.memref_slice %arg4[%mul3A_637] : memref<13107200xf32, #tpu.memory_space<hbm>> -> memref<4096xf32, #tpu.memory_space<hbm>>
    %dma_start3A_643 = tpu.memref_slice %arg4[%mul3A_637] : memref<13107200xf32, #tpu.memory_space<hbm>> -> memref<4096xf32, #tpu.memory_space<hbm>>
    %dma_start3A_644 = arith.constant 0 : i32
    %dma_start3A_645 = tpu.memref_slice %arg7[%dma_start3A_638, %dma_start3A_644] : memref<3x4096xf32, #tpu.memory_space<vmem>> -> memref<1x4096xf32, #tpu.memory_space<vmem>>
    %dma_start3A_646 = tpu.memref_squeeze %dma_start3A_645 : memref<1x4096xf32, #tpu.memory_space<vmem>> -> memref<4096xf32, #tpu.memory_space<vmem>>
    tpu.enqueue_dma source(%dma_start3A_646 : memref<4096xf32, #tpu.memory_space<vmem>>) target(%dma_start3A_643 : memref<4096xf32, #tpu.memory_space<hbm>>) target_semaphore(%arg10 : memref<!tpu.dma_semaphore, #tpu.memory_space<semaphore_mem>>)
    %dma_start3A_647 = arith.constant 1 : i32
    %dma_start3A_648 = arith.constant 0 : i32
    %dma_start3A_649 = tpu.memref_slice %arg6[%dma_start3A_647, %dma_start3A_648] : memref<3x4096xi32, #tpu.memory_space<vmem>> -> memref<1x4096xi32, #tpu.memory_space<vmem>>
    %dma_start3A_650 = tpu.memref_squeeze %dma_start3A_649 : memref<1x4096xi32, #tpu.memory_space<vmem>> -> memref<4096xi32, #tpu.memory_space<vmem>>
    %dma_start3A_651 = arith.constant 200704 : i32
    %dma_start3A_652 = tpu.memref_slice %arg2[%dma_start3A_651] : memref<204800xi32, #tpu.memory_space<hbm>> -> memref<4096xi32, #tpu.memory_space<hbm>>
    %dma_start3A_653 = arith.constant 0 : i32
    %dma_start3A_654 = tpu.memref_slice %arg6[%dma_start3A_647, %dma_start3A_653] : memref<3x4096xi32, #tpu.memory_space<vmem>> -> memref<1x4096xi32, #tpu.memory_space<vmem>>
    %dma_start3A_655 = tpu.memref_squeeze %dma_start3A_654 : memref<1x4096xi32, #tpu.memory_space<vmem>> -> memref<4096xi32, #tpu.memory_space<vmem>>
    %dma_start3A_656 = arith.constant 200704 : i32
    %dma_start3A_657 = tpu.memref_slice %arg2[%dma_start3A_656] : memref<204800xi32, #tpu.memory_space<hbm>> -> memref<4096xi32, #tpu.memory_space<hbm>>
    tpu.enqueue_dma source(%dma_start3A_657 : memref<4096xi32, #tpu.memory_space<hbm>>) target(%dma_start3A_655 : memref<4096xi32, #tpu.memory_space<vmem>>) target_semaphore(%arg8 : memref<!tpu.dma_semaphore, #tpu.memory_space<semaphore_mem>>)
    %dma_wait3A_658 = arith.constant 2 : i32
    %dma_wait3A_659 = arith.constant 0 : i32
    %dma_wait3A_660 = tpu.memref_slice %arg6[%dma_wait3A_658, %dma_wait3A_659] : memref<3x4096xi32, #tpu.memory_space<vmem>> -> memref<1x4096xi32, #tpu.memory_space<vmem>>
    %dma_wait3A_661 = tpu.memref_squeeze %dma_wait3A_660 : memref<1x4096xi32, #tpu.memory_space<vmem>> -> memref<4096xi32, #tpu.memory_space<vmem>>
    %dma_wait3A_662 = arith.constant 0 : i32
    %dma_wait3A_663 = tpu.memref_slice %arg2[%dma_wait3A_662] : memref<204800xi32, #tpu.memory_space<hbm>> -> memref<4096xi32, #tpu.memory_space<hbm>>
    %dma_wait3A_664 = arith.constant 0 : i32
    %dma_wait3A_665 = tpu.memref_slice %arg6[%dma_wait3A_658, %dma_wait3A_664] : memref<3x4096xi32, #tpu.memory_space<vmem>> -> memref<1x4096xi32, #tpu.memory_space<vmem>>
    %dma_wait3A_666 = tpu.memref_squeeze %dma_wait3A_665 : memref<1x4096xi32, #tpu.memory_space<vmem>> -> memref<4096xi32, #tpu.memory_space<vmem>>
    %dma_wait3A_667 = arith.constant 0 : i32
    %dma_wait3A_668 = tpu.memref_slice %arg2[%dma_wait3A_667] : memref<204800xi32, #tpu.memory_space<hbm>> -> memref<4096xi32, #tpu.memory_space<hbm>>
    tpu.wait_dma2 semaphore(%arg8 : memref<!tpu.dma_semaphore, #tpu.memory_space<semaphore_mem>>) src(%dma_wait3A_668 : memref<4096xi32, #tpu.memory_space<hbm>>) dst(%dma_wait3A_666 : memref<4096xi32, #tpu.memory_space<vmem>>)
    %dma_wait3A_669 = arith.constant 2 : i32
    %dma_wait3A_670 = arith.constant 0 : i32
    %dma_wait3A_671 = tpu.memref_slice %arg7[%dma_wait3A_669, %dma_wait3A_670] : memref<3x4096xf32, #tpu.memory_space<vmem>> -> memref<1x4096xf32, #tpu.memory_space<vmem>>
    %dma_wait3A_672 = tpu.memref_squeeze %dma_wait3A_671 : memref<1x4096xf32, #tpu.memory_space<vmem>> -> memref<4096xf32, #tpu.memory_space<vmem>>
    %dma_wait3A_673 = arith.constant 0 : i32
    %dma_wait3A_674 = tpu.memref_slice %arg4[%dma_wait3A_673] : memref<13107200xf32, #tpu.memory_space<hbm>> -> memref<4096xf32, #tpu.memory_space<hbm>>
    %dma_wait3A_675 = arith.constant 0 : i32
    %dma_wait3A_676 = tpu.memref_slice %arg4[%dma_wait3A_675] : memref<13107200xf32, #tpu.memory_space<hbm>> -> memref<4096xf32, #tpu.memory_space<hbm>>
    %dma_wait3A_677 = arith.constant 0 : i32
    %dma_wait3A_678 = tpu.memref_slice %arg7[%dma_wait3A_669, %dma_wait3A_677] : memref<3x4096xf32, #tpu.memory_space<vmem>> -> memref<1x4096xf32, #tpu.memory_space<vmem>>
    %dma_wait3A_679 = tpu.memref_squeeze %dma_wait3A_678 : memref<1x4096xf32, #tpu.memory_space<vmem>> -> memref<4096xf32, #tpu.memory_space<vmem>>
    tpu.wait_dma2 semaphore(%arg11 : memref<!tpu.dma_semaphore, #tpu.memory_space<semaphore_mem>>) src(%dma_wait3A_679 : memref<4096xf32, #tpu.memory_space<vmem>>) dst(%dma_wait3A_676 : memref<4096xf32, #tpu.memory_space<hbm>>)
    %parallel_loop3A_680 = arith.constant 0 : i32
    %parallel_loop3A_681 = arith.constant 4096 : i32
    %parallel_loop3A_682 = arith.constant 16 : i32
    scf.for %parallel_loop3A_805 = %parallel_loop3A_680 to %parallel_loop3A_681 step %parallel_loop3A_682  : i32 {
      %parallel_loop3A_806 = arith.constant 2 : i32
      %parallel_loop3A_807 = arith.index_cast %parallel_loop3A_806 : i32 to index
      %parallel_loop3A_808 = arith.index_cast %parallel_loop3A_805 : i32 to index
      %parallel_loop3A_809 = tpu.vector_load %arg6[%parallel_loop3A_807, %parallel_loop3A_808] {strides = array<i32>} : memref<3x4096xi32, #tpu.memory_space<vmem>>, vector<16xi32>,
      %parallel_loop3A_810 = tpu.vector_load_idx %arg5[%parallel_loop3A_809] : memref<100000xf32, #tpu.memory_space<vmem>>[vector<16xi32>], vector<16xf32>,
      %parallel_loop3A_811 = arith.constant 2 : i32
      %parallel_loop3A_812 = arith.index_cast %parallel_loop3A_811 : i32 to index
      %parallel_loop3A_813 = arith.index_cast %parallel_loop3A_805 : i32 to index
      %parallel_loop3A_814 = tpu.vector_load %arg7[%parallel_loop3A_812, %parallel_loop3A_813] {strides = array<i32>} : memref<3x4096xf32, #tpu.memory_space<vmem>>, vector<16xf32>,
      tpu.vector_store %arg7[%parallel_loop3A_812, %parallel_loop3A_813], %parallel_loop3A_810 {strides = array<i32>} : memref<3x4096xf32, #tpu.memory_space<vmem>>, vector<16xf32>,
    } {sc.loop_unroll_factor = 8 : i64, sc.parallel_access}
    %add3A_683 = arith.constant 3008 : i32
    %add3A_684 = arith.addi %add3A_683, %add3A_404 : i32
    %mul3A_685 = arith.constant 4096 : i32
    %mul3A_686 = arith.muli %add3A_684, %mul3A_685 : i32
    %dma_start3A_687 = arith.constant 2 : i32
    %dma_start3A_688 = arith.constant 0 : i32
    %dma_start3A_689 = tpu.memref_slice %arg7[%dma_start3A_687, %dma_start3A_688] : memref<3x4096xf32, #tpu.memory_space<vmem>> -> memref<1x4096xf32, #tpu.memory_space<vmem>>
    %dma_start3A_690 = tpu.memref_squeeze %dma_start3A_689 : memref<1x4096xf32, #tpu.memory_space<vmem>> -> memref<4096xf32, #tpu.memory_space<vmem>>
    %dma_start3A_691 = tpu.memref_slice %arg4[%mul3A_686] : memref<13107200xf32, #tpu.memory_space<hbm>> -> memref<4096xf32, #tpu.memory_space<hbm>>
    %dma_start3A_692 = tpu.memref_slice %arg4[%mul3A_686] : memref<13107200xf32, #tpu.memory_space<hbm>> -> memref<4096xf32, #tpu.memory_space<hbm>>
    %dma_start3A_693 = arith.constant 0 : i32
    %dma_start3A_694 = tpu.memref_slice %arg7[%dma_start3A_687, %dma_start3A_693] : memref<3x4096xf32, #tpu.memory_space<vmem>> -> memref<1x4096xf32, #tpu.memory_space<vmem>>
    %dma_start3A_695 = tpu.memref_squeeze %dma_start3A_694 : memref<1x4096xf32, #tpu.memory_space<vmem>> -> memref<4096xf32, #tpu.memory_space<vmem>>
    tpu.enqueue_dma source(%dma_start3A_695 : memref<4096xf32, #tpu.memory_space<vmem>>) target(%dma_start3A_692 : memref<4096xf32, #tpu.memory_space<hbm>>) target_semaphore(%arg11 : memref<!tpu.dma_semaphore, #tpu.memory_space<semaphore_mem>>)
    %dma_wait3A_696 = arith.constant 0 : i32
    %dma_wait3A_697 = arith.constant 0 : i32
    %dma_wait3A_698 = tpu.memref_slice %arg6[%dma_wait3A_696, %dma_wait3A_697] : memref<3x4096xi32, #tpu.memory_space<vmem>> -> memref<1x4096xi32, #tpu.memory_space<vmem>>
    %dma_wait3A_699 = tpu.memref_squeeze %dma_wait3A_698 : memref<1x4096xi32, #tpu.memory_space<vmem>> -> memref<4096xi32, #tpu.memory_space<vmem>>
    %dma_wait3A_700 = arith.constant 0 : i32
    %dma_wait3A_701 = tpu.memref_slice %arg2[%dma_wait3A_700] : memref<204800xi32, #tpu.memory_space<hbm>> -> memref<4096xi32, #tpu.memory_space<hbm>>
    %dma_wait3A_702 = arith.constant 0 : i32
    %dma_wait3A_703 = tpu.memref_slice %arg6[%dma_wait3A_696, %dma_wait3A_702] : memref<3x4096xi32, #tpu.memory_space<vmem>> -> memref<1x4096xi32, #tpu.memory_space<vmem>>
    %dma_wait3A_704 = tpu.memref_squeeze %dma_wait3A_703 : memref<1x4096xi32, #tpu.memory_space<vmem>> -> memref<4096xi32, #tpu.memory_space<vmem>>
    %dma_wait3A_705 = arith.constant 0 : i32
    %dma_wait3A_706 = tpu.memref_slice %arg2[%dma_wait3A_705] : memref<204800xi32, #tpu.memory_space<hbm>> -> memref<4096xi32, #tpu.memory_space<hbm>>
    tpu.wait_dma2 semaphore(%arg8 : memref<!tpu.dma_semaphore, #tpu.memory_space<semaphore_mem>>) src(%dma_wait3A_706 : memref<4096xi32, #tpu.memory_space<hbm>>) dst(%dma_wait3A_704 : memref<4096xi32, #tpu.memory_space<vmem>>)
    %dma_wait3A_707 = arith.constant 0 : i32
    %dma_wait3A_708 = arith.constant 0 : i32
    %dma_wait3A_709 = tpu.memref_slice %arg7[%dma_wait3A_707, %dma_wait3A_708] : memref<3x4096xf32, #tpu.memory_space<vmem>> -> memref<1x4096xf32, #tpu.memory_space<vmem>>
    %dma_wait3A_710 = tpu.memref_squeeze %dma_wait3A_709 : memref<1x4096xf32, #tpu.memory_space<vmem>> -> memref<4096xf32, #tpu.memory_space<vmem>>
    %dma_wait3A_711 = arith.constant 0 : i32
    %dma_wait3A_712 = tpu.memref_slice %arg4[%dma_wait3A_711] : memref<13107200xf32, #tpu.memory_space<hbm>> -> memref<4096xf32, #tpu.memory_space<hbm>>
    %dma_wait3A_713 = arith.constant 0 : i32
    %dma_wait3A_714 = tpu.memref_slice %arg4[%dma_wait3A_713] : memref<13107200xf32, #tpu.memory_space<hbm>> -> memref<4096xf32, #tpu.memory_space<hbm>>
    %dma_wait3A_715 = arith.constant 0 : i32
    %dma_wait3A_716 = tpu.memref_slice %arg7[%dma_wait3A_707, %dma_wait3A_715] : memref<3x4096xf32, #tpu.memory_space<vmem>> -> memref<1x4096xf32, #tpu.memory_space<vmem>>
    %dma_wait3A_717 = tpu.memref_squeeze %dma_wait3A_716 : memref<1x4096xf32, #tpu.memory_space<vmem>> -> memref<4096xf32, #tpu.memory_space<vmem>>
    tpu.wait_dma2 semaphore(%arg9 : memref<!tpu.dma_semaphore, #tpu.memory_space<semaphore_mem>>) src(%dma_wait3A_717 : memref<4096xf32, #tpu.memory_space<vmem>>) dst(%dma_wait3A_714 : memref<4096xf32, #tpu.memory_space<hbm>>)
    %parallel_loop3A_718 = arith.constant 0 : i32
    %parallel_loop3A_719 = arith.constant 4096 : i32
    %parallel_loop3A_720 = arith.constant 16 : i32
    scf.for %parallel_loop3A_805 = %parallel_loop3A_718 to %parallel_loop3A_719 step %parallel_loop3A_720  : i32 {
      %parallel_loop3A_806 = arith.constant 0 : i32
      %parallel_loop3A_807 = arith.index_cast %parallel_loop3A_806 : i32 to index
      %parallel_loop3A_808 = arith.index_cast %parallel_loop3A_805 : i32 to index
      %parallel_loop3A_809 = tpu.vector_load %arg6[%parallel_loop3A_807, %parallel_loop3A_808] {strides = array<i32>} : memref<3x4096xi32, #tpu.memory_space<vmem>>, vector<16xi32>,
      %parallel_loop3A_810 = tpu.vector_load_idx %arg5[%parallel_loop3A_809] : memref<100000xf32, #tpu.memory_space<vmem>>[vector<16xi32>], vector<16xf32>,
      %parallel_loop3A_811 = arith.constant 0 : i32
      %parallel_loop3A_812 = arith.index_cast %parallel_loop3A_811 : i32 to index
      %parallel_loop3A_813 = arith.index_cast %parallel_loop3A_805 : i32 to index
      %parallel_loop3A_814 = tpu.vector_load %arg7[%parallel_loop3A_812, %parallel_loop3A_813] {strides = array<i32>} : memref<3x4096xf32, #tpu.memory_space<vmem>>, vector<16xf32>,
      tpu.vector_store %arg7[%parallel_loop3A_812, %parallel_loop3A_813], %parallel_loop3A_810 {strides = array<i32>} : memref<3x4096xf32, #tpu.memory_space<vmem>>, vector<16xf32>,
    } {sc.loop_unroll_factor = 8 : i64, sc.parallel_access}
    %add3A_721 = arith.constant 3072 : i32
    %add3A_722 = arith.addi %add3A_721, %add3A_404 : i32
    %mul3A_723 = arith.constant 4096 : i32
    %mul3A_724 = arith.muli %add3A_722, %mul3A_723 : i32
    %dma_start3A_725 = arith.constant 0 : i32
    %dma_start3A_726 = arith.constant 0 : i32
    %dma_start3A_727 = tpu.memref_slice %arg7[%dma_start3A_725, %dma_start3A_726] : memref<3x4096xf32, #tpu.memory_space<vmem>> -> memref<1x4096xf32, #tpu.memory_space<vmem>>
    %dma_start3A_728 = tpu.memref_squeeze %dma_start3A_727 : memref<1x4096xf32, #tpu.memory_space<vmem>> -> memref<4096xf32, #tpu.memory_space<vmem>>
    %dma_start3A_729 = tpu.memref_slice %arg4[%mul3A_724] : memref<13107200xf32, #tpu.memory_space<hbm>> -> memref<4096xf32, #tpu.memory_space<hbm>>
    %dma_start3A_730 = tpu.memref_slice %arg4[%mul3A_724] : memref<13107200xf32, #tpu.memory_space<hbm>> -> memref<4096xf32, #tpu.memory_space<hbm>>
    %dma_start3A_731 = arith.constant 0 : i32
    %dma_start3A_732 = tpu.memref_slice %arg7[%dma_start3A_725, %dma_start3A_731] : memref<3x4096xf32, #tpu.memory_space<vmem>> -> memref<1x4096xf32, #tpu.memory_space<vmem>>
    %dma_start3A_733 = tpu.memref_squeeze %dma_start3A_732 : memref<1x4096xf32, #tpu.memory_space<vmem>> -> memref<4096xf32, #tpu.memory_space<vmem>>
    tpu.enqueue_dma source(%dma_start3A_733 : memref<4096xf32, #tpu.memory_space<vmem>>) target(%dma_start3A_730 : memref<4096xf32, #tpu.memory_space<hbm>>) target_semaphore(%arg9 : memref<!tpu.dma_semaphore, #tpu.memory_space<semaphore_mem>>)
    %dma_wait3A_734 = arith.constant 1 : i32
    %dma_wait3A_735 = arith.constant 0 : i32
    %dma_wait3A_736 = tpu.memref_slice %arg6[%dma_wait3A_734, %dma_wait3A_735] : memref<3x4096xi32, #tpu.memory_space<vmem>> -> memref<1x4096xi32, #tpu.memory_space<vmem>>
    %dma_wait3A_737 = tpu.memref_squeeze %dma_wait3A_736 : memref<1x4096xi32, #tpu.memory_space<vmem>> -> memref<4096xi32, #tpu.memory_space<vmem>>
    %dma_wait3A_738 = arith.constant 0 : i32
    %dma_wait3A_739 = tpu.memref_slice %arg2[%dma_wait3A_738] : memref<204800xi32, #tpu.memory_space<hbm>> -> memref<4096xi32, #tpu.memory_space<hbm>>
    %dma_wait3A_740 = arith.constant 0 : i32
    %dma_wait3A_741 = tpu.memref_slice %arg6[%dma_wait3A_734, %dma_wait3A_740] : memref<3x4096xi32, #tpu.memory_space<vmem>> -> memref<1x4096xi32, #tpu.memory_space<vmem>>
    %dma_wait3A_742 = tpu.memref_squeeze %dma_wait3A_741 : memref<1x4096xi32, #tpu.memory_space<vmem>> -> memref<4096xi32, #tpu.memory_space<vmem>>
    %dma_wait3A_743 = arith.constant 0 : i32
    %dma_wait3A_744 = tpu.memref_slice %arg2[%dma_wait3A_743] : memref<204800xi32, #tpu.memory_space<hbm>> -> memref<4096xi32, #tpu.memory_space<hbm>>
    tpu.wait_dma2 semaphore(%arg8 : memref<!tpu.dma_semaphore, #tpu.memory_space<semaphore_mem>>) src(%dma_wait3A_744 : memref<4096xi32, #tpu.memory_space<hbm>>) dst(%dma_wait3A_742 : memref<4096xi32, #tpu.memory_space<vmem>>)
    %dma_wait3A_745 = arith.constant 1 : i32
    %dma_wait3A_746 = arith.constant 0 : i32
    %dma_wait3A_747 = tpu.memref_slice %arg7[%dma_wait3A_745, %dma_wait3A_746] : memref<3x4096xf32, #tpu.memory_space<vmem>> -> memref<1x4096xf32, #tpu.memory_space<vmem>>
    %dma_wait3A_748 = tpu.memref_squeeze %dma_wait3A_747 : memref<1x4096xf32, #tpu.memory_space<vmem>> -> memref<4096xf32, #tpu.memory_space<vmem>>
    %dma_wait3A_749 = arith.constant 0 : i32
    %dma_wait3A_750 = tpu.memref_slice %arg4[%dma_wait3A_749] : memref<13107200xf32, #tpu.memory_space<hbm>> -> memref<4096xf32, #tpu.memory_space<hbm>>
    %dma_wait3A_751 = arith.constant 0 : i32
    %dma_wait3A_752 = tpu.memref_slice %arg4[%dma_wait3A_751] : memref<13107200xf32, #tpu.memory_space<hbm>> -> memref<4096xf32, #tpu.memory_space<hbm>>
    %dma_wait3A_753 = arith.constant 0 : i32
    %dma_wait3A_754 = tpu.memref_slice %arg7[%dma_wait3A_745, %dma_wait3A_753] : memref<3x4096xf32, #tpu.memory_space<vmem>> -> memref<1x4096xf32, #tpu.memory_space<vmem>>
    %dma_wait3A_755 = tpu.memref_squeeze %dma_wait3A_754 : memref<1x4096xf32, #tpu.memory_space<vmem>> -> memref<4096xf32, #tpu.memory_space<vmem>>
    tpu.wait_dma2 semaphore(%arg10 : memref<!tpu.dma_semaphore, #tpu.memory_space<semaphore_mem>>) src(%dma_wait3A_755 : memref<4096xf32, #tpu.memory_space<vmem>>) dst(%dma_wait3A_752 : memref<4096xf32, #tpu.memory_space<hbm>>)
    %parallel_loop3A_756 = arith.constant 0 : i32
    %parallel_loop3A_757 = arith.constant 4096 : i32
    %parallel_loop3A_758 = arith.constant 16 : i32
    scf.for %parallel_loop3A_805 = %parallel_loop3A_756 to %parallel_loop3A_757 step %parallel_loop3A_758  : i32 {
      %parallel_loop3A_806 = arith.constant 1 : i32
      %parallel_loop3A_807 = arith.index_cast %parallel_loop3A_806 : i32 to index
      %parallel_loop3A_808 = arith.index_cast %parallel_loop3A_805 : i32 to index
      %parallel_loop3A_809 = tpu.vector_load %arg6[%parallel_loop3A_807, %parallel_loop3A_808] {strides = array<i32>} : memref<3x4096xi32, #tpu.memory_space<vmem>>, vector<16xi32>,
      %parallel_loop3A_810 = tpu.vector_load_idx %arg5[%parallel_loop3A_809] : memref<100000xf32, #tpu.memory_space<vmem>>[vector<16xi32>], vector<16xf32>,
      %parallel_loop3A_811 = arith.constant 1 : i32
      %parallel_loop3A_812 = arith.index_cast %parallel_loop3A_811 : i32 to index
      %parallel_loop3A_813 = arith.index_cast %parallel_loop3A_805 : i32 to index
      %parallel_loop3A_814 = tpu.vector_load %arg7[%parallel_loop3A_812, %parallel_loop3A_813] {strides = array<i32>} : memref<3x4096xf32, #tpu.memory_space<vmem>>, vector<16xf32>,
      tpu.vector_store %arg7[%parallel_loop3A_812, %parallel_loop3A_813], %parallel_loop3A_810 {strides = array<i32>} : memref<3x4096xf32, #tpu.memory_space<vmem>>, vector<16xf32>,
    } {sc.loop_unroll_factor = 8 : i64, sc.parallel_access}
    %add3A_759 = arith.constant 3136 : i32
    %add3A_760 = arith.addi %add3A_759, %add3A_404 : i32
    %mul3A_761 = arith.constant 4096 : i32
    %mul3A_762 = arith.muli %add3A_760, %mul3A_761 : i32
    %dma_start3A_763 = arith.constant 1 : i32
    %dma_start3A_764 = arith.constant 0 : i32
    %dma_start3A_765 = tpu.memref_slice %arg7[%dma_start3A_763, %dma_start3A_764] : memref<3x4096xf32, #tpu.memory_space<vmem>> -> memref<1x4096xf32, #tpu.memory_space<vmem>>
    %dma_start3A_766 = tpu.memref_squeeze %dma_start3A_765 : memref<1x4096xf32, #tpu.memory_space<vmem>> -> memref<4096xf32, #tpu.memory_space<vmem>>
    %dma_start3A_767 = tpu.memref_slice %arg4[%mul3A_762] : memref<13107200xf32, #tpu.memory_space<hbm>> -> memref<4096xf32, #tpu.memory_space<hbm>>
    %dma_start3A_768 = tpu.memref_slice %arg4[%mul3A_762] : memref<13107200xf32, #tpu.memory_space<hbm>> -> memref<4096xf32, #tpu.memory_space<hbm>>
    %dma_start3A_769 = arith.constant 0 : i32
    %dma_start3A_770 = tpu.memref_slice %arg7[%dma_start3A_763, %dma_start3A_769] : memref<3x4096xf32, #tpu.memory_space<vmem>> -> memref<1x4096xf32, #tpu.memory_space<vmem>>
    %dma_start3A_771 = tpu.memref_squeeze %dma_start3A_770 : memref<1x4096xf32, #tpu.memory_space<vmem>> -> memref<4096xf32, #tpu.memory_space<vmem>>
    tpu.enqueue_dma source(%dma_start3A_771 : memref<4096xf32, #tpu.memory_space<vmem>>) target(%dma_start3A_768 : memref<4096xf32, #tpu.memory_space<hbm>>) target_semaphore(%arg10 : memref<!tpu.dma_semaphore, #tpu.memory_space<semaphore_mem>>)
    %dma_wait3A_772 = arith.constant 2 : i32
    %dma_wait3A_773 = arith.constant 0 : i32
    %dma_wait3A_774 = tpu.memref_slice %arg7[%dma_wait3A_772, %dma_wait3A_773] : memref<3x4096xf32, #tpu.memory_space<vmem>> -> memref<1x4096xf32, #tpu.memory_space<vmem>>
    %dma_wait3A_775 = tpu.memref_squeeze %dma_wait3A_774 : memref<1x4096xf32, #tpu.memory_space<vmem>> -> memref<4096xf32, #tpu.memory_space<vmem>>
    %dma_wait3A_776 = arith.constant 0 : i32
    %dma_wait3A_777 = tpu.memref_slice %arg4[%dma_wait3A_776] : memref<13107200xf32, #tpu.memory_space<hbm>> -> memref<4096xf32, #tpu.memory_space<hbm>>
    %dma_wait3A_778 = arith.constant 0 : i32
    %dma_wait3A_779 = tpu.memref_slice %arg4[%dma_wait3A_778] : memref<13107200xf32, #tpu.memory_space<hbm>> -> memref<4096xf32, #tpu.memory_space<hbm>>
    %dma_wait3A_780 = arith.constant 0 : i32
    %dma_wait3A_781 = tpu.memref_slice %arg7[%dma_wait3A_772, %dma_wait3A_780] : memref<3x4096xf32, #tpu.memory_space<vmem>> -> memref<1x4096xf32, #tpu.memory_space<vmem>>
    %dma_wait3A_782 = tpu.memref_squeeze %dma_wait3A_781 : memref<1x4096xf32, #tpu.memory_space<vmem>> -> memref<4096xf32, #tpu.memory_space<vmem>>
    tpu.wait_dma2 semaphore(%arg11 : memref<!tpu.dma_semaphore, #tpu.memory_space<semaphore_mem>>) src(%dma_wait3A_782 : memref<4096xf32, #tpu.memory_space<vmem>>) dst(%dma_wait3A_779 : memref<4096xf32, #tpu.memory_space<hbm>>)
    %dma_wait3A_783 = arith.constant 0 : i32
    %dma_wait3A_784 = arith.constant 0 : i32
    %dma_wait3A_785 = tpu.memref_slice %arg7[%dma_wait3A_783, %dma_wait3A_784] : memref<3x4096xf32, #tpu.memory_space<vmem>> -> memref<1x4096xf32, #tpu.memory_space<vmem>>
    %dma_wait3A_786 = tpu.memref_squeeze %dma_wait3A_785 : memref<1x4096xf32, #tpu.memory_space<vmem>> -> memref<4096xf32, #tpu.memory_space<vmem>>
    %dma_wait3A_787 = arith.constant 0 : i32
    %dma_wait3A_788 = tpu.memref_slice %arg4[%dma_wait3A_787] : memref<13107200xf32, #tpu.memory_space<hbm>> -> memref<4096xf32, #tpu.memory_space<hbm>>
    %dma_wait3A_789 = arith.constant 0 : i32
    %dma_wait3A_790 = tpu.memref_slice %arg4[%dma_wait3A_789] : memref<13107200xf32, #tpu.memory_space<hbm>> -> memref<4096xf32, #tpu.memory_space<hbm>>
    %dma_wait3A_791 = arith.constant 0 : i32
    %dma_wait3A_792 = tpu.memref_slice %arg7[%dma_wait3A_783, %dma_wait3A_791] : memref<3x4096xf32, #tpu.memory_space<vmem>> -> memref<1x4096xf32, #tpu.memory_space<vmem>>
    %dma_wait3A_793 = tpu.memref_squeeze %dma_wait3A_792 : memref<1x4096xf32, #tpu.memory_space<vmem>> -> memref<4096xf32, #tpu.memory_space<vmem>>
    tpu.wait_dma2 semaphore(%arg9 : memref<!tpu.dma_semaphore, #tpu.memory_space<semaphore_mem>>) src(%dma_wait3A_793 : memref<4096xf32, #tpu.memory_space<vmem>>) dst(%dma_wait3A_790 : memref<4096xf32, #tpu.memory_space<hbm>>)
    %dma_wait3A_794 = arith.constant 1 : i32
    %dma_wait3A_795 = arith.constant 0 : i32
    %dma_wait3A_796 = tpu.memref_slice %arg7[%dma_wait3A_794, %dma_wait3A_795] : memref<3x4096xf32, #tpu.memory_space<vmem>> -> memref<1x4096xf32, #tpu.memory_space<vmem>>
    %dma_wait3A_797 = tpu.memref_squeeze %dma_wait3A_796 : memref<1x4096xf32, #tpu.memory_space<vmem>> -> memref<4096xf32, #tpu.memory_space<vmem>>
    %dma_wait3A_798 = arith.constant 0 : i32
    %dma_wait3A_799 = tpu.memref_slice %arg4[%dma_wait3A_798] : memref<13107200xf32, #tpu.memory_space<hbm>> -> memref<4096xf32, #tpu.memory_space<hbm>>
    %dma_wait3A_800 = arith.constant 0 : i32
    %dma_wait3A_801 = tpu.memref_slice %arg4[%dma_wait3A_800] : memref<13107200xf32, #tpu.memory_space<hbm>> -> memref<4096xf32, #tpu.memory_space<hbm>>
    %dma_wait3A_802 = arith.constant 0 : i32
    %dma_wait3A_803 = tpu.memref_slice %arg7[%dma_wait3A_794, %dma_wait3A_802] : memref<3x4096xf32, #tpu.memory_space<vmem>> -> memref<1x4096xf32, #tpu.memory_space<vmem>>
    %dma_wait3A_804 = tpu.memref_squeeze %dma_wait3A_803 : memref<1x4096xf32, #tpu.memory_space<vmem>> -> memref<4096xf32, #tpu.memory_space<vmem>>
    tpu.wait_dma2 semaphore(%arg10 : memref<!tpu.dma_semaphore, #tpu.memory_space<semaphore_mem>>) src(%dma_wait3A_804 : memref<4096xf32, #tpu.memory_space<vmem>>) dst(%dma_wait3A_801 : memref<4096xf32, #tpu.memory_space<hbm>>)
    return
  }
}

</mosaic_0001>

<sc_bundles>
// kernel: kernel.4.cloned.1.call-start
scs
__scs_entry_jumppad:
0x0: {  	(pc) =	sbr.rel $0x88, $3  }
0x1: {  	(tag) =	ssettag $0x0;
	lr =	simm.s32 $0x1  }
0x2: {  	[smem:$0x3F9F] =	sst lr;
	_ =	strace $0xD0000000  }
0x3: {  	_ = 	snop  }
0x4: {  	_ = 	snop  }
0x5: {  	_ = 	snop  }
0x6: {  	_ = 	snop  }
0x7: {  	_ = 	snop  }
__scs_overlays_trampoline_lowered:
0x8: {  	[smem:$0x3FAE] =	sst s0  }
0x9: {  	[smem:$0x3FAF] =	sst s1  }
0xa: {  	[smem:$0x3FB0] =	sst s2  }
0xb: {  	[smem:$0x3FB1] =	sst s3  }
0xc: {  	[smem:$0x3FB2] =	sst s4  }
0xd: {  	[smem:$0x3FB3] =	sst s5  }
0xe: {  	[smem:$0x3FB4] =	sst s6  }
0xf: {  	[smem:$0x3FB5] =	sst s7  }
0x10: {  	[smem:$0x3FB6] =	sst s8  }
0x11: {  	[smem:$0x3FB7] =	sst s9;
	s0 =	simm.s32 @!p0 $0x0  }
0x12: {  	s1 =	sld [smem:$0x3F9D];
	s0 =	simm.s32 @p0 $0x1  }
0x13: {  	[smem:$0x3FB8] =	sst s0;
	s0 =	simm.s32 @!p1 $0x0  }
0x14: {  	s2 =	sld [smem:$0x3F9C];
	s0 =	simm.s32 @p1 $0x1  }
0x15: {  	[smem:$0x3FB9] =	sst s0;
	s0 =	simm.s32 @!p2 $0x0  }
0x16: {  	s3 =	sld [smem:$0x3FDB];
	s0 =	simm.s32 @p2 $0x1  }
0x17: {  	s4 =	simm.s32 $0x1BF5;
	[smem:$0x3FBB] =	sst s0  }
0x18: {  	s0 =	sld [smem:$0x3F9E];
	_ =	swait.ge [sflag:s4], $0x0  }
0x19: {  	s7 =	sld [smem:$0x3F9F]  }
0x1a: {  	s8 =	sadd.s32 $0xFFFFE003, lr  }
0x1b: {  	s9 =	sadd.s32 $0xFFFFFEF7, lr;
	s5 =	simm.s32 $0xFFFFFFFF;
	p2 =	slt.u32 s8, $0xFFFFF086  }
0x1c: {  	p1 =	slt.u32 s9, $0xF7A;
	s5 =	simm.s32 @!p2 $0x0  }
0x1d: {  	s5 =	simm.s32 @p1 $0x1;
	p0 =	seq.s32 s7, s2  }
0x1e: {  	s7 =	smul.u32 @!p0 $0xF7A, s2;
	p2 =	seq.s32 @!p0 s5, $0x0  }
0x1f: {  	s9 =	smul.u32 $0xF7A, s1;
	s8 =	simm.s32 @!p0 $0x1BF5;
	p2 =	por !p2, p0  }
0x20: {  	[sflag:s8] =	ssyncset.s32 @!p0 $0xFFFFF086;
	s6 =	sadd.s32 @!p0 s3, s7;
	s7 =	simm.s32 @!p0 $0x108  }
0x21: {  	s3 =	sadd.s32 s3, s9;
	s6 =	sadd.s32 @!p0 $0x88, s6;
	s7 =	simm.s32 @p2 $0x1082  }
0x22: {  	[simem:s7], [sflag:s8] =	dma.local @!p0 [hbm:s6], $0xF7A  }
0x23: {  	s9 =	sor.u32 $0xD0000000, s2;
	s6 =	simm.s32 $0x108;
	_ =	swait.ge @!p0 [sflag:s8], $0x0  }
0x24: {  	s3 =	sadd.s32 $0x88, s3;
	s6 =	simm.s32 @!p1 $0x1082;
	[sflag:s4] =	ssyncset.s32 $0xFFFFF086  }
0x25: {  	[simem:s6], [sflag:s4] =	dma.local [hbm:s3], $0xF7A  }
0x26: {  	[smem:$0x3F9F] =	sst s1;
	(tag) =	ssettag s2;
	_ =	strace s9  }
0x27: {  	s1 =	sld [smem:$0x3FAF]  }
0x28: {  	s2 =	sld [smem:$0x3FB0]  }
0x29: {  	s4 =	sld [smem:$0x3FB2]  }
0x2a: {  	p0 =	seq.s32 s5, $0x0;
	s5 =	sld [smem:$0x3FB3]  }
0x2b: {  	s6 =	sld [smem:$0x3FB4]  }
0x2c: {  	s7 =	sld [smem:$0x3FB5]  }
0x2d: {  	s3 =	simm.s32 $0x108;
	s8 =	sld [smem:$0x3FB6]  }
0x2e: {  	s3 =	simm.s32 @!p0 $0x1082;
	s9 =	sld [smem:$0x3FB7]  }
0x2f: {  	lr =	sadd.s32 s0, s3;
	s0 =	sld [smem:$0x3FAE]  }
0x30: {  	s3 =	sld [smem:$0x3FB1]  }
0x31: {  	[smem:$0x3FBA] =	sst s10  }
0x32: {  	s10 =	sld [smem:$0x3FB8];
	_ =	sdelay $0x3  }
0x33: {  	p0 =	seq.s32 s10, $0x1;
	s10 =	sld [smem:$0x3FBA];
	_ =	sdelay $0x3  }
0x34: {  	[smem:$0x3FBA] =	sst s10  }
0x35: {  	s10 =	sld [smem:$0x3FB9];
	_ =	sdelay $0x3  }
0x36: {  	p1 =	seq.s32 s10, $0x1;
	s10 =	sld [smem:$0x3FBA];
	_ =	sdelay $0x3  }
0x37: {  	[smem:$0x3FBA] =	sst s10  }
0x38: {  	s10 =	sld [smem:$0x3FBB]  }
0x39: {  	_ = 	snop;
	(pc) =	sbr.ind lr, $3  }
0x3a: {  	_ = 	snop  }
0x3b: {  	_ = 	snop  }
0x3c: {  	p2 =	seq.s32 s10, $0x1;
	s10 =	sld [smem:$0x3FBA]  }
0x3d: {  	_ =	shalt  }
0x3e: {  	_ =	shalt  }
0x3f: {  	_ =	shalt  }
0x40: {  	_ =	shalt  }
0x41: {  	_ =	shalt  }
0x42: {  	_ =	shalt  }
0x43: {  	_ =	shalt  }
0x44: {  	_ =	shalt  }
0x45: {  	_ =	shalt  }
0x46: {  	_ =	shalt  }
0x47: {  	_ =	shalt  }
0x48: {  	_ =	shalt  }
0x49: {  	_ =	shalt  }
0x4a: {  	_ =	shalt  }
0x4b: {  	_ =	shalt  }
0x4c: {  	_ =	shalt  }
0x4d: {  	_ =	shalt  }
0x4e: {  	_ =	shalt  }
0x4f: {  	_ =	shalt  }
0x50: {  	_ =	shalt  }
0x51: {  	_ =	shalt  }
0x52: {  	_ =	shalt  }
0x53: {  	_ =	shalt  }
0x54: {  	_ =	shalt  }
0x55: {  	_ =	shalt  }
0x56: {  	_ =	shalt  }
0x57: {  	_ =	shalt  }
0x58: {  	_ =	shalt  }
0x59: {  	_ =	shalt  }
0x5a: {  	_ =	shalt  }
0x5b: {  	_ =	shalt  }
0x5c: {  	_ =	shalt  }
0x5d: {  	_ =	shalt  }
0x5e: {  	_ =	shalt  }
0x5f: {  	_ =	shalt  }
0x60: {  	_ =	shalt  }
0x61: {  	_ =	shalt  }
0x62: {  	_ =	shalt  }
0x63: {  	_ =	shalt  }
0x64: {  	_ =	shalt  }
0x65: {  	_ =	shalt  }
0x66: {  	_ =	shalt  }
0x67: {  	_ =	shalt  }
0x68: {  	_ =	shalt  }
0x69: {  	_ =	shalt  }
0x6a: {  	_ =	shalt  }
0x6b: {  	_ =	shalt  }
0x6c: {  	_ =	shalt  }
0x6d: {  	_ =	shalt  }
0x6e: {  	_ =	shalt  }
0x6f: {  	_ =	shalt  }
0x70: {  	_ =	shalt  }
0x71: {  	_ =	shalt  }
0x72: {  	_ =	shalt  }
0x73: {  	_ =	shalt  }
0x74: {  	_ =	shalt  }
0x75: {  	_ =	shalt  }
0x76: {  	_ =	shalt  }
0x77: {  	_ =	shalt  }
0x78: {  	_ =	shalt  }
0x79: {  	_ =	shalt  }
0x7a: {  	_ =	shalt  }
0x7b: {  	_ =	shalt  }
0x7c: {  	_ =	shalt  }
0x7d: {  	_ =	shalt  }
0x7e: {  	_ =	shalt  }
0x7f: {  	_ =	shalt  }
0x80: {  	_ =	shalt  }
0x81: {  	_ =	shalt  }
0x82: {  	_ =	shalt  }
0x83: {  	_ =	shalt  }
0x84: {  	_ =	shalt  }
0x85: {  	_ =	shalt  }
0x86: {  	_ =	shalt  }
0x87: {  	_ =	shalt  }
.Lfunc_end0:
.L_simem_size_0:
called_computation_lowered:
.L_overlay_start_0:
0x88: {  	s2 =	sld [smem:$0x3FD9]  }
0x89: {  	s3 =	sld [smem:$0x3FFE];
	_ =	sdelay $0x1  }
0x8a: {  	s1 =	srdreg.scid  }
0x8b: {  	s0 =	sand.u32 $0x1, s1  }
0x8c: {  	s17 =	sshll.u32 s0, $0xA;
	s2 =	sadd.s32 s3, s2  }
0x8d: {  	s2 =	sadd.s32 s2, s17  }
0x8e: {  	[smem:$0x3FC6] =	sst s2  }
0x8f: {  	_ = 	snop  }
0x90: {  	s2 =	sld [smem:$0x3FD0];
	(tm) =	ssettm $0x1  }
0x91: {  	s18 =	sld [smem:$0x3FFB];
	_ =	sdelay $0x3  }
0x92: {  	_ =	strace s18  }
0x93: {  	s3 =	sld [smem:$0x3FFC];
	_ =	sdelay $0x3  }
0x94: {  	_ =	strace s3  }
0x95: {  	s3 =	sld [smem:$0x3FFD];
	_ =	sdelay $0x3  }
0x96: {  	_ =	strace s3  }
0x97: {  	_ =	strace $0x8FFFFFFF  }
0x98: {  	s19 =	sld [smem:$0x3FDB];
	_ =	sdelay $0x1  }
0x99: {  	s4 =	simm.s32 $_scs_section_size  }
0x9a: {  	s5 =	simm.s32 $_size__tile_overlayer_lowered;
	s6 =	simm.s32 $_tile_overlayer_lowered  }
0x9b: {  	s22 =	simm.s32 $0x1BFF;
	s21 =	sshll.u32 s6, $0x1;
	s3 =	sadd.s32 s4, s19  }
0x9c: {  	s7 =	simm.s32 $0x0;
	s20 =	sshll.u32 s5, $0x1;
	s5 =	sadd.s32 s21, s3  }
0x9d: {  	[timem:s7], [sflag:s22] =	dma.local [hbm:s5], s20  }
0x9e: {  	_ =	swait.ge [sflag:s22], s20  }
0x9f: {  	s4 =	ssub.s32 $0x0, s20;
	[sflag:s22] =	ssyncset.done $0x0  }
0xa0: {  	[sflag:s22] =	ssyncadd.s32 s4;
	_ =	sdelay $0x1  }
0xa1: {  	s23 =	simm.s32 $0x1B8B  }
0xa2: {  	_ =	swait.ge [sflag:s23], $0x1  }
0xa3: {  	[sflag:s23] =	ssyncset.done $0x0  }
0xa4: {  	s25 =	simm.s32 $0x1B8E;
	s24 =	sld [smem:$0x3FFE];
	[sflag:s23] =	ssyncadd.s32 $0xFFFFFFFF  }
0xa5: {  	s26 =	simm.s32 $execute0_lowered;
	[smem:$0x3FD2] =	sst s25  }
0xa6: {  	s5 =	sshll.u32 s26, $0x1;
	_ =	strace $0x80000046;
	[dreg:$0x1] =	wrdreg $0xFFFFFFFF  }
0xa7: {  	s28 =	simm.s32 $_size_execute0_lowered;
	s3 =	sadd.s32 s3, s5;
	[dreg:$0x0] =	wrdreg $0x0  }
0xa8: {  	s5 =	sshll.u32 s28, $0x1;
	[dreg:$0x2] =	wrdreg s3  }
0xa9: {  	[dreg:$0x3] =	wrdreg s5  }
0xaa: {  	[dreg:$0x4] =	wrdreg $0xC0  }
0xab: {  	_ =	task [dreg:s7], $0x5FFFF  }
0xac: {  	[dreg:$0x1] =	wrdreg $0xFFFFFFFF  }
0xad: {  	[dreg:$0x0] =	wrdreg $0x60  }
0xae: {  	[dreg:$0x2] =	wrdreg s24  }
0xaf: {  	[dreg:$0x3] =	wrdreg s2  }
0xb0: {  	[dreg:$0x4] =	wrdreg $0x9  }
0xb1: {  	_ =	task.clear_ibuf [dreg:s7], $0x5FFFF;
	_ =	strace $0x90000046  }
0xb2: {  	s29 =	simm.s32 $0x9;
	_ =	strace $0x80000048  }
0xb3: {  	_ =	swait.ge [sflag:s29], $0x1  }
0xb4: {  	[sflag:s29] =	ssyncadd.s32 $0xFFFFFFFF  }
0xb5: {  	_ =	strace $0x90000048  }
0xb6: {  	_ =	sfence  }
0xb7: {  	s30 =	sld [smem:$0x0];
	_ =	sdelay $0x2  }
0xb8: {  	s31 =	sshll.u32 s1, $0xD;
	s1 =	sshrl.u32 s1, $0x2  }
0xb9: {  	s3 =	sand.u32 $0x4000, s31;
	s1 =	sadd.s32 s1, s30  }
0xba: {  	s0 =	sor.u32 s3, s0;
	s1 =	sshll.u32 s1, $0x11  }
0xbb: {  	s0 =	sor.u32 s1, s0  }
0xbc: {  	s0 =	sadd.s32 $0x8F2B, s0  }
0xbd: {  	[sflag:s0] =	ssyncadd.remote.s32 $0x1  }
0xbe: {  	_ =	sfence.sel $0xFFFF  }
0xbf: {  	[dreg:$0x0] =	wrdreg $0xFFFFFFFF;
	(pc) =	sbr.abs _section_cstart, $3  }
0xc0: {  	[dreg:$0x1] =	wrdreg $0xFFFFFFFF  }
0xc1: {  	_ =	task.clear_ibuf [dreg:s7], $0x2FFFF;
	_ =	strace $0x9FFFFFFF  }
0xc2: {  	(tm) =	ssettm $0x7FFFFFFF  }
0xc3: {  	_ =	shalt  }
tec
execute0_lowered:
.L_overlay_start_1:
0x0: {  	(tag) =	ssettag $0x1  }
0x1: {  	s0 =	rddreg [dreg:$0x0]  }
0x2: {  	s1 =	rddreg [dreg:$0x1]  }
0x3: {  	s2 =	simm.s32 $0x0;
	s3 =	srdreg.scid;
	s5 =	stileid.u32  }
0x4: {  	[smem:$0x7FF] =	sst s2;
	s4 =	sand.u32 $0x1, s3;
	s5 =	sshll.u32 s5, $0x1  }
0x5: {  	s3 =	sadd.s32 $0x400, s0;
	s19 =	sadd.s32 $0x600, s0;
	s20 =	sadd.s32 $0x800, s0  }
0x6: {  	s21 =	sadd.s32 $0xA00, s0;
	s12 =	sadd.s32 $0xC00, s0;
	s14 =	sadd.s32 $0xE00, s0  }
0x7: {  	_ =	strace $0x80000047;
	s6 =	ssub.s32 $0x2, s4;
	[dreg:$0x4] =	wrdreg s19  }
0x8: {  	s7 =	sor.u32 s4, s5;
	s4 =	sadd.s32 $0x6800, s0;
	[dreg:$0x6] =	wrdreg s20  }
0x9: {  	[dreg:$0x7] =	wrdreg s21;
	s18 =	sshrl.u32 s6, $0x1;
	s8 =	smul.u32 $0x61A8, s7  }
0xa: {  	s20 =	sadd.s32 $0x6600, s0;
	s17 =	sshllo.u32 s7, $0x1;
	s6 =	ssub.s32 s6, s18  }
0xb: {  	s18 =	sadd.s32 $0x6400, s0;
	s10 =	sshll.u32 s17, $0x9;
	s8 =	sadd.s32 s1, s8  }
0xc: {  	s26 =	smul.u32 $0x30D4, s17;
	s0 =	sadd.s32 s4, s10;
	[dreg:$0x3] =	wrdreg s8  }
0xd: {  	s13 =	smax.u32 s6, $0x1;
	[dreg:$0xf] =	wrdreg s0  }
0xe: {  	s9 =	sshll.u32 s7, $0xA;
	s1 =	sadd.s32 s1, s26;
	[dreg:$0x10] =	wrdreg s13  }
0xf: {  	s8 =	sadd.s32 s4, s9;
	[dreg:$0xd] =	wrdreg s1  }
0x10: {  	s22 =	sadd.s32 $0x8000, s8;
	[dreg:$0x5] =	wrdreg s8  }
0x11: {  	s23 =	sadd.s32 $0x10000, s8;
	[dreg:$0x8] =	wrdreg s22  }
0x12: {  	s28 =	simm.s32 $0x1D6A0;
	s24 =	sadd.s32 $0x168000, s8;
	[dreg:$0x9] =	wrdreg s23  }
0x13: {  	s31 =	simm.s32 $0x2;
	s25 =	sadd.s32 $0x170000, s8;
	[dreg:$0xa] =	wrdreg s24  }
0x14: {  	s5 =	sshll.u32 s7, $0x1;
	s9 =	sadd.s32 $0x178000, s8;
	[dreg:$0xb] =	wrdreg s25  }
0x15: {  	s15 =	sor.u32 $0x40, s5;
	s11 =	sadd.s32 $0x180000, s8;
	[dreg:$0xc] =	wrdreg s9  }
0x16: {  	s29 =	sor.u32 $0x41, s5;
	s16 =	sadd.s32 $0x188000, s8;
	[dreg:$0xe] =	wrdreg s11  }
0x17: {  	s30 =	sor.u32 $0x81, s5;
	s19 =	sadd.s32 $0x10200, s8;
	[dreg:$0x11] =	wrdreg s16  }
0x18: {  	s6 =	simm.s32 $0x4;
	s21 =	sadd.s32 $0x168200, s8;
	[dreg:$0x12] =	wrdreg s19  }
0x19: {  	s0 =	sor.u32 $0x80, s5;
	s26 =	sadd.s32 $0x188200, s8;
	[dreg:$0x13] =	wrdreg s21  }
0x1a: {  	s1 =	simm.s32 $0x3;
	s22 =	sadd.s32 $0x170200, s8;
	[dreg:$0x18] =	wrdreg s26  }
0x1b: {  	s23 =	sadd.s32 $0x178200, s8;
	s24 =	sadd.s32 $0x8200, s8;
	[dreg:$0x14] =	wrdreg s22  }
0x1c: {  	s25 =	sadd.s32 $0x180200, s8;
	s19 =	simm.s32 $0x5;
	[dreg:$0x15] =	wrdreg s23  }
0x1d: {  	s21 =	simm.s32 $0x186A0;
	s26 =	simm.s32 $0x1C6A0;
	[dreg:$0x16] =	wrdreg s24  }
0x1e: {  	s11 =	simm.s32 $0x0;
	[dreg:$0x17] =	wrdreg s25;
	s22 =	simm.s32 $0x196A0  }
0x1f: {  	s23 =	simm.s32 $0x1A6A0;
	s24 =	simm.s32 $0x1;
	s25 =	simm.s32 $0x1B6A0  }
.LBB2_1:
0x20: {  	s7 =	rddreg [dreg:$0x3]  }
0x21: {  	[tilespmem:s2], [sflag:$0x5] =	stream.linear.gather [hbm4b:s7+s2], $0x186A0, $0x38;
	[tilespmem:$0x1E6A0] =	vst v63  }
0x22: {  	_ =	swait.ge [sflag:s19], $0x186A0  }
0x23: {  	[sflag:s19] =	ssyncset.done $0x0  }
0x24: {  	[sflag:s19] =	ssyncadd.s32 $0xFFFE7960  }
0x25: {  	[tilespmem:s21], [sflag:$0x1] =	stream.linear.gather [hbm4b:s3+s2], $0x1000, $0x38;
	[tilespmem:$0x1E6A0] =	vst v63  }
0x26: {  	s10 =	rddreg [dreg:$0x4]  }
0x27: {  	[tilespmem:s22], [sflag:$0x1] =	stream.linear.gather [hbm4b:s10+s2], $0x1000, $0x38;
	[tilespmem:$0x1E6A0] =	vst v63  }
0x28: {  	s13 =	rddreg [dreg:$0x6]  }
0x29: {  	[tilespmem:s23], [sflag:$0x1] =	stream.linear.gather [hbm4b:s13+s2], $0x1000, $0x38;
	[tilespmem:$0x1E6A0] =	vst v63  }
0x2a: {  	_ =	swait.ge [sflag:s24], $0x1000  }
0x2b: {  	[sflag:s24] =	ssyncset.done $0x0  }
0x2c: {  	s16 =	simm.s32 $0x186E0;
	[sflag:s24] =	ssyncadd.s32 $0xFFFFF000  }
0x2d: {  	v0 =	vld [tilespmem:s16+$0x30]  }
0x2e: {  	v1 =	vld [tilespmem:s16+$0xFFFFFFD0]  }
0x2f: {  	v2 =	vld [tilespmem:s16+$0xFFFFFFE0]  }
0x30: {  	v3 =	vld [tilespmem:s16+$0xFFFFFFF0]  }
0x31: {  	v4 =	vld [tilespmem:s16+$0x0]  }
0x32: {  	v6 =	vld [tilespmem:s16+$0x10]  }
0x33: {  	v7 =	vld [tilespmem:s16+$0x20]  }
0x34: {  	v8 =	vld [tilespmem:s16+$0xFFFFFFC0]  }
0x35: {  	v9 =	vld.idx.msk [tilespmem:v0+s2+$0x0], $0xffff  }
0x36: {  	v10 =	vld.idx.msk [tilespmem:v1+s2+$0x0], $0xffff  }
0x37: {  	v5 =	vld.idx.msk [tilespmem:v2+s2+$0x0], $0xffff  }
0x38: {  	v3 =	vld.idx.msk [tilespmem:v3+s2+$0x0], $0xffff  }
0x39: {  	v0 =	vld.idx.msk [tilespmem:v4+s2+$0x0], $0xffff  }
0x3a: {  	s7 =	simm.s32 $0x1B6E0;
	v1 =	vld.idx.msk [tilespmem:v6+s2+$0x0], $0xffff  }
0x3b: {  	v2 =	vld.idx.msk [tilespmem:v7+s2+$0x0], $0xffff;
	[tilespmem:s7+$0x30] =	vst v9  }
0x3c: {  	s8 =	simm.s32 $0x0;
	s9 =	simm.s32 $0x18760;
	v4 =	vld.idx.msk [tilespmem:v8+s2+$0x0], $0xffff;
	[tilespmem:s7+$0xFFFFFFD0] =	vst v10  }
.LBB2_2:
0x3d: {  	v6 =	vld [tilespmem:s9+$0x30];
	s8 =	sadd.s32 $0x80, s8;
	[tilespmem:s7+$0xFFFFFFE0] =	vst v5  }
0x3e: {  	v5 =	vld [tilespmem:s9+$0xFFFFFFD0];
	p0 =	slt.u32 s8, $0xF80;
	[tilespmem:s7+$0xFFFFFFF0] =	vst v3  }
0x3f: {  	v3 =	vld [tilespmem:s9+$0xFFFFFFE0];
	[tilespmem:s7+$0x0] =	vst v0  }
0x40: {  	v0 =	vld [tilespmem:s9+$0xFFFFFFF0];
	[tilespmem:s7+$0x10] =	vst v1  }
0x41: {  	v1 =	vld [tilespmem:s9+$0x0];
	[tilespmem:s7+$0x20] =	vst v2  }
0x42: {  	v2 =	vld [tilespmem:s9+$0x10];
	[tilespmem:s7+$0xFFFFFFC0] =	vst v4  }
0x43: {  	v4 =	vld [tilespmem:s9+$0x20]  }
0x44: {  	v7 =	vld [tilespmem:s9+$0xFFFFFFC0]  }
0x45: {  	v6 =	vld.idx.msk [tilespmem:v6+s2+$0x0], $0xffff  }
0x46: {  	v8 =	vld.idx.msk [tilespmem:v5+s2+$0x0], $0xffff  }
0x47: {  	v5 =	vld.idx.msk [tilespmem:v3+s2+$0x0], $0xffff  }
.Ltmp0:
0x48: {  	v3 =	vld.idx.msk [tilespmem:v0+s2+$0x0], $0xffff;
	(pc) =	sbr.rel @p0 .LBB2_2-.Ltmp0, $4  }
0x49: {  	v0 =	vld.idx.msk [tilespmem:v1+s2+$0x0], $0xffff  }
0x4a: {  	s7 =	sadd.s32 $0x80, s7;
	v1 =	vld.idx.msk [tilespmem:v2+s2+$0x0], $0xffff  }
0x4b: {  	v2 =	vld.idx.msk [tilespmem:v4+s2+$0x0], $0xffff;
	[tilespmem:s7+$0x30] =	vst v6  }
0x4c: {  	s9 =	sadd.s32 $0x80, s9;
	v4 =	vld.idx.msk [tilespmem:v7+s2+$0x0], $0xffff;
	[tilespmem:s7+$0xFFFFFFD0] =	vst v8  }
0x4d: {  	[tilespmem:s7+$0xFFFFFFE0] =	vst v5  }
0x4e: {  	[tilespmem:s7+$0xFFFFFFF0] =	vst v3  }
0x4f: {  	[tilespmem:s7+$0x0] =	vst v0  }
0x50: {  	[tilespmem:s7+$0x10] =	vst v1  }
0x51: {  	[tilespmem:s7+$0x20] =	vst v2  }
0x52: {  	[tilespmem:s7+$0xFFFFFFC0] =	vst v4  }
0x53: {  	s7 =	rddreg [dreg:$0x5]  }
0x54: {  	[hbm4b:s7+s2] =	stream.linear.scatter [tilespmem:s25], [sflag:$0x2], $0x1000, $0x38;
	[tilespmem:$0x1E6A0] =	vst v63  }
0x55: {  	s13 =	rddreg [dreg:$0x7]  }
0x56: {  	[tilespmem:s21], [sflag:$0x1] =	stream.linear.gather [hbm4b:s13+s2], $0x1000, $0x38;
	[tilespmem:$0x1E6A0] =	vst v63  }
0x57: {  	_ =	swait.ge [sflag:s24], $0x1000  }
0x58: {  	[sflag:s24] =	ssyncset.done $0x0  }
0x59: {  	s16 =	simm.s32 $0x19710;
	[sflag:s24] =	ssyncadd.s32 $0xFFFFF000  }
0x5a: {  	v0 =	vld [tilespmem:s16+$0x0]  }
0x5b: {  	v1 =	vld [tilespmem:s16+$0xFFFFFFA0]  }
0x5c: {  	v2 =	vld [tilespmem:s16+$0xFFFFFFB0]  }
0x5d: {  	v3 =	vld [tilespmem:s16+$0xFFFFFFC0]  }
0x5e: {  	v4 =	vld [tilespmem:s16+$0xFFFFFFD0]  }
0x5f: {  	v6 =	vld [tilespmem:s16+$0xFFFFFFE0]  }
0x60: {  	v7 =	vld [tilespmem:s16+$0xFFFFFFF0]  }
0x61: {  	v8 =	vld [tilespmem:s16+$0xFFFFFF90]  }
0x62: {  	v9 =	vld.idx.msk [tilespmem:v0+s2+$0x0], $0xffff  }
0x63: {  	v10 =	vld.idx.msk [tilespmem:v1+s2+$0x0], $0xffff  }
0x64: {  	v5 =	vld.idx.msk [tilespmem:v2+s2+$0x0], $0xffff  }
0x65: {  	v3 =	vld.idx.msk [tilespmem:v3+s2+$0x0], $0xffff  }
0x66: {  	v0 =	vld.idx.msk [tilespmem:v4+s2+$0x0], $0xffff  }
0x67: {  	s7 =	simm.s32 $0x1C710;
	v1 =	vld.idx.msk [tilespmem:v6+s2+$0x0], $0xffff  }
0x68: {  	v2 =	vld.idx.msk [tilespmem:v7+s2+$0x0], $0xffff;
	[tilespmem:s7+$0x0] =	vst v9  }
0x69: {  	s8 =	simm.s32 $0x0;
	s9 =	simm.s32 $0x19790;
	v4 =	vld.idx.msk [tilespmem:v8+s2+$0x0], $0xffff;
	[tilespmem:s7+$0xFFFFFFA0] =	vst v10  }
.LBB2_4:
0x6a: {  	v6 =	vld [tilespmem:s9+$0x0];
	s8 =	sadd.s32 $0x80, s8;
	[tilespmem:s7+$0xFFFFFFB0] =	vst v5  }
0x6b: {  	v5 =	vld [tilespmem:s9+$0xFFFFFFA0];
	p0 =	slt.u32 s8, $0xF80;
	[tilespmem:s7+$0xFFFFFFC0] =	vst v3  }
0x6c: {  	v3 =	vld [tilespmem:s9+$0xFFFFFFB0];
	[tilespmem:s7+$0xFFFFFFD0] =	vst v0  }
0x6d: {  	v0 =	vld [tilespmem:s9+$0xFFFFFFC0];
	[tilespmem:s7+$0xFFFFFFE0] =	vst v1  }
0x6e: {  	v1 =	vld [tilespmem:s9+$0xFFFFFFD0];
	[tilespmem:s7+$0xFFFFFFF0] =	vst v2  }
0x6f: {  	v2 =	vld [tilespmem:s9+$0xFFFFFFE0];
	[tilespmem:s7+$0xFFFFFF90] =	vst v4  }
0x70: {  	v4 =	vld [tilespmem:s9+$0xFFFFFFF0]  }
0x71: {  	v7 =	vld [tilespmem:s9+$0xFFFFFF90]  }
0x72: {  	v6 =	vld.idx.msk [tilespmem:v6+s2+$0x0], $0xffff  }
0x73: {  	v8 =	vld.idx.msk [tilespmem:v5+s2+$0x0], $0xffff  }
0x74: {  	v5 =	vld.idx.msk [tilespmem:v3+s2+$0x0], $0xffff  }
.Ltmp1:
0x75: {  	v3 =	vld.idx.msk [tilespmem:v0+s2+$0x0], $0xffff;
	(pc) =	sbr.rel @p0 .LBB2_4-.Ltmp1, $4  }
0x76: {  	v0 =	vld.idx.msk [tilespmem:v1+s2+$0x0], $0xffff  }
0x77: {  	s7 =	sadd.s32 $0x80, s7;
	v1 =	vld.idx.msk [tilespmem:v2+s2+$0x0], $0xffff  }
0x78: {  	v2 =	vld.idx.msk [tilespmem:v4+s2+$0x0], $0xffff;
	[tilespmem:s7+$0x0] =	vst v6  }
0x79: {  	s9 =	sadd.s32 $0x80, s9;
	v4 =	vld.idx.msk [tilespmem:v7+s2+$0x0], $0xffff;
	[tilespmem:s7+$0xFFFFFFA0] =	vst v8  }
0x7a: {  	[tilespmem:s7+$0xFFFFFFB0] =	vst v5  }
0x7b: {  	[tilespmem:s7+$0xFFFFFFC0] =	vst v3  }
0x7c: {  	[tilespmem:s7+$0xFFFFFFD0] =	vst v0  }
0x7d: {  	[tilespmem:s7+$0xFFFFFFE0] =	vst v1  }
0x7e: {  	[tilespmem:s7+$0xFFFFFFF0] =	vst v2  }
0x7f: {  	[tilespmem:s7+$0xFFFFFF90] =	vst v4  }
0x80: {  	s7 =	rddreg [dreg:$0x8]  }
0x81: {  	[hbm4b:s7+s2] =	stream.linear.scatter [tilespmem:s26], [sflag:$0x3], $0x1000, $0x38;
	[tilespmem:$0x1E6A0] =	vst v63  }
0x82: {  	_ = 	snop  }
0x83: {  	[tilespmem:s22], [sflag:$0x1] =	stream.linear.gather [hbm4b:s12+s2], $0x1000, $0x38;
	[tilespmem:$0x1E6A0] =	vst v63  }
0x84: {  	_ =	swait.ge [sflag:s24], $0x1000  }
0x85: {  	[sflag:s24] =	ssyncset.done $0x0  }
0x86: {  	s16 =	simm.s32 $0x1A710;
	[sflag:s24] =	ssyncadd.s32 $0xFFFFF000  }
0x87: {  	v0 =	vld [tilespmem:s16+$0x0]  }
0x88: {  	v1 =	vld [tilespmem:s16+$0xFFFFFFA0]  }
0x89: {  	v2 =	vld [tilespmem:s16+$0xFFFFFFB0]  }
0x8a: {  	v3 =	vld [tilespmem:s16+$0xFFFFFFC0]  }
0x8b: {  	v4 =	vld [tilespmem:s16+$0xFFFFFFD0]  }
0x8c: {  	v6 =	vld [tilespmem:s16+$0xFFFFFFE0]  }
0x8d: {  	v7 =	vld [tilespmem:s16+$0xFFFFFFF0]  }
0x8e: {  	v8 =	vld [tilespmem:s16+$0xFFFFFF90]  }
0x8f: {  	v9 =	vld.idx.msk [tilespmem:v0+s2+$0x0], $0xffff  }
0x90: {  	v10 =	vld.idx.msk [tilespmem:v1+s2+$0x0], $0xffff  }
0x91: {  	v5 =	vld.idx.msk [tilespmem:v2+s2+$0x0], $0xffff  }
0x92: {  	v3 =	vld.idx.msk [tilespmem:v3+s2+$0x0], $0xffff  }
0x93: {  	v0 =	vld.idx.msk [tilespmem:v4+s2+$0x0], $0xffff  }
0x94: {  	s7 =	simm.s32 $0x1D710;
	v1 =	vld.idx.msk [tilespmem:v6+s2+$0x0], $0xffff  }
0x95: {  	v2 =	vld.idx.msk [tilespmem:v7+s2+$0x0], $0xffff;
	[tilespmem:s7+$0x0] =	vst v9  }
0x96: {  	s8 =	simm.s32 $0x0;
	s9 =	simm.s32 $0x1A790;
	v4 =	vld.idx.msk [tilespmem:v8+s2+$0x0], $0xffff;
	[tilespmem:s7+$0xFFFFFFA0] =	vst v10  }
.LBB2_6:
0x97: {  	v6 =	vld [tilespmem:s9+$0x0];
	s8 =	sadd.s32 $0x80, s8;
	[tilespmem:s7+$0xFFFFFFB0] =	vst v5  }
0x98: {  	v5 =	vld [tilespmem:s9+$0xFFFFFFA0];
	p0 =	slt.u32 s8, $0xF80;
	[tilespmem:s7+$0xFFFFFFC0] =	vst v3  }
0x99: {  	v3 =	vld [tilespmem:s9+$0xFFFFFFB0];
	[tilespmem:s7+$0xFFFFFFD0] =	vst v0  }
0x9a: {  	v0 =	vld [tilespmem:s9+$0xFFFFFFC0];
	[tilespmem:s7+$0xFFFFFFE0] =	vst v1  }
0x9b: {  	v1 =	vld [tilespmem:s9+$0xFFFFFFD0];
	[tilespmem:s7+$0xFFFFFFF0] =	vst v2  }
0x9c: {  	v2 =	vld [tilespmem:s9+$0xFFFFFFE0];
	[tilespmem:s7+$0xFFFFFF90] =	vst v4  }
0x9d: {  	v4 =	vld [tilespmem:s9+$0xFFFFFFF0]  }
0x9e: {  	v7 =	vld [tilespmem:s9+$0xFFFFFF90]  }
0x9f: {  	v6 =	vld.idx.msk [tilespmem:v6+s2+$0x0], $0xffff  }
0xa0: {  	v8 =	vld.idx.msk [tilespmem:v5+s2+$0x0], $0xffff  }
0xa1: {  	v5 =	vld.idx.msk [tilespmem:v3+s2+$0x0], $0xffff  }
.Ltmp2:
0xa2: {  	v3 =	vld.idx.msk [tilespmem:v0+s2+$0x0], $0xffff;
	(pc) =	sbr.rel @p0 .LBB2_6-.Ltmp2, $4  }
0xa3: {  	v0 =	vld.idx.msk [tilespmem:v1+s2+$0x0], $0xffff  }
0xa4: {  	s7 =	sadd.s32 $0x80, s7;
	v1 =	vld.idx.msk [tilespmem:v2+s2+$0x0], $0xffff  }
0xa5: {  	v2 =	vld.idx.msk [tilespmem:v4+s2+$0x0], $0xffff;
	[tilespmem:s7+$0x0] =	vst v6  }
0xa6: {  	s9 =	sadd.s32 $0x80, s9;
	v4 =	vld.idx.msk [tilespmem:v7+s2+$0x0], $0xffff;
	[tilespmem:s7+$0xFFFFFFA0] =	vst v8  }
0xa7: {  	[tilespmem:s7+$0xFFFFFFB0] =	vst v5  }
0xa8: {  	[tilespmem:s7+$0xFFFFFFC0] =	vst v3  }
0xa9: {  	[tilespmem:s7+$0xFFFFFFD0] =	vst v0  }
0xaa: {  	[tilespmem:s7+$0xFFFFFFE0] =	vst v1  }
0xab: {  	[tilespmem:s7+$0xFFFFFFF0] =	vst v2  }
0xac: {  	[tilespmem:s7+$0xFFFFFF90] =	vst v4  }
0xad: {  	s7 =	rddreg [dreg:$0x9]  }
0xae: {  	[hbm4b:s7+s2] =	stream.linear.scatter [tilespmem:s28], [sflag:$0x4], $0x1000, $0x38;
	[tilespmem:$0x1E6A0] =	vst v63  }
0xaf: {  	s13 =	simm.s32 $0x1  }
0xb0: {  	[tilespmem:s23], [sflag:$0x1] =	stream.linear.gather [hbm4b:s14+s2], $0x1000, $0x38;
	[tilespmem:$0x1E6A0] =	vst v63  }
.LBB2_8:
0xb1: {  	_ =	swait.ge [sflag:s24], $0x1000  }
0xb2: {  	[sflag:s24] =	ssyncset.done $0x0  }
0xb3: {  	[sflag:s24] =	ssyncadd.s32 $0xFFFFF000  }
0xb4: {  	_ =	swait.ge [sflag:s31], $0x1000  }
0xb5: {  	[sflag:s31] =	ssyncset.done $0x0  }
0xb6: {  	s7 =	simm.s32 $0x186E0;
	[sflag:s31] =	ssyncadd.s32 $0xFFFFF000  }
0xb7: {  	v0 =	vld [tilespmem:s7+$0x30]  }
0xb8: {  	v1 =	vld [tilespmem:s7+$0xFFFFFFD0]  }
0xb9: {  	v2 =	vld [tilespmem:s7+$0xFFFFFFE0]  }
0xba: {  	v3 =	vld [tilespmem:s7+$0xFFFFFFF0]  }
0xbb: {  	v6 =	vld [tilespmem:s7+$0x0]  }
0xbc: {  	v7 =	vld [tilespmem:s7+$0x10]  }
0xbd: {  	v8 =	vld [tilespmem:s7+$0x20]  }
0xbe: {  	v9 =	vld [tilespmem:s7+$0xFFFFFFC0]  }
0xbf: {  	v10 =	vld.idx.msk [tilespmem:v0+s2+$0x0], $0xffff  }
0xc0: {  	v11 =	vld.idx.msk [tilespmem:v1+s2+$0x0], $0xffff  }
0xc1: {  	v5 =	vld.idx.msk [tilespmem:v2+s2+$0x0], $0xffff  }
0xc2: {  	v4 =	vld.idx.msk [tilespmem:v3+s2+$0x0], $0xffff  }
0xc3: {  	v3 =	vld.idx.msk [tilespmem:v6+s2+$0x0], $0xffff  }
0xc4: {  	s8 =	simm.s32 $0x1B6E0;
	v1 =	vld.idx.msk [tilespmem:v7+s2+$0x0], $0xffff  }
0xc5: {  	v0 =	vld.idx.msk [tilespmem:v8+s2+$0x0], $0xffff;
	[tilespmem:s8+$0x30] =	vst v10  }
0xc6: {  	s9 =	simm.s32 $0x18760;
	s7 =	simm.s32 $0x0;
	v2 =	vld.idx.msk [tilespmem:v9+s2+$0x0], $0xffff;
	[tilespmem:s8+$0xFFFFFFD0] =	vst v11  }
.LBB2_9:
0xc7: {  	v6 =	vld [tilespmem:s9+$0x30];
	s7 =	sadd.s32 $0x80, s7;
	[tilespmem:s8+$0xFFFFFFE0] =	vst v5  }
0xc8: {  	v5 =	vld [tilespmem:s9+$0xFFFFFFD0];
	p0 =	slt.u32 s7, $0xF80;
	[tilespmem:s8+$0xFFFFFFF0] =	vst v4  }
0xc9: {  	v4 =	vld [tilespmem:s9+$0xFFFFFFE0];
	[tilespmem:s8+$0x0] =	vst v3  }
0xca: {  	v3 =	vld [tilespmem:s9+$0xFFFFFFF0];
	[tilespmem:s8+$0x10] =	vst v1  }
0xcb: {  	v1 =	vld [tilespmem:s9+$0x0];
	[tilespmem:s8+$0x20] =	vst v0  }
0xcc: {  	v0 =	vld [tilespmem:s9+$0x10];
	[tilespmem:s8+$0xFFFFFFC0] =	vst v2  }
0xcd: {  	v2 =	vld [tilespmem:s9+$0x20]  }
0xce: {  	v7 =	vld [tilespmem:s9+$0xFFFFFFC0]  }
0xcf: {  	v6 =	vld.idx.msk [tilespmem:v6+s2+$0x0], $0xffff  }
0xd0: {  	v8 =	vld.idx.msk [tilespmem:v5+s2+$0x0], $0xffff  }
0xd1: {  	v5 =	vld.idx.msk [tilespmem:v4+s2+$0x0], $0xffff  }
.Ltmp3:
0xd2: {  	v4 =	vld.idx.msk [tilespmem:v3+s2+$0x0], $0xffff;
	(pc) =	sbr.rel @p0 .LBB2_9-.Ltmp3, $4  }
0xd3: {  	v3 =	vld.idx.msk [tilespmem:v1+s2+$0x0], $0xffff  }
0xd4: {  	s8 =	sadd.s32 $0x80, s8;
	v1 =	vld.idx.msk [tilespmem:v0+s2+$0x0], $0xffff  }
0xd5: {  	v0 =	vld.idx.msk [tilespmem:v2+s2+$0x0], $0xffff;
	[tilespmem:s8+$0x30] =	vst v6  }
0xd6: {  	s9 =	sadd.s32 $0x80, s9;
	v2 =	vld.idx.msk [tilespmem:v7+s2+$0x0], $0xffff;
	[tilespmem:s8+$0xFFFFFFD0] =	vst v8  }
0xd7: {  	[tilespmem:s8+$0xFFFFFFE0] =	vst v5;
	s16 =	smul.u32 $0xC0, s13  }
0xd8: {  	[tilespmem:s8+$0xFFFFFFF0] =	vst v4  }
0xd9: {  	s10 =	smul.u32 $0x3000, s13;
	[tilespmem:s8+$0x0] =	vst v3;
	s7 =	sor.u32 s5, s16  }
0xda: {  	[tilespmem:s8+$0x10] =	vst v1;
	s7 =	sshll.u32 s7, $0x9  }
0xdb: {  	s9 =	sshrl.u32 s10, $0x3;
	[tilespmem:s8+$0x20] =	vst v0;
	s7 =	sand.u32 $0x1FFFFC00, s7  }
0xdc: {  	[tilespmem:s8+$0xFFFFFFC0] =	vst v2;
	s8 =	sadd.s32 s3, s9;
	s7 =	sadd.s32 s4, s7  }
0xdd: {  	[hbm4b:s7+s2] =	stream.linear.scatter [tilespmem:s25], [sflag:$0x2], $0x1000, $0x38;
	[tilespmem:$0x1E6A0] =	vst v63  }
0xde: {  	s7 =	sadd.s32 $0x600, s8  }
0xdf: {  	[tilespmem:s21], [sflag:$0x1] =	stream.linear.gather [hbm4b:s7+s2], $0x1000, $0x38;
	[tilespmem:$0x1E6A0] =	vst v63  }
0xe0: {  	_ =	swait.ge [sflag:s24], $0x1000  }
0xe1: {  	[sflag:s24] =	ssyncset.done $0x0  }
0xe2: {  	[sflag:s24] =	ssyncadd.s32 $0xFFFFF000  }
0xe3: {  	_ =	swait.ge [sflag:s1], $0x1000  }
0xe4: {  	[sflag:s1] =	ssyncset.done $0x0  }
0xe5: {  	s10 =	simm.s32 $0x19710;
	[sflag:s1] =	ssyncadd.s32 $0xFFFFF000  }
0xe6: {  	v0 =	vld [tilespmem:s10+$0x0]  }
0xe7: {  	v1 =	vld [tilespmem:s10+$0xFFFFFFA0]  }
0xe8: {  	v2 =	vld [tilespmem:s10+$0xFFFFFFB0]  }
0xe9: {  	v3 =	vld [tilespmem:s10+$0xFFFFFFC0]  }
0xea: {  	v6 =	vld [tilespmem:s10+$0xFFFFFFD0]  }
0xeb: {  	v7 =	vld [tilespmem:s10+$0xFFFFFFE0]  }
0xec: {  	v8 =	vld [tilespmem:s10+$0xFFFFFFF0]  }
0xed: {  	v9 =	vld [tilespmem:s10+$0xFFFFFF90]  }
0xee: {  	v10 =	vld.idx.msk [tilespmem:v0+s2+$0x0], $0xffff  }
0xef: {  	v11 =	vld.idx.msk [tilespmem:v1+s2+$0x0], $0xffff  }
0xf0: {  	v5 =	vld.idx.msk [tilespmem:v2+s2+$0x0], $0xffff  }
0xf1: {  	v4 =	vld.idx.msk [tilespmem:v3+s2+$0x0], $0xffff  }
0xf2: {  	v3 =	vld.idx.msk [tilespmem:v6+s2+$0x0], $0xffff  }
0xf3: {  	s7 =	simm.s32 $0x1C710;
	v1 =	vld.idx.msk [tilespmem:v7+s2+$0x0], $0xffff  }
0xf4: {  	v0 =	vld.idx.msk [tilespmem:v8+s2+$0x0], $0xffff;
	[tilespmem:s7+$0x0] =	vst v10  }
0xf5: {  	s9 =	simm.s32 $0x0;
	s10 =	simm.s32 $0x19790;
	v2 =	vld.idx.msk [tilespmem:v9+s2+$0x0], $0xffff;
	[tilespmem:s7+$0xFFFFFFA0] =	vst v11  }
.LBB2_11:
0xf6: {  	v6 =	vld [tilespmem:s10+$0x0];
	s9 =	sadd.s32 $0x80, s9;
	[tilespmem:s7+$0xFFFFFFB0] =	vst v5  }
0xf7: {  	v5 =	vld [tilespmem:s10+$0xFFFFFFA0];
	p0 =	slt.u32 s9, $0xF80;
	[tilespmem:s7+$0xFFFFFFC0] =	vst v4  }
0xf8: {  	v4 =	vld [tilespmem:s10+$0xFFFFFFB0];
	[tilespmem:s7+$0xFFFFFFD0] =	vst v3  }
0xf9: {  	v3 =	vld [tilespmem:s10+$0xFFFFFFC0];
	[tilespmem:s7+$0xFFFFFFE0] =	vst v1  }
0xfa: {  	v1 =	vld [tilespmem:s10+$0xFFFFFFD0];
	[tilespmem:s7+$0xFFFFFFF0] =	vst v0  }
0xfb: {  	v0 =	vld [tilespmem:s10+$0xFFFFFFE0];
	[tilespmem:s7+$0xFFFFFF90] =	vst v2  }
0xfc: {  	v2 =	vld [tilespmem:s10+$0xFFFFFFF0]  }
0xfd: {  	v7 =	vld [tilespmem:s10+$0xFFFFFF90]  }
0xfe: {  	v6 =	vld.idx.msk [tilespmem:v6+s2+$0x0], $0xffff  }
0xff: {  	v8 =	vld.idx.msk [tilespmem:v5+s2+$0x0], $0xffff  }
0x100: {  	v5 =	vld.idx.msk [tilespmem:v4+s2+$0x0], $0xffff  }
.Ltmp4:
0x101: {  	v4 =	vld.idx.msk [tilespmem:v3+s2+$0x0], $0xffff;
	(pc) =	sbr.rel @p0 .LBB2_11-.Ltmp4, $4  }
0x102: {  	v3 =	vld.idx.msk [tilespmem:v1+s2+$0x0], $0xffff  }
0x103: {  	s7 =	sadd.s32 $0x80, s7;
	v1 =	vld.idx.msk [tilespmem:v0+s2+$0x0], $0xffff  }
0x104: {  	v0 =	vld.idx.msk [tilespmem:v2+s2+$0x0], $0xffff;
	[tilespmem:s7+$0x0] =	vst v6  }
0x105: {  	s10 =	sadd.s32 $0x80, s10;
	v2 =	vld.idx.msk [tilespmem:v7+s2+$0x0], $0xffff;
	[tilespmem:s7+$0xFFFFFFA0] =	vst v8  }
0x106: {  	[tilespmem:s7+$0xFFFFFFB0] =	vst v5  }
0x107: {  	[tilespmem:s7+$0xFFFFFFC0] =	vst v4  }
0x108: {  	s9 =	sadd.s32 s15, s16;
	[tilespmem:s7+$0xFFFFFFD0] =	vst v3  }
0x109: {  	s9 =	sshll.u32 s9, $0x9;
	[tilespmem:s7+$0xFFFFFFE0] =	vst v1  }
0x10a: {  	s9 =	sand.u32 $0x1FFFFC00, s9;
	[tilespmem:s7+$0xFFFFFFF0] =	vst v0  }
0x10b: {  	s10 =	sadd.s32 s4, s9;
	[tilespmem:s7+$0xFFFFFF90] =	vst v2  }
0x10c: {  	[hbm4b:s10+s2] =	stream.linear.scatter [tilespmem:s26], [sflag:$0x3], $0x1000, $0x38;
	[tilespmem:$0x1E6A0] =	vst v63  }
0x10d: {  	s9 =	sadd.s32 $0x800, s8  }
0x10e: {  	[tilespmem:s22], [sflag:$0x1] =	stream.linear.gather [hbm4b:s9+s2], $0x1000, $0x38;
	[tilespmem:$0x1E6A0] =	vst v63  }
0x10f: {  	_ =	swait.ge [sflag:s24], $0x1000  }
0x110: {  	[sflag:s24] =	ssyncset.done $0x0  }
0x111: {  	[sflag:s24] =	ssyncadd.s32 $0xFFFFF000  }
0x112: {  	_ =	swait.ge [sflag:s6], $0x1000  }
0x113: {  	[sflag:s6] =	ssyncset.done $0x0  }
0x114: {  	s10 =	simm.s32 $0x1A710;
	[sflag:s6] =	ssyncadd.s32 $0xFFFFF000  }
0x115: {  	v0 =	vld [tilespmem:s10+$0x0]  }
0x116: {  	v1 =	vld [tilespmem:s10+$0xFFFFFFA0]  }
0x117: {  	v2 =	vld [tilespmem:s10+$0xFFFFFFB0]  }
0x118: {  	v3 =	vld [tilespmem:s10+$0xFFFFFFC0]  }
0x119: {  	v6 =	vld [tilespmem:s10+$0xFFFFFFD0]  }
0x11a: {  	v7 =	vld [tilespmem:s10+$0xFFFFFFE0]  }
0x11b: {  	v8 =	vld [tilespmem:s10+$0xFFFFFFF0]  }
0x11c: {  	v9 =	vld [tilespmem:s10+$0xFFFFFF90]  }
0x11d: {  	v10 =	vld.idx.msk [tilespmem:v0+s2+$0x0], $0xffff  }
0x11e: {  	v11 =	vld.idx.msk [tilespmem:v1+s2+$0x0], $0xffff  }
0x11f: {  	v5 =	vld.idx.msk [tilespmem:v2+s2+$0x0], $0xffff  }
0x120: {  	v4 =	vld.idx.msk [tilespmem:v3+s2+$0x0], $0xffff  }
0x121: {  	v3 =	vld.idx.msk [tilespmem:v6+s2+$0x0], $0xffff  }
0x122: {  	s7 =	simm.s32 $0x1D710;
	v1 =	vld.idx.msk [tilespmem:v7+s2+$0x0], $0xffff  }
0x123: {  	v0 =	vld.idx.msk [tilespmem:v8+s2+$0x0], $0xffff;
	[tilespmem:s7+$0x0] =	vst v10  }
0x124: {  	s9 =	simm.s32 $0x0;
	s10 =	simm.s32 $0x1A790;
	v2 =	vld.idx.msk [tilespmem:v9+s2+$0x0], $0xffff;
	[tilespmem:s7+$0xFFFFFFA0] =	vst v11  }
.LBB2_13:
0x125: {  	v6 =	vld [tilespmem:s10+$0x0];
	s9 =	sadd.s32 $0x80, s9;
	[tilespmem:s7+$0xFFFFFFB0] =	vst v5  }
0x126: {  	v5 =	vld [tilespmem:s10+$0xFFFFFFA0];
	p0 =	slt.u32 s9, $0xF80;
	[tilespmem:s7+$0xFFFFFFC0] =	vst v4  }
0x127: {  	v4 =	vld [tilespmem:s10+$0xFFFFFFB0];
	[tilespmem:s7+$0xFFFFFFD0] =	vst v3  }
0x128: {  	v3 =	vld [tilespmem:s10+$0xFFFFFFC0];
	[tilespmem:s7+$0xFFFFFFE0] =	vst v1  }
0x129: {  	v1 =	vld [tilespmem:s10+$0xFFFFFFD0];
	[tilespmem:s7+$0xFFFFFFF0] =	vst v0  }
0x12a: {  	v0 =	vld [tilespmem:s10+$0xFFFFFFE0];
	[tilespmem:s7+$0xFFFFFF90] =	vst v2  }
0x12b: {  	v2 =	vld [tilespmem:s10+$0xFFFFFFF0]  }
0x12c: {  	v7 =	vld [tilespmem:s10+$0xFFFFFF90]  }
0x12d: {  	v6 =	vld.idx.msk [tilespmem:v6+s2+$0x0], $0xffff  }
0x12e: {  	v8 =	vld.idx.msk [tilespmem:v5+s2+$0x0], $0xffff  }
0x12f: {  	v5 =	vld.idx.msk [tilespmem:v4+s2+$0x0], $0xffff  }
.Ltmp5:
0x130: {  	v4 =	vld.idx.msk [tilespmem:v3+s2+$0x0], $0xffff;
	(pc) =	sbr.rel @p0 .LBB2_13-.Ltmp5, $4  }
0x131: {  	v3 =	vld.idx.msk [tilespmem:v1+s2+$0x0], $0xffff  }
0x132: {  	s7 =	sadd.s32 $0x80, s7;
	v1 =	vld.idx.msk [tilespmem:v0+s2+$0x0], $0xffff  }
0x133: {  	v0 =	vld.idx.msk [tilespmem:v2+s2+$0x0], $0xffff;
	[tilespmem:s7+$0x0] =	vst v6  }
0x134: {  	s10 =	sadd.s32 $0x80, s10;
	v2 =	vld.idx.msk [tilespmem:v7+s2+$0x0], $0xffff;
	[tilespmem:s7+$0xFFFFFFA0] =	vst v8  }
0x135: {  	[tilespmem:s7+$0xFFFFFFB0] =	vst v5  }
0x136: {  	[tilespmem:s7+$0xFFFFFFC0] =	vst v4  }
0x137: {  	s9 =	sadd.s32 s0, s16;
	s13 =	sadd.s32 $0x1, s13;
	[tilespmem:s7+$0xFFFFFFD0] =	vst v3  }
0x138: {  	s9 =	sshll.u32 s9, $0x9;
	p0 =	sne.s32 s13, $0xF;
	[tilespmem:s7+$0xFFFFFFE0] =	vst v1  }
.Ltmp6:
0x139: {  	s9 =	sand.u32 $0x1FFFFC00, s9;
	[tilespmem:s7+$0xFFFFFFF0] =	vst v0;
	(pc) =	sbr.rel @p0 .LBB2_8-.Ltmp6, $4  }
0x13a: {  	s10 =	sadd.s32 s4, s9;
	[tilespmem:s7+$0xFFFFFF90] =	vst v2  }
0x13b: {  	[hbm4b:s10+s2] =	stream.linear.scatter [tilespmem:s28], [sflag:$0x4], $0x1000, $0x38;
	[tilespmem:$0x1E6A0] =	vst v63  }
0x13c: {  	s16 =	sadd.s32 $0xA00, s8  }
0x13d: {  	[tilespmem:s23], [sflag:$0x1] =	stream.linear.gather [hbm4b:s16+s2], $0x1000, $0x38;
	[tilespmem:$0x1E6A0] =	vst v63  }
0x13e: {  	_ =	swait.ge [sflag:s24], $0x1000  }
0x13f: {  	[sflag:s24] =	ssyncset.done $0x0  }
0x140: {  	[sflag:s24] =	ssyncadd.s32 $0xFFFFF000  }
0x141: {  	_ =	swait.ge [sflag:s31], $0x1000  }
0x142: {  	[sflag:s31] =	ssyncset.done $0x0  }
0x143: {  	s7 =	simm.s32 $0x186E0;
	[sflag:s31] =	ssyncadd.s32 $0xFFFFF000  }
0x144: {  	v0 =	vld [tilespmem:s7+$0x30]  }
0x145: {  	v1 =	vld [tilespmem:s7+$0xFFFFFFD0]  }
0x146: {  	v2 =	vld [tilespmem:s7+$0xFFFFFFE0]  }
0x147: {  	v3 =	vld [tilespmem:s7+$0xFFFFFFF0]  }
0x148: {  	v4 =	vld [tilespmem:s7+$0x0]  }
0x149: {  	v6 =	vld [tilespmem:s7+$0x10]  }
0x14a: {  	v7 =	vld [tilespmem:s7+$0x20]  }
0x14b: {  	v8 =	vld [tilespmem:s7+$0xFFFFFFC0]  }
0x14c: {  	v9 =	vld.idx.msk [tilespmem:v0+s2+$0x0], $0xffff  }
0x14d: {  	v10 =	vld.idx.msk [tilespmem:v1+s2+$0x0], $0xffff  }
0x14e: {  	v5 =	vld.idx.msk [tilespmem:v2+s2+$0x0], $0xffff  }
0x14f: {  	v3 =	vld.idx.msk [tilespmem:v3+s2+$0x0], $0xffff  }
0x150: {  	v0 =	vld.idx.msk [tilespmem:v4+s2+$0x0], $0xffff  }
0x151: {  	s7 =	simm.s32 $0x1B6E0;
	v1 =	vld.idx.msk [tilespmem:v6+s2+$0x0], $0xffff  }
0x152: {  	v2 =	vld.idx.msk [tilespmem:v7+s2+$0x0], $0xffff;
	[tilespmem:s7+$0x30] =	vst v9  }
0x153: {  	s8 =	simm.s32 $0x0;
	s9 =	simm.s32 $0x18760;
	v4 =	vld.idx.msk [tilespmem:v8+s2+$0x0], $0xffff;
	[tilespmem:s7+$0xFFFFFFD0] =	vst v10  }
.LBB2_16:
0x154: {  	v6 =	vld [tilespmem:s9+$0x30];
	s8 =	sadd.s32 $0x80, s8;
	[tilespmem:s7+$0xFFFFFFE0] =	vst v5  }
0x155: {  	v5 =	vld [tilespmem:s9+$0xFFFFFFD0];
	p0 =	slt.u32 s8, $0xF80;
	[tilespmem:s7+$0xFFFFFFF0] =	vst v3  }
0x156: {  	v3 =	vld [tilespmem:s9+$0xFFFFFFE0];
	[tilespmem:s7+$0x0] =	vst v0  }
0x157: {  	v0 =	vld [tilespmem:s9+$0xFFFFFFF0];
	[tilespmem:s7+$0x10] =	vst v1  }
0x158: {  	v1 =	vld [tilespmem:s9+$0x0];
	[tilespmem:s7+$0x20] =	vst v2  }
0x159: {  	v2 =	vld [tilespmem:s9+$0x10];
	[tilespmem:s7+$0xFFFFFFC0] =	vst v4  }
0x15a: {  	v4 =	vld [tilespmem:s9+$0x20]  }
0x15b: {  	v7 =	vld [tilespmem:s9+$0xFFFFFFC0]  }
0x15c: {  	v6 =	vld.idx.msk [tilespmem:v6+s2+$0x0], $0xffff  }
0x15d: {  	v8 =	vld.idx.msk [tilespmem:v5+s2+$0x0], $0xffff  }
0x15e: {  	v5 =	vld.idx.msk [tilespmem:v3+s2+$0x0], $0xffff  }
.Ltmp7:
0x15f: {  	v3 =	vld.idx.msk [tilespmem:v0+s2+$0x0], $0xffff;
	(pc) =	sbr.rel @p0 .LBB2_16-.Ltmp7, $4  }
0x160: {  	v0 =	vld.idx.msk [tilespmem:v1+s2+$0x0], $0xffff  }
0x161: {  	s7 =	sadd.s32 $0x80, s7;
	v1 =	vld.idx.msk [tilespmem:v2+s2+$0x0], $0xffff  }
0x162: {  	v2 =	vld.idx.msk [tilespmem:v4+s2+$0x0], $0xffff;
	[tilespmem:s7+$0x30] =	vst v6  }
0x163: {  	s9 =	sadd.s32 $0x80, s9;
	v4 =	vld.idx.msk [tilespmem:v7+s2+$0x0], $0xffff;
	[tilespmem:s7+$0xFFFFFFD0] =	vst v8  }
0x164: {  	[tilespmem:s7+$0xFFFFFFE0] =	vst v5  }
0x165: {  	[tilespmem:s7+$0xFFFFFFF0] =	vst v3  }
0x166: {  	[tilespmem:s7+$0x0] =	vst v0  }
0x167: {  	[tilespmem:s7+$0x10] =	vst v1  }
0x168: {  	[tilespmem:s7+$0x20] =	vst v2  }
0x169: {  	[tilespmem:s7+$0xFFFFFFC0] =	vst v4  }
0x16a: {  	s7 =	rddreg [dreg:$0xa]  }
0x16b: {  	[hbm4b:s7+s2] =	stream.linear.scatter [tilespmem:s25], [sflag:$0x2], $0x1000, $0x38;
	[tilespmem:$0x1E6A0] =	vst v63  }
0x16c: {  	_ = 	snop  }
0x16d: {  	[tilespmem:s21], [sflag:$0x1] =	stream.linear.gather [hbm4b:s18+s2], $0x1000, $0x38;
	[tilespmem:$0x1E6A0] =	vst v63  }
0x16e: {  	_ =	swait.ge [sflag:s24], $0x1000  }
0x16f: {  	[sflag:s24] =	ssyncset.done $0x0  }
0x170: {  	[sflag:s24] =	ssyncadd.s32 $0xFFFFF000  }
0x171: {  	_ =	swait.ge [sflag:s1], $0x1000  }
0x172: {  	[sflag:s1] =	ssyncset.done $0x0  }
0x173: {  	s16 =	simm.s32 $0x19710;
	[sflag:s1] =	ssyncadd.s32 $0xFFFFF000  }
0x174: {  	v0 =	vld [tilespmem:s16+$0x0]  }
0x175: {  	v1 =	vld [tilespmem:s16+$0xFFFFFFA0]  }
0x176: {  	v2 =	vld [tilespmem:s16+$0xFFFFFFB0]  }
0x177: {  	v3 =	vld [tilespmem:s16+$0xFFFFFFC0]  }
0x178: {  	v4 =	vld [tilespmem:s16+$0xFFFFFFD0]  }
0x179: {  	v6 =	vld [tilespmem:s16+$0xFFFFFFE0]  }
0x17a: {  	v7 =	vld [tilespmem:s16+$0xFFFFFFF0]  }
0x17b: {  	v8 =	vld [tilespmem:s16+$0xFFFFFF90]  }
0x17c: {  	v9 =	vld.idx.msk [tilespmem:v0+s2+$0x0], $0xffff  }
0x17d: {  	v10 =	vld.idx.msk [tilespmem:v1+s2+$0x0], $0xffff  }
0x17e: {  	v5 =	vld.idx.msk [tilespmem:v2+s2+$0x0], $0xffff  }
0x17f: {  	v3 =	vld.idx.msk [tilespmem:v3+s2+$0x0], $0xffff  }
0x180: {  	v0 =	vld.idx.msk [tilespmem:v4+s2+$0x0], $0xffff  }
0x181: {  	s7 =	simm.s32 $0x1C710;
	v1 =	vld.idx.msk [tilespmem:v6+s2+$0x0], $0xffff  }
0x182: {  	v2 =	vld.idx.msk [tilespmem:v7+s2+$0x0], $0xffff;
	[tilespmem:s7+$0x0] =	vst v9  }
0x183: {  	s8 =	simm.s32 $0x0;
	s9 =	simm.s32 $0x19790;
	v4 =	vld.idx.msk [tilespmem:v8+s2+$0x0], $0xffff;
	[tilespmem:s7+$0xFFFFFFA0] =	vst v10  }
.LBB2_18:
0x184: {  	v6 =	vld [tilespmem:s9+$0x0];
	s8 =	sadd.s32 $0x80, s8;
	[tilespmem:s7+$0xFFFFFFB0] =	vst v5  }
0x185: {  	v5 =	vld [tilespmem:s9+$0xFFFFFFA0];
	p0 =	slt.u32 s8, $0xF80;
	[tilespmem:s7+$0xFFFFFFC0] =	vst v3  }
0x186: {  	v3 =	vld [tilespmem:s9+$0xFFFFFFB0];
	[tilespmem:s7+$0xFFFFFFD0] =	vst v0  }
0x187: {  	v0 =	vld [tilespmem:s9+$0xFFFFFFC0];
	[tilespmem:s7+$0xFFFFFFE0] =	vst v1  }
0x188: {  	v1 =	vld [tilespmem:s9+$0xFFFFFFD0];
	[tilespmem:s7+$0xFFFFFFF0] =	vst v2  }
0x189: {  	v2 =	vld [tilespmem:s9+$0xFFFFFFE0];
	[tilespmem:s7+$0xFFFFFF90] =	vst v4  }
0x18a: {  	v4 =	vld [tilespmem:s9+$0xFFFFFFF0]  }
0x18b: {  	v7 =	vld [tilespmem:s9+$0xFFFFFF90]  }
0x18c: {  	v6 =	vld.idx.msk [tilespmem:v6+s2+$0x0], $0xffff  }
0x18d: {  	v8 =	vld.idx.msk [tilespmem:v5+s2+$0x0], $0xffff  }
0x18e: {  	v5 =	vld.idx.msk [tilespmem:v3+s2+$0x0], $0xffff  }
.Ltmp8:
0x18f: {  	v3 =	vld.idx.msk [tilespmem:v0+s2+$0x0], $0xffff;
	(pc) =	sbr.rel @p0 .LBB2_18-.Ltmp8, $4  }
0x190: {  	v0 =	vld.idx.msk [tilespmem:v1+s2+$0x0], $0xffff  }
0x191: {  	s7 =	sadd.s32 $0x80, s7;
	v1 =	vld.idx.msk [tilespmem:v2+s2+$0x0], $0xffff  }
0x192: {  	v2 =	vld.idx.msk [tilespmem:v4+s2+$0x0], $0xffff;
	[tilespmem:s7+$0x0] =	vst v6  }
0x193: {  	s9 =	sadd.s32 $0x80, s9;
	v4 =	vld.idx.msk [tilespmem:v7+s2+$0x0], $0xffff;
	[tilespmem:s7+$0xFFFFFFA0] =	vst v8  }
0x194: {  	[tilespmem:s7+$0xFFFFFFB0] =	vst v5  }
0x195: {  	[tilespmem:s7+$0xFFFFFFC0] =	vst v3  }
0x196: {  	[tilespmem:s7+$0xFFFFFFD0] =	vst v0  }
0x197: {  	[tilespmem:s7+$0xFFFFFFE0] =	vst v1  }
0x198: {  	[tilespmem:s7+$0xFFFFFFF0] =	vst v2  }
0x199: {  	[tilespmem:s7+$0xFFFFFF90] =	vst v4  }
0x19a: {  	s7 =	rddreg [dreg:$0xb]  }
0x19b: {  	[hbm4b:s7+s2] =	stream.linear.scatter [tilespmem:s26], [sflag:$0x3], $0x1000, $0x38;
	[tilespmem:$0x1E6A0] =	vst v63  }
0x19c: {  	_ = 	snop  }
0x19d: {  	[tilespmem:s22], [sflag:$0x1] =	stream.linear.gather [hbm4b:s20+s2], $0x1000, $0x38;
	[tilespmem:$0x1E6A0] =	vst v63  }
0x19e: {  	_ =	swait.ge [sflag:s24], $0x1000  }
0x19f: {  	[sflag:s24] =	ssyncset.done $0x0  }
0x1a0: {  	[sflag:s24] =	ssyncadd.s32 $0xFFFFF000  }
0x1a1: {  	_ =	swait.ge [sflag:s6], $0x1000  }
0x1a2: {  	[sflag:s6] =	ssyncset.done $0x0  }
0x1a3: {  	s16 =	simm.s32 $0x1A710;
	[sflag:s6] =	ssyncadd.s32 $0xFFFFF000  }
0x1a4: {  	v0 =	vld [tilespmem:s16+$0x0]  }
0x1a5: {  	v1 =	vld [tilespmem:s16+$0xFFFFFFA0]  }
0x1a6: {  	v2 =	vld [tilespmem:s16+$0xFFFFFFB0]  }
0x1a7: {  	v3 =	vld [tilespmem:s16+$0xFFFFFFC0]  }
0x1a8: {  	v4 =	vld [tilespmem:s16+$0xFFFFFFD0]  }
0x1a9: {  	v6 =	vld [tilespmem:s16+$0xFFFFFFE0]  }
0x1aa: {  	v7 =	vld [tilespmem:s16+$0xFFFFFFF0]  }
0x1ab: {  	v8 =	vld [tilespmem:s16+$0xFFFFFF90]  }
0x1ac: {  	v9 =	vld.idx.msk [tilespmem:v0+s2+$0x0], $0xffff  }
0x1ad: {  	v10 =	vld.idx.msk [tilespmem:v1+s2+$0x0], $0xffff  }
0x1ae: {  	v5 =	vld.idx.msk [tilespmem:v2+s2+$0x0], $0xffff  }
0x1af: {  	v3 =	vld.idx.msk [tilespmem:v3+s2+$0x0], $0xffff  }
0x1b0: {  	v0 =	vld.idx.msk [tilespmem:v4+s2+$0x0], $0xffff  }
0x1b1: {  	s7 =	simm.s32 $0x1D710;
	v1 =	vld.idx.msk [tilespmem:v6+s2+$0x0], $0xffff  }
0x1b2: {  	v2 =	vld.idx.msk [tilespmem:v7+s2+$0x0], $0xffff;
	[tilespmem:s7+$0x0] =	vst v9  }
0x1b3: {  	s8 =	simm.s32 $0x0;
	s9 =	simm.s32 $0x1A790;
	v4 =	vld.idx.msk [tilespmem:v8+s2+$0x0], $0xffff;
	[tilespmem:s7+$0xFFFFFFA0] =	vst v10  }
.LBB2_20:
0x1b4: {  	v6 =	vld [tilespmem:s9+$0x0];
	s8 =	sadd.s32 $0x80, s8;
	[tilespmem:s7+$0xFFFFFFB0] =	vst v5  }
0x1b5: {  	v5 =	vld [tilespmem:s9+$0xFFFFFFA0];
	p0 =	slt.u32 s8, $0xF80;
	[tilespmem:s7+$0xFFFFFFC0] =	vst v3  }
0x1b6: {  	v3 =	vld [tilespmem:s9+$0xFFFFFFB0];
	[tilespmem:s7+$0xFFFFFFD0] =	vst v0  }
0x1b7: {  	v0 =	vld [tilespmem:s9+$0xFFFFFFC0];
	[tilespmem:s7+$0xFFFFFFE0] =	vst v1  }
0x1b8: {  	v1 =	vld [tilespmem:s9+$0xFFFFFFD0];
	[tilespmem:s7+$0xFFFFFFF0] =	vst v2  }
0x1b9: {  	v2 =	vld [tilespmem:s9+$0xFFFFFFE0];
	[tilespmem:s7+$0xFFFFFF90] =	vst v4  }
0x1ba: {  	v4 =	vld [tilespmem:s9+$0xFFFFFFF0]  }
0x1bb: {  	v7 =	vld [tilespmem:s9+$0xFFFFFF90]  }
0x1bc: {  	v6 =	vld.idx.msk [tilespmem:v6+s2+$0x0], $0xffff  }
0x1bd: {  	v8 =	vld.idx.msk [tilespmem:v5+s2+$0x0], $0xffff  }
0x1be: {  	v5 =	vld.idx.msk [tilespmem:v3+s2+$0x0], $0xffff  }
.Ltmp9:
0x1bf: {  	v3 =	vld.idx.msk [tilespmem:v0+s2+$0x0], $0xffff;
	(pc) =	sbr.rel @p0 .LBB2_20-.Ltmp9, $4  }
0x1c0: {  	v0 =	vld.idx.msk [tilespmem:v1+s2+$0x0], $0xffff  }
0x1c1: {  	s7 =	sadd.s32 $0x80, s7;
	v1 =	vld.idx.msk [tilespmem:v2+s2+$0x0], $0xffff  }
0x1c2: {  	v2 =	vld.idx.msk [tilespmem:v4+s2+$0x0], $0xffff;
	[tilespmem:s7+$0x0] =	vst v6  }
0x1c3: {  	s9 =	sadd.s32 $0x80, s9;
	v4 =	vld.idx.msk [tilespmem:v7+s2+$0x0], $0xffff;
	[tilespmem:s7+$0xFFFFFFA0] =	vst v8  }
0x1c4: {  	[tilespmem:s7+$0xFFFFFFB0] =	vst v5  }
0x1c5: {  	[tilespmem:s7+$0xFFFFFFC0] =	vst v3  }
0x1c6: {  	[tilespmem:s7+$0xFFFFFFD0] =	vst v0  }
0x1c7: {  	[tilespmem:s7+$0xFFFFFFE0] =	vst v1  }
0x1c8: {  	[tilespmem:s7+$0xFFFFFFF0] =	vst v2  }
0x1c9: {  	[tilespmem:s7+$0xFFFFFF90] =	vst v4  }
0x1ca: {  	s7 =	rddreg [dreg:$0xc]  }
0x1cb: {  	[hbm4b:s7+s2] =	stream.linear.scatter [tilespmem:s28], [sflag:$0x4], $0x1000, $0x38;
	[tilespmem:$0x1E6A0] =	vst v63  }
0x1cc: {  	_ =	swait.ge [sflag:s24], $0x1000  }
0x1cd: {  	[sflag:s24] =	ssyncset.done $0x0  }
0x1ce: {  	[sflag:s24] =	ssyncadd.s32 $0xFFFFF000  }
0x1cf: {  	_ =	swait.ge [sflag:s31], $0x1000  }
0x1d0: {  	[sflag:s31] =	ssyncset.done $0x0  }
0x1d1: {  	s16 =	simm.s32 $0x186E0;
	[sflag:s31] =	ssyncadd.s32 $0xFFFFF000  }
0x1d2: {  	v0 =	vld [tilespmem:s16+$0x30]  }
0x1d3: {  	v1 =	vld [tilespmem:s16+$0xFFFFFFD0]  }
0x1d4: {  	v2 =	vld [tilespmem:s16+$0xFFFFFFE0]  }
0x1d5: {  	v3 =	vld [tilespmem:s16+$0xFFFFFFF0]  }
0x1d6: {  	v4 =	vld [tilespmem:s16+$0x0]  }
0x1d7: {  	v6 =	vld [tilespmem:s16+$0x10]  }
0x1d8: {  	v7 =	vld [tilespmem:s16+$0x20]  }
0x1d9: {  	v8 =	vld [tilespmem:s16+$0xFFFFFFC0]  }
0x1da: {  	v9 =	vld.idx.msk [tilespmem:v0+s2+$0x0], $0xffff  }
0x1db: {  	v10 =	vld.idx.msk [tilespmem:v1+s2+$0x0], $0xffff  }
0x1dc: {  	v5 =	vld.idx.msk [tilespmem:v2+s2+$0x0], $0xffff  }
0x1dd: {  	v3 =	vld.idx.msk [tilespmem:v3+s2+$0x0], $0xffff  }
0x1de: {  	v0 =	vld.idx.msk [tilespmem:v4+s2+$0x0], $0xffff  }
0x1df: {  	s7 =	simm.s32 $0x1B6E0;
	v1 =	vld.idx.msk [tilespmem:v6+s2+$0x0], $0xffff  }
0x1e0: {  	v2 =	vld.idx.msk [tilespmem:v7+s2+$0x0], $0xffff;
	[tilespmem:s7+$0x30] =	vst v9  }
0x1e1: {  	s8 =	simm.s32 $0x0;
	s9 =	simm.s32 $0x18760;
	v4 =	vld.idx.msk [tilespmem:v8+s2+$0x0], $0xffff;
	[tilespmem:s7+$0xFFFFFFD0] =	vst v10  }
.LBB2_22:
0x1e2: {  	v6 =	vld [tilespmem:s9+$0x30];
	s8 =	sadd.s32 $0x80, s8;
	[tilespmem:s7+$0xFFFFFFE0] =	vst v5  }
0x1e3: {  	v5 =	vld [tilespmem:s9+$0xFFFFFFD0];
	p0 =	slt.u32 s8, $0xF80;
	[tilespmem:s7+$0xFFFFFFF0] =	vst v3  }
0x1e4: {  	v3 =	vld [tilespmem:s9+$0xFFFFFFE0];
	[tilespmem:s7+$0x0] =	vst v0  }
0x1e5: {  	v0 =	vld [tilespmem:s9+$0xFFFFFFF0];
	[tilespmem:s7+$0x10] =	vst v1  }
0x1e6: {  	v1 =	vld [tilespmem:s9+$0x0];
	[tilespmem:s7+$0x20] =	vst v2  }
0x1e7: {  	v2 =	vld [tilespmem:s9+$0x10];
	[tilespmem:s7+$0xFFFFFFC0] =	vst v4  }
0x1e8: {  	v4 =	vld [tilespmem:s9+$0x20]  }
0x1e9: {  	v7 =	vld [tilespmem:s9+$0xFFFFFFC0]  }
0x1ea: {  	v6 =	vld.idx.msk [tilespmem:v6+s2+$0x0], $0xffff  }
0x1eb: {  	v8 =	vld.idx.msk [tilespmem:v5+s2+$0x0], $0xffff  }
0x1ec: {  	v5 =	vld.idx.msk [tilespmem:v3+s2+$0x0], $0xffff  }
.Ltmp10:
0x1ed: {  	v3 =	vld.idx.msk [tilespmem:v0+s2+$0x0], $0xffff;
	(pc) =	sbr.rel @p0 .LBB2_22-.Ltmp10, $4  }
0x1ee: {  	v0 =	vld.idx.msk [tilespmem:v1+s2+$0x0], $0xffff  }
0x1ef: {  	s7 =	sadd.s32 $0x80, s7;
	v1 =	vld.idx.msk [tilespmem:v2+s2+$0x0], $0xffff  }
0x1f0: {  	v2 =	vld.idx.msk [tilespmem:v4+s2+$0x0], $0xffff;
	[tilespmem:s7+$0x30] =	vst v6  }
0x1f1: {  	s9 =	sadd.s32 $0x80, s9;
	v4 =	vld.idx.msk [tilespmem:v7+s2+$0x0], $0xffff;
	[tilespmem:s7+$0xFFFFFFD0] =	vst v8  }
0x1f2: {  	[tilespmem:s7+$0xFFFFFFE0] =	vst v5  }
0x1f3: {  	[tilespmem:s7+$0xFFFFFFF0] =	vst v3  }
0x1f4: {  	[tilespmem:s7+$0x0] =	vst v0  }
0x1f5: {  	[tilespmem:s7+$0x10] =	vst v1  }
0x1f6: {  	[tilespmem:s7+$0x20] =	vst v2  }
0x1f7: {  	[tilespmem:s7+$0xFFFFFFC0] =	vst v4  }
0x1f8: {  	s7 =	rddreg [dreg:$0xe]  }
0x1f9: {  	[hbm4b:s7+s2] =	stream.linear.scatter [tilespmem:s25], [sflag:$0x2], $0x1000, $0x38;
	[tilespmem:$0x1E6A0] =	vst v63  }
0x1fa: {  	_ =	swait.ge [sflag:s24], $0x1000  }
0x1fb: {  	[sflag:s24] =	ssyncset.done $0x0  }
0x1fc: {  	[sflag:s24] =	ssyncadd.s32 $0xFFFFF000  }
0x1fd: {  	_ =	swait.ge [sflag:s1], $0x1000  }
0x1fe: {  	[sflag:s1] =	ssyncset.done $0x0  }
0x1ff: {  	s16 =	simm.s32 $0x19710;
	[sflag:s1] =	ssyncadd.s32 $0xFFFFF000  }
0x200: {  	v0 =	vld [tilespmem:s16+$0x0]  }
0x201: {  	v1 =	vld [tilespmem:s16+$0xFFFFFFA0]  }
0x202: {  	v2 =	vld [tilespmem:s16+$0xFFFFFFB0]  }
0x203: {  	v3 =	vld [tilespmem:s16+$0xFFFFFFC0]  }
0x204: {  	v4 =	vld [tilespmem:s16+$0xFFFFFFD0]  }
0x205: {  	v6 =	vld [tilespmem:s16+$0xFFFFFFE0]  }
0x206: {  	v7 =	vld [tilespmem:s16+$0xFFFFFFF0]  }
0x207: {  	v8 =	vld [tilespmem:s16+$0xFFFFFF90]  }
0x208: {  	v9 =	vld.idx.msk [tilespmem:v0+s2+$0x0], $0xffff  }
0x209: {  	v10 =	vld.idx.msk [tilespmem:v1+s2+$0x0], $0xffff  }
0x20a: {  	v5 =	vld.idx.msk [tilespmem:v2+s2+$0x0], $0xffff  }
0x20b: {  	v3 =	vld.idx.msk [tilespmem:v3+s2+$0x0], $0xffff  }
0x20c: {  	v0 =	vld.idx.msk [tilespmem:v4+s2+$0x0], $0xffff  }
0x20d: {  	s7 =	simm.s32 $0x1C710;
	v1 =	vld.idx.msk [tilespmem:v6+s2+$0x0], $0xffff  }
0x20e: {  	v2 =	vld.idx.msk [tilespmem:v7+s2+$0x0], $0xffff;
	[tilespmem:s7+$0x0] =	vst v9  }
0x20f: {  	s8 =	simm.s32 $0x0;
	s9 =	simm.s32 $0x19790;
	v4 =	vld.idx.msk [tilespmem:v8+s2+$0x0], $0xffff;
	[tilespmem:s7+$0xFFFFFFA0] =	vst v10  }
.LBB2_24:
0x210: {  	v6 =	vld [tilespmem:s9+$0x0];
	s8 =	sadd.s32 $0x80, s8;
	[tilespmem:s7+$0xFFFFFFB0] =	vst v5  }
0x211: {  	v5 =	vld [tilespmem:s9+$0xFFFFFFA0];
	p0 =	slt.u32 s8, $0xF80;
	[tilespmem:s7+$0xFFFFFFC0] =	vst v3  }
0x212: {  	v3 =	vld [tilespmem:s9+$0xFFFFFFB0];
	[tilespmem:s7+$0xFFFFFFD0] =	vst v0  }
0x213: {  	v0 =	vld [tilespmem:s9+$0xFFFFFFC0];
	[tilespmem:s7+$0xFFFFFFE0] =	vst v1  }
0x214: {  	v1 =	vld [tilespmem:s9+$0xFFFFFFD0];
	[tilespmem:s7+$0xFFFFFFF0] =	vst v2  }
0x215: {  	v2 =	vld [tilespmem:s9+$0xFFFFFFE0];
	[tilespmem:s7+$0xFFFFFF90] =	vst v4  }
0x216: {  	v4 =	vld [tilespmem:s9+$0xFFFFFFF0]  }
0x217: {  	v7 =	vld [tilespmem:s9+$0xFFFFFF90]  }
0x218: {  	v6 =	vld.idx.msk [tilespmem:v6+s2+$0x0], $0xffff  }
0x219: {  	v8 =	vld.idx.msk [tilespmem:v5+s2+$0x0], $0xffff  }
0x21a: {  	v5 =	vld.idx.msk [tilespmem:v3+s2+$0x0], $0xffff  }
.Ltmp11:
0x21b: {  	v3 =	vld.idx.msk [tilespmem:v0+s2+$0x0], $0xffff;
	(pc) =	sbr.rel @p0 .LBB2_24-.Ltmp11, $4  }
0x21c: {  	v0 =	vld.idx.msk [tilespmem:v1+s2+$0x0], $0xffff  }
0x21d: {  	s7 =	sadd.s32 $0x80, s7;
	v1 =	vld.idx.msk [tilespmem:v2+s2+$0x0], $0xffff  }
0x21e: {  	v2 =	vld.idx.msk [tilespmem:v4+s2+$0x0], $0xffff;
	[tilespmem:s7+$0x0] =	vst v6  }
0x21f: {  	s9 =	sadd.s32 $0x80, s9;
	v4 =	vld.idx.msk [tilespmem:v7+s2+$0x0], $0xffff;
	[tilespmem:s7+$0xFFFFFFA0] =	vst v8  }
0x220: {  	[tilespmem:s7+$0xFFFFFFB0] =	vst v5  }
0x221: {  	[tilespmem:s7+$0xFFFFFFC0] =	vst v3  }
0x222: {  	[tilespmem:s7+$0xFFFFFFD0] =	vst v0  }
0x223: {  	[tilespmem:s7+$0xFFFFFFE0] =	vst v1  }
0x224: {  	[tilespmem:s7+$0xFFFFFFF0] =	vst v2  }
0x225: {  	[tilespmem:s7+$0xFFFFFF90] =	vst v4  }
0x226: {  	s7 =	rddreg [dreg:$0x11]  }
0x227: {  	[hbm4b:s7+s2] =	stream.linear.scatter [tilespmem:s26], [sflag:$0x3], $0x1000, $0x38;
	[tilespmem:$0x1E6A0] =	vst v63  }
0x228: {  	_ =	swait.ge [sflag:s6], $0x1000  }
0x229: {  	[sflag:s6] =	ssyncset.done $0x0  }
0x22a: {  	[sflag:s6] =	ssyncadd.s32 $0xFFFFF000  }
0x22b: {  	_ =	swait.ge [sflag:s31], $0x1000  }
0x22c: {  	[sflag:s31] =	ssyncset.done $0x0  }
0x22d: {  	[sflag:s31] =	ssyncadd.s32 $0xFFFFF000  }
0x22e: {  	_ =	swait.ge [sflag:s1], $0x1000  }
0x22f: {  	[sflag:s1] =	ssyncset.done $0x0  }
0x230: {  	s9 =	rddreg [dreg:$0xd];
	[sflag:s1] =	ssyncadd.s32 $0xFFFFF000  }
0x231: {  	[tilespmem:s2], [sflag:$0x5] =	stream.linear.gather [hbm4b:s9+s2], $0x186A0, $0x38;
	[tilespmem:$0x1E6A0] =	vst v63  }
0x232: {  	_ =	swait.ge [sflag:s19], $0x186A0  }
0x233: {  	[sflag:s19] =	ssyncset.done $0x0  }
0x234: {  	[sflag:s19] =	ssyncadd.s32 $0xFFFE7960  }
0x235: {  	[tilespmem:s21], [sflag:$0x1] =	stream.linear.gather [hbm4b:s3+s2], $0x1000, $0x38;
	[tilespmem:$0x1E6A0] =	vst v63  }
0x236: {  	s10 =	rddreg [dreg:$0x4]  }
0x237: {  	[tilespmem:s22], [sflag:$0x1] =	stream.linear.gather [hbm4b:s10+s2], $0x1000, $0x38;
	[tilespmem:$0x1E6A0] =	vst v63  }
0x238: {  	s13 =	rddreg [dreg:$0x6]  }
0x239: {  	[tilespmem:s23], [sflag:$0x1] =	stream.linear.gather [hbm4b:s13+s2], $0x1000, $0x38;
	[tilespmem:$0x1E6A0] =	vst v63  }
0x23a: {  	_ =	swait.ge [sflag:s24], $0x1000  }
0x23b: {  	[sflag:s24] =	ssyncset.done $0x0  }
0x23c: {  	s16 =	simm.s32 $0x186E0;
	[sflag:s24] =	ssyncadd.s32 $0xFFFFF000  }
0x23d: {  	v0 =	vld [tilespmem:s16+$0x30]  }
0x23e: {  	v1 =	vld [tilespmem:s16+$0xFFFFFFD0]  }
0x23f: {  	v2 =	vld [tilespmem:s16+$0xFFFFFFE0]  }
0x240: {  	v3 =	vld [tilespmem:s16+$0xFFFFFFF0]  }
0x241: {  	v4 =	vld [tilespmem:s16+$0x0]  }
0x242: {  	v6 =	vld [tilespmem:s16+$0x10]  }
0x243: {  	v7 =	vld [tilespmem:s16+$0x20]  }
0x244: {  	v8 =	vld [tilespmem:s16+$0xFFFFFFC0]  }
0x245: {  	v9 =	vld.idx.msk [tilespmem:v0+s2+$0x0], $0xffff  }
0x246: {  	v10 =	vld.idx.msk [tilespmem:v1+s2+$0x0], $0xffff  }
0x247: {  	v5 =	vld.idx.msk [tilespmem:v2+s2+$0x0], $0xffff  }
0x248: {  	v3 =	vld.idx.msk [tilespmem:v3+s2+$0x0], $0xffff  }
0x249: {  	v0 =	vld.idx.msk [tilespmem:v4+s2+$0x0], $0xffff  }
0x24a: {  	s7 =	simm.s32 $0x1B6E0;
	v1 =	vld.idx.msk [tilespmem:v6+s2+$0x0], $0xffff  }
0x24b: {  	v2 =	vld.idx.msk [tilespmem:v7+s2+$0x0], $0xffff;
	[tilespmem:s7+$0x30] =	vst v9  }
0x24c: {  	s8 =	simm.s32 $0x0;
	s9 =	simm.s32 $0x18760;
	v4 =	vld.idx.msk [tilespmem:v8+s2+$0x0], $0xffff;
	[tilespmem:s7+$0xFFFFFFD0] =	vst v10  }
.LBB2_26:
0x24d: {  	v6 =	vld [tilespmem:s9+$0x30];
	s8 =	sadd.s32 $0x80, s8;
	[tilespmem:s7+$0xFFFFFFE0] =	vst v5  }
0x24e: {  	v5 =	vld [tilespmem:s9+$0xFFFFFFD0];
	p0 =	slt.u32 s8, $0xF80;
	[tilespmem:s7+$0xFFFFFFF0] =	vst v3  }
0x24f: {  	v3 =	vld [tilespmem:s9+$0xFFFFFFE0];
	[tilespmem:s7+$0x0] =	vst v0  }
0x250: {  	v0 =	vld [tilespmem:s9+$0xFFFFFFF0];
	[tilespmem:s7+$0x10] =	vst v1  }
0x251: {  	v1 =	vld [tilespmem:s9+$0x0];
	[tilespmem:s7+$0x20] =	vst v2  }
0x252: {  	v2 =	vld [tilespmem:s9+$0x10];
	[tilespmem:s7+$0xFFFFFFC0] =	vst v4  }
0x253: {  	v4 =	vld [tilespmem:s9+$0x20]  }
0x254: {  	v7 =	vld [tilespmem:s9+$0xFFFFFFC0]  }
0x255: {  	v6 =	vld.idx.msk [tilespmem:v6+s2+$0x0], $0xffff  }
0x256: {  	v8 =	vld.idx.msk [tilespmem:v5+s2+$0x0], $0xffff  }
0x257: {  	v5 =	vld.idx.msk [tilespmem:v3+s2+$0x0], $0xffff  }
.Ltmp12:
0x258: {  	v3 =	vld.idx.msk [tilespmem:v0+s2+$0x0], $0xffff;
	(pc) =	sbr.rel @p0 .LBB2_26-.Ltmp12, $4  }
0x259: {  	v0 =	vld.idx.msk [tilespmem:v1+s2+$0x0], $0xffff  }
0x25a: {  	s7 =	sadd.s32 $0x80, s7;
	v1 =	vld.idx.msk [tilespmem:v2+s2+$0x0], $0xffff  }
0x25b: {  	v2 =	vld.idx.msk [tilespmem:v4+s2+$0x0], $0xffff;
	[tilespmem:s7+$0x30] =	vst v6  }
0x25c: {  	s9 =	sadd.s32 $0x80, s9;
	v4 =	vld.idx.msk [tilespmem:v7+s2+$0x0], $0xffff;
	[tilespmem:s7+$0xFFFFFFD0] =	vst v8  }
0x25d: {  	[tilespmem:s7+$0xFFFFFFE0] =	vst v5  }
0x25e: {  	[tilespmem:s7+$0xFFFFFFF0] =	vst v3  }
0x25f: {  	[tilespmem:s7+$0x0] =	vst v0  }
0x260: {  	[tilespmem:s7+$0x10] =	vst v1  }
0x261: {  	[tilespmem:s7+$0x20] =	vst v2  }
0x262: {  	[tilespmem:s7+$0xFFFFFFC0] =	vst v4  }
0x263: {  	s7 =	rddreg [dreg:$0xf]  }
0x264: {  	[hbm4b:s7+s2] =	stream.linear.scatter [tilespmem:s25], [sflag:$0x2], $0x1000, $0x38;
	[tilespmem:$0x1E6A0] =	vst v63  }
0x265: {  	s13 =	rddreg [dreg:$0x7]  }
0x266: {  	[tilespmem:s21], [sflag:$0x1] =	stream.linear.gather [hbm4b:s13+s2], $0x1000, $0x38;
	[tilespmem:$0x1E6A0] =	vst v63  }
0x267: {  	_ =	swait.ge [sflag:s24], $0x1000  }
0x268: {  	[sflag:s24] =	ssyncset.done $0x0  }
0x269: {  	s16 =	simm.s32 $0x19710;
	[sflag:s24] =	ssyncadd.s32 $0xFFFFF000  }
0x26a: {  	v0 =	vld [tilespmem:s16+$0x0]  }
0x26b: {  	v1 =	vld [tilespmem:s16+$0xFFFFFFA0]  }
0x26c: {  	v2 =	vld [tilespmem:s16+$0xFFFFFFB0]  }
0x26d: {  	v3 =	vld [tilespmem:s16+$0xFFFFFFC0]  }
0x26e: {  	v4 =	vld [tilespmem:s16+$0xFFFFFFD0]  }
0x26f: {  	v6 =	vld [tilespmem:s16+$0xFFFFFFE0]  }
0x270: {  	v7 =	vld [tilespmem:s16+$0xFFFFFFF0]  }
0x271: {  	v8 =	vld [tilespmem:s16+$0xFFFFFF90]  }
0x272: {  	v9 =	vld.idx.msk [tilespmem:v0+s2+$0x0], $0xffff  }
0x273: {  	v10 =	vld.idx.msk [tilespmem:v1+s2+$0x0], $0xffff  }
0x274: {  	v5 =	vld.idx.msk [tilespmem:v2+s2+$0x0], $0xffff  }
0x275: {  	v3 =	vld.idx.msk [tilespmem:v3+s2+$0x0], $0xffff  }
0x276: {  	v0 =	vld.idx.msk [tilespmem:v4+s2+$0x0], $0xffff  }
0x277: {  	s7 =	simm.s32 $0x1C710;
	v1 =	vld.idx.msk [tilespmem:v6+s2+$0x0], $0xffff  }
0x278: {  	v2 =	vld.idx.msk [tilespmem:v7+s2+$0x0], $0xffff;
	[tilespmem:s7+$0x0] =	vst v9  }
0x279: {  	s8 =	simm.s32 $0x0;
	s9 =	simm.s32 $0x19790;
	v4 =	vld.idx.msk [tilespmem:v8+s2+$0x0], $0xffff;
	[tilespmem:s7+$0xFFFFFFA0] =	vst v10  }
.LBB2_28:
0x27a: {  	v6 =	vld [tilespmem:s9+$0x0];
	s8 =	sadd.s32 $0x80, s8;
	[tilespmem:s7+$0xFFFFFFB0] =	vst v5  }
0x27b: {  	v5 =	vld [tilespmem:s9+$0xFFFFFFA0];
	p0 =	slt.u32 s8, $0xF80;
	[tilespmem:s7+$0xFFFFFFC0] =	vst v3  }
0x27c: {  	v3 =	vld [tilespmem:s9+$0xFFFFFFB0];
	[tilespmem:s7+$0xFFFFFFD0] =	vst v0  }
0x27d: {  	v0 =	vld [tilespmem:s9+$0xFFFFFFC0];
	[tilespmem:s7+$0xFFFFFFE0] =	vst v1  }
0x27e: {  	v1 =	vld [tilespmem:s9+$0xFFFFFFD0];
	[tilespmem:s7+$0xFFFFFFF0] =	vst v2  }
0x27f: {  	v2 =	vld [tilespmem:s9+$0xFFFFFFE0];
	[tilespmem:s7+$0xFFFFFF90] =	vst v4  }
0x280: {  	v4 =	vld [tilespmem:s9+$0xFFFFFFF0]  }
0x281: {  	v7 =	vld [tilespmem:s9+$0xFFFFFF90]  }
0x282: {  	v6 =	vld.idx.msk [tilespmem:v6+s2+$0x0], $0xffff  }
0x283: {  	v8 =	vld.idx.msk [tilespmem:v5+s2+$0x0], $0xffff  }
0x284: {  	v5 =	vld.idx.msk [tilespmem:v3+s2+$0x0], $0xffff  }
.Ltmp13:
0x285: {  	v3 =	vld.idx.msk [tilespmem:v0+s2+$0x0], $0xffff;
	(pc) =	sbr.rel @p0 .LBB2_28-.Ltmp13, $4  }
0x286: {  	v0 =	vld.idx.msk [tilespmem:v1+s2+$0x0], $0xffff  }
0x287: {  	s7 =	sadd.s32 $0x80, s7;
	v1 =	vld.idx.msk [tilespmem:v2+s2+$0x0], $0xffff  }
0x288: {  	v2 =	vld.idx.msk [tilespmem:v4+s2+$0x0], $0xffff;
	[tilespmem:s7+$0x0] =	vst v6  }
0x289: {  	s9 =	sadd.s32 $0x80, s9;
	v4 =	vld.idx.msk [tilespmem:v7+s2+$0x0], $0xffff;
	[tilespmem:s7+$0xFFFFFFA0] =	vst v8  }
0x28a: {  	[tilespmem:s7+$0xFFFFFFB0] =	vst v5  }
0x28b: {  	[tilespmem:s7+$0xFFFFFFC0] =	vst v3  }
0x28c: {  	[tilespmem:s7+$0xFFFFFFD0] =	vst v0  }
0x28d: {  	[tilespmem:s7+$0xFFFFFFE0] =	vst v1  }
0x28e: {  	[tilespmem:s7+$0xFFFFFFF0] =	vst v2  }
0x28f: {  	[tilespmem:s7+$0xFFFFFF90] =	vst v4  }
0x290: {  	s7 =	rddreg [dreg:$0x16]  }
0x291: {  	[hbm4b:s7+s2] =	stream.linear.scatter [tilespmem:s26], [sflag:$0x3], $0x1000, $0x38;
	[tilespmem:$0x1E6A0] =	vst v63  }
0x292: {  	_ = 	snop  }
0x293: {  	[tilespmem:s22], [sflag:$0x1] =	stream.linear.gather [hbm4b:s12+s2], $0x1000, $0x38;
	[tilespmem:$0x1E6A0] =	vst v63  }
0x294: {  	_ =	swait.ge [sflag:s24], $0x1000  }
0x295: {  	[sflag:s24] =	ssyncset.done $0x0  }
0x296: {  	s16 =	simm.s32 $0x1A710;
	[sflag:s24] =	ssyncadd.s32 $0xFFFFF000  }
0x297: {  	v0 =	vld [tilespmem:s16+$0x0]  }
0x298: {  	v1 =	vld [tilespmem:s16+$0xFFFFFFA0]  }
0x299: {  	v2 =	vld [tilespmem:s16+$0xFFFFFFB0]  }
0x29a: {  	v3 =	vld [tilespmem:s16+$0xFFFFFFC0]  }
0x29b: {  	v4 =	vld [tilespmem:s16+$0xFFFFFFD0]  }
0x29c: {  	v6 =	vld [tilespmem:s16+$0xFFFFFFE0]  }
0x29d: {  	v7 =	vld [tilespmem:s16+$0xFFFFFFF0]  }
0x29e: {  	v8 =	vld [tilespmem:s16+$0xFFFFFF90]  }
0x29f: {  	v9 =	vld.idx.msk [tilespmem:v0+s2+$0x0], $0xffff  }
0x2a0: {  	v10 =	vld.idx.msk [tilespmem:v1+s2+$0x0], $0xffff  }
0x2a1: {  	v5 =	vld.idx.msk [tilespmem:v2+s2+$0x0], $0xffff  }
0x2a2: {  	v3 =	vld.idx.msk [tilespmem:v3+s2+$0x0], $0xffff  }
0x2a3: {  	v0 =	vld.idx.msk [tilespmem:v4+s2+$0x0], $0xffff  }
0x2a4: {  	s7 =	simm.s32 $0x1D710;
	v1 =	vld.idx.msk [tilespmem:v6+s2+$0x0], $0xffff  }
0x2a5: {  	v2 =	vld.idx.msk [tilespmem:v7+s2+$0x0], $0xffff;
	[tilespmem:s7+$0x0] =	vst v9  }
0x2a6: {  	s8 =	simm.s32 $0x0;
	s9 =	simm.s32 $0x1A790;
	v4 =	vld.idx.msk [tilespmem:v8+s2+$0x0], $0xffff;
	[tilespmem:s7+$0xFFFFFFA0] =	vst v10  }
.LBB2_30:
0x2a7: {  	v6 =	vld [tilespmem:s9+$0x0];
	s8 =	sadd.s32 $0x80, s8;
	[tilespmem:s7+$0xFFFFFFB0] =	vst v5  }
0x2a8: {  	v5 =	vld [tilespmem:s9+$0xFFFFFFA0];
	p0 =	slt.u32 s8, $0xF80;
	[tilespmem:s7+$0xFFFFFFC0] =	vst v3  }
0x2a9: {  	v3 =	vld [tilespmem:s9+$0xFFFFFFB0];
	[tilespmem:s7+$0xFFFFFFD0] =	vst v0  }
0x2aa: {  	v0 =	vld [tilespmem:s9+$0xFFFFFFC0];
	[tilespmem:s7+$0xFFFFFFE0] =	vst v1  }
0x2ab: {  	v1 =	vld [tilespmem:s9+$0xFFFFFFD0];
	[tilespmem:s7+$0xFFFFFFF0] =	vst v2  }
0x2ac: {  	v2 =	vld [tilespmem:s9+$0xFFFFFFE0];
	[tilespmem:s7+$0xFFFFFF90] =	vst v4  }
0x2ad: {  	v4 =	vld [tilespmem:s9+$0xFFFFFFF0]  }
0x2ae: {  	v7 =	vld [tilespmem:s9+$0xFFFFFF90]  }
0x2af: {  	v6 =	vld.idx.msk [tilespmem:v6+s2+$0x0], $0xffff  }
0x2b0: {  	v8 =	vld.idx.msk [tilespmem:v5+s2+$0x0], $0xffff  }
0x2b1: {  	v5 =	vld.idx.msk [tilespmem:v3+s2+$0x0], $0xffff  }
.Ltmp14:
0x2b2: {  	v3 =	vld.idx.msk [tilespmem:v0+s2+$0x0], $0xffff;
	(pc) =	sbr.rel @p0 .LBB2_30-.Ltmp14, $4  }
0x2b3: {  	v0 =	vld.idx.msk [tilespmem:v1+s2+$0x0], $0xffff  }
0x2b4: {  	s7 =	sadd.s32 $0x80, s7;
	v1 =	vld.idx.msk [tilespmem:v2+s2+$0x0], $0xffff  }
0x2b5: {  	v2 =	vld.idx.msk [tilespmem:v4+s2+$0x0], $0xffff;
	[tilespmem:s7+$0x0] =	vst v6  }
0x2b6: {  	s9 =	sadd.s32 $0x80, s9;
	v4 =	vld.idx.msk [tilespmem:v7+s2+$0x0], $0xffff;
	[tilespmem:s7+$0xFFFFFFA0] =	vst v8  }
0x2b7: {  	[tilespmem:s7+$0xFFFFFFB0] =	vst v5  }
0x2b8: {  	[tilespmem:s7+$0xFFFFFFC0] =	vst v3  }
0x2b9: {  	[tilespmem:s7+$0xFFFFFFD0] =	vst v0  }
0x2ba: {  	[tilespmem:s7+$0xFFFFFFE0] =	vst v1  }
0x2bb: {  	[tilespmem:s7+$0xFFFFFFF0] =	vst v2  }
0x2bc: {  	[tilespmem:s7+$0xFFFFFF90] =	vst v4  }
0x2bd: {  	s7 =	rddreg [dreg:$0x12]  }
0x2be: {  	[hbm4b:s7+s2] =	stream.linear.scatter [tilespmem:s28], [sflag:$0x4], $0x1000, $0x38;
	[tilespmem:$0x1E6A0] =	vst v63  }
0x2bf: {  	s13 =	simm.s32 $0x1  }
0x2c0: {  	[tilespmem:s23], [sflag:$0x1] =	stream.linear.gather [hbm4b:s14+s2], $0x1000, $0x38;
	[tilespmem:$0x1E6A0] =	vst v63  }
.LBB2_32:
0x2c1: {  	_ =	swait.ge [sflag:s24], $0x1000  }
0x2c2: {  	[sflag:s24] =	ssyncset.done $0x0  }
0x2c3: {  	[sflag:s24] =	ssyncadd.s32 $0xFFFFF000  }
0x2c4: {  	_ =	swait.ge [sflag:s31], $0x1000  }
0x2c5: {  	[sflag:s31] =	ssyncset.done $0x0  }
0x2c6: {  	s7 =	simm.s32 $0x186E0;
	[sflag:s31] =	ssyncadd.s32 $0xFFFFF000  }
0x2c7: {  	v0 =	vld [tilespmem:s7+$0x30]  }
0x2c8: {  	v1 =	vld [tilespmem:s7+$0xFFFFFFD0]  }
0x2c9: {  	v2 =	vld [tilespmem:s7+$0xFFFFFFE0]  }
0x2ca: {  	v3 =	vld [tilespmem:s7+$0xFFFFFFF0]  }
0x2cb: {  	v6 =	vld [tilespmem:s7+$0x0]  }
0x2cc: {  	v7 =	vld [tilespmem:s7+$0x10]  }
0x2cd: {  	v8 =	vld [tilespmem:s7+$0x20]  }
0x2ce: {  	v9 =	vld [tilespmem:s7+$0xFFFFFFC0]  }
0x2cf: {  	v10 =	vld.idx.msk [tilespmem:v0+s2+$0x0], $0xffff  }
0x2d0: {  	v11 =	vld.idx.msk [tilespmem:v1+s2+$0x0], $0xffff  }
0x2d1: {  	v5 =	vld.idx.msk [tilespmem:v2+s2+$0x0], $0xffff  }
0x2d2: {  	v4 =	vld.idx.msk [tilespmem:v3+s2+$0x0], $0xffff  }
0x2d3: {  	v3 =	vld.idx.msk [tilespmem:v6+s2+$0x0], $0xffff  }
0x2d4: {  	s8 =	simm.s32 $0x1B6E0;
	v1 =	vld.idx.msk [tilespmem:v7+s2+$0x0], $0xffff  }
0x2d5: {  	v0 =	vld.idx.msk [tilespmem:v8+s2+$0x0], $0xffff;
	[tilespmem:s8+$0x30] =	vst v10  }
0x2d6: {  	s9 =	simm.s32 $0x18760;
	s7 =	simm.s32 $0x0;
	v2 =	vld.idx.msk [tilespmem:v9+s2+$0x0], $0xffff;
	[tilespmem:s8+$0xFFFFFFD0] =	vst v11  }
.LBB2_33:
0x2d7: {  	v6 =	vld [tilespmem:s9+$0x30];
	s7 =	sadd.s32 $0x80, s7;
	[tilespmem:s8+$0xFFFFFFE0] =	vst v5  }
0x2d8: {  	v5 =	vld [tilespmem:s9+$0xFFFFFFD0];
	p0 =	slt.u32 s7, $0xF80;
	[tilespmem:s8+$0xFFFFFFF0] =	vst v4  }
0x2d9: {  	v4 =	vld [tilespmem:s9+$0xFFFFFFE0];
	[tilespmem:s8+$0x0] =	vst v3  }
0x2da: {  	v3 =	vld [tilespmem:s9+$0xFFFFFFF0];
	[tilespmem:s8+$0x10] =	vst v1  }
0x2db: {  	v1 =	vld [tilespmem:s9+$0x0];
	[tilespmem:s8+$0x20] =	vst v0  }
0x2dc: {  	v0 =	vld [tilespmem:s9+$0x10];
	[tilespmem:s8+$0xFFFFFFC0] =	vst v2  }
0x2dd: {  	v2 =	vld [tilespmem:s9+$0x20]  }
0x2de: {  	v7 =	vld [tilespmem:s9+$0xFFFFFFC0]  }
0x2df: {  	v6 =	vld.idx.msk [tilespmem:v6+s2+$0x0], $0xffff  }
0x2e0: {  	v8 =	vld.idx.msk [tilespmem:v5+s2+$0x0], $0xffff  }
0x2e1: {  	v5 =	vld.idx.msk [tilespmem:v4+s2+$0x0], $0xffff  }
.Ltmp15:
0x2e2: {  	v4 =	vld.idx.msk [tilespmem:v3+s2+$0x0], $0xffff;
	(pc) =	sbr.rel @p0 .LBB2_33-.Ltmp15, $4  }
0x2e3: {  	v3 =	vld.idx.msk [tilespmem:v1+s2+$0x0], $0xffff  }
0x2e4: {  	s8 =	sadd.s32 $0x80, s8;
	v1 =	vld.idx.msk [tilespmem:v0+s2+$0x0], $0xffff  }
0x2e5: {  	v0 =	vld.idx.msk [tilespmem:v2+s2+$0x0], $0xffff;
	[tilespmem:s8+$0x30] =	vst v6  }
0x2e6: {  	s9 =	sadd.s32 $0x80, s9;
	v2 =	vld.idx.msk [tilespmem:v7+s2+$0x0], $0xffff;
	[tilespmem:s8+$0xFFFFFFD0] =	vst v8  }
0x2e7: {  	[tilespmem:s8+$0xFFFFFFE0] =	vst v5;
	s16 =	smul.u32 $0xC0, s13  }
0x2e8: {  	[tilespmem:s8+$0xFFFFFFF0] =	vst v4  }
0x2e9: {  	s10 =	smul.u32 $0x3000, s13;
	[tilespmem:s8+$0x0] =	vst v3;
	s7 =	sor.u32 s17, s16  }
0x2ea: {  	[tilespmem:s8+$0x10] =	vst v1;
	s7 =	sshll.u32 s7, $0x9  }
0x2eb: {  	s9 =	sshrl.u32 s10, $0x3;
	[tilespmem:s8+$0x20] =	vst v0;
	s7 =	sand.u32 $0x1FFFFE00, s7  }
0x2ec: {  	[tilespmem:s8+$0xFFFFFFC0] =	vst v2;
	s8 =	sadd.s32 s3, s9;
	s7 =	sadd.s32 s4, s7  }
0x2ed: {  	[hbm4b:s7+s2] =	stream.linear.scatter [tilespmem:s25], [sflag:$0x2], $0x1000, $0x38;
	[tilespmem:$0x1E6A0] =	vst v63  }
0x2ee: {  	s7 =	sadd.s32 $0x600, s8  }
0x2ef: {  	[tilespmem:s21], [sflag:$0x1] =	stream.linear.gather [hbm4b:s7+s2], $0x1000, $0x38;
	[tilespmem:$0x1E6A0] =	vst v63  }
0x2f0: {  	_ =	swait.ge [sflag:s24], $0x1000  }
0x2f1: {  	[sflag:s24] =	ssyncset.done $0x0  }
0x2f2: {  	[sflag:s24] =	ssyncadd.s32 $0xFFFFF000  }
0x2f3: {  	_ =	swait.ge [sflag:s1], $0x1000  }
0x2f4: {  	[sflag:s1] =	ssyncset.done $0x0  }
0x2f5: {  	s10 =	simm.s32 $0x19710;
	[sflag:s1] =	ssyncadd.s32 $0xFFFFF000  }
0x2f6: {  	v0 =	vld [tilespmem:s10+$0x0]  }
0x2f7: {  	v1 =	vld [tilespmem:s10+$0xFFFFFFA0]  }
0x2f8: {  	v2 =	vld [tilespmem:s10+$0xFFFFFFB0]  }
0x2f9: {  	v3 =	vld [tilespmem:s10+$0xFFFFFFC0]  }
0x2fa: {  	v6 =	vld [tilespmem:s10+$0xFFFFFFD0]  }
0x2fb: {  	v7 =	vld [tilespmem:s10+$0xFFFFFFE0]  }
0x2fc: {  	v8 =	vld [tilespmem:s10+$0xFFFFFFF0]  }
0x2fd: {  	v9 =	vld [tilespmem:s10+$0xFFFFFF90]  }
0x2fe: {  	v10 =	vld.idx.msk [tilespmem:v0+s2+$0x0], $0xffff  }
0x2ff: {  	v11 =	vld.idx.msk [tilespmem:v1+s2+$0x0], $0xffff  }
0x300: {  	v5 =	vld.idx.msk [tilespmem:v2+s2+$0x0], $0xffff  }
0x301: {  	v4 =	vld.idx.msk [tilespmem:v3+s2+$0x0], $0xffff  }
0x302: {  	v3 =	vld.idx.msk [tilespmem:v6+s2+$0x0], $0xffff  }
0x303: {  	s7 =	simm.s32 $0x1C710;
	v1 =	vld.idx.msk [tilespmem:v7+s2+$0x0], $0xffff  }
0x304: {  	v0 =	vld.idx.msk [tilespmem:v8+s2+$0x0], $0xffff;
	[tilespmem:s7+$0x0] =	vst v10  }
0x305: {  	s9 =	simm.s32 $0x0;
	s10 =	simm.s32 $0x19790;
	v2 =	vld.idx.msk [tilespmem:v9+s2+$0x0], $0xffff;
	[tilespmem:s7+$0xFFFFFFA0] =	vst v11  }
.LBB2_35:
0x306: {  	v6 =	vld [tilespmem:s10+$0x0];
	s9 =	sadd.s32 $0x80, s9;
	[tilespmem:s7+$0xFFFFFFB0] =	vst v5  }
0x307: {  	v5 =	vld [tilespmem:s10+$0xFFFFFFA0];
	p0 =	slt.u32 s9, $0xF80;
	[tilespmem:s7+$0xFFFFFFC0] =	vst v4  }
0x308: {  	v4 =	vld [tilespmem:s10+$0xFFFFFFB0];
	[tilespmem:s7+$0xFFFFFFD0] =	vst v3  }
0x309: {  	v3 =	vld [tilespmem:s10+$0xFFFFFFC0];
	[tilespmem:s7+$0xFFFFFFE0] =	vst v1  }
0x30a: {  	v1 =	vld [tilespmem:s10+$0xFFFFFFD0];
	[tilespmem:s7+$0xFFFFFFF0] =	vst v0  }
0x30b: {  	v0 =	vld [tilespmem:s10+$0xFFFFFFE0];
	[tilespmem:s7+$0xFFFFFF90] =	vst v2  }
0x30c: {  	v2 =	vld [tilespmem:s10+$0xFFFFFFF0]  }
0x30d: {  	v7 =	vld [tilespmem:s10+$0xFFFFFF90]  }
0x30e: {  	v6 =	vld.idx.msk [tilespmem:v6+s2+$0x0], $0xffff  }
0x30f: {  	v8 =	vld.idx.msk [tilespmem:v5+s2+$0x0], $0xffff  }
0x310: {  	v5 =	vld.idx.msk [tilespmem:v4+s2+$0x0], $0xffff  }
.Ltmp16:
0x311: {  	v4 =	vld.idx.msk [tilespmem:v3+s2+$0x0], $0xffff;
	(pc) =	sbr.rel @p0 .LBB2_35-.Ltmp16, $4  }
0x312: {  	v3 =	vld.idx.msk [tilespmem:v1+s2+$0x0], $0xffff  }
0x313: {  	s7 =	sadd.s32 $0x80, s7;
	v1 =	vld.idx.msk [tilespmem:v0+s2+$0x0], $0xffff  }
0x314: {  	v0 =	vld.idx.msk [tilespmem:v2+s2+$0x0], $0xffff;
	[tilespmem:s7+$0x0] =	vst v6  }
0x315: {  	s10 =	sadd.s32 $0x80, s10;
	v2 =	vld.idx.msk [tilespmem:v7+s2+$0x0], $0xffff;
	[tilespmem:s7+$0xFFFFFFA0] =	vst v8  }
0x316: {  	[tilespmem:s7+$0xFFFFFFB0] =	vst v5  }
0x317: {  	[tilespmem:s7+$0xFFFFFFC0] =	vst v4  }
0x318: {  	s9 =	sadd.s32 s29, s16;
	[tilespmem:s7+$0xFFFFFFD0] =	vst v3  }
0x319: {  	s9 =	sshll.u32 s9, $0x9;
	[tilespmem:s7+$0xFFFFFFE0] =	vst v1  }
0x31a: {  	s9 =	sand.u32 $0x1FFFFE00, s9;
	[tilespmem:s7+$0xFFFFFFF0] =	vst v0  }
0x31b: {  	s10 =	sadd.s32 s4, s9;
	[tilespmem:s7+$0xFFFFFF90] =	vst v2  }
0x31c: {  	[hbm4b:s10+s2] =	stream.linear.scatter [tilespmem:s26], [sflag:$0x3], $0x1000, $0x38;
	[tilespmem:$0x1E6A0] =	vst v63  }
0x31d: {  	s9 =	sadd.s32 $0x800, s8  }
0x31e: {  	[tilespmem:s22], [sflag:$0x1] =	stream.linear.gather [hbm4b:s9+s2], $0x1000, $0x38;
	[tilespmem:$0x1E6A0] =	vst v63  }
0x31f: {  	_ =	swait.ge [sflag:s24], $0x1000  }
0x320: {  	[sflag:s24] =	ssyncset.done $0x0  }
0x321: {  	[sflag:s24] =	ssyncadd.s32 $0xFFFFF000  }
0x322: {  	_ =	swait.ge [sflag:s6], $0x1000  }
0x323: {  	[sflag:s6] =	ssyncset.done $0x0  }
0x324: {  	s10 =	simm.s32 $0x1A710;
	[sflag:s6] =	ssyncadd.s32 $0xFFFFF000  }
0x325: {  	v0 =	vld [tilespmem:s10+$0x0]  }
0x326: {  	v1 =	vld [tilespmem:s10+$0xFFFFFFA0]  }
0x327: {  	v2 =	vld [tilespmem:s10+$0xFFFFFFB0]  }
0x328: {  	v3 =	vld [tilespmem:s10+$0xFFFFFFC0]  }
0x329: {  	v6 =	vld [tilespmem:s10+$0xFFFFFFD0]  }
0x32a: {  	v7 =	vld [tilespmem:s10+$0xFFFFFFE0]  }
0x32b: {  	v8 =	vld [tilespmem:s10+$0xFFFFFFF0]  }
0x32c: {  	v9 =	vld [tilespmem:s10+$0xFFFFFF90]  }
0x32d: {  	v10 =	vld.idx.msk [tilespmem:v0+s2+$0x0], $0xffff  }
0x32e: {  	v11 =	vld.idx.msk [tilespmem:v1+s2+$0x0], $0xffff  }
0x32f: {  	v5 =	vld.idx.msk [tilespmem:v2+s2+$0x0], $0xffff  }
0x330: {  	v4 =	vld.idx.msk [tilespmem:v3+s2+$0x0], $0xffff  }
0x331: {  	v3 =	vld.idx.msk [tilespmem:v6+s2+$0x0], $0xffff  }
0x332: {  	s7 =	simm.s32 $0x1D710;
	v1 =	vld.idx.msk [tilespmem:v7+s2+$0x0], $0xffff  }
0x333: {  	v0 =	vld.idx.msk [tilespmem:v8+s2+$0x0], $0xffff;
	[tilespmem:s7+$0x0] =	vst v10  }
0x334: {  	s9 =	simm.s32 $0x0;
	s10 =	simm.s32 $0x1A790;
	v2 =	vld.idx.msk [tilespmem:v9+s2+$0x0], $0xffff;
	[tilespmem:s7+$0xFFFFFFA0] =	vst v11  }
.LBB2_37:
0x335: {  	v6 =	vld [tilespmem:s10+$0x0];
	s9 =	sadd.s32 $0x80, s9;
	[tilespmem:s7+$0xFFFFFFB0] =	vst v5  }
0x336: {  	v5 =	vld [tilespmem:s10+$0xFFFFFFA0];
	p0 =	slt.u32 s9, $0xF80;
	[tilespmem:s7+$0xFFFFFFC0] =	vst v4  }
0x337: {  	v4 =	vld [tilespmem:s10+$0xFFFFFFB0];
	[tilespmem:s7+$0xFFFFFFD0] =	vst v3  }
0x338: {  	v3 =	vld [tilespmem:s10+$0xFFFFFFC0];
	[tilespmem:s7+$0xFFFFFFE0] =	vst v1  }
0x339: {  	v1 =	vld [tilespmem:s10+$0xFFFFFFD0];
	[tilespmem:s7+$0xFFFFFFF0] =	vst v0  }
0x33a: {  	v0 =	vld [tilespmem:s10+$0xFFFFFFE0];
	[tilespmem:s7+$0xFFFFFF90] =	vst v2  }
0x33b: {  	v2 =	vld [tilespmem:s10+$0xFFFFFFF0]  }
0x33c: {  	v7 =	vld [tilespmem:s10+$0xFFFFFF90]  }
0x33d: {  	v6 =	vld.idx.msk [tilespmem:v6+s2+$0x0], $0xffff  }
0x33e: {  	v8 =	vld.idx.msk [tilespmem:v5+s2+$0x0], $0xffff  }
0x33f: {  	v5 =	vld.idx.msk [tilespmem:v4+s2+$0x0], $0xffff  }
.Ltmp17:
0x340: {  	v4 =	vld.idx.msk [tilespmem:v3+s2+$0x0], $0xffff;
	(pc) =	sbr.rel @p0 .LBB2_37-.Ltmp17, $4  }
0x341: {  	v3 =	vld.idx.msk [tilespmem:v1+s2+$0x0], $0xffff  }
0x342: {  	s7 =	sadd.s32 $0x80, s7;
	v1 =	vld.idx.msk [tilespmem:v0+s2+$0x0], $0xffff  }
0x343: {  	v0 =	vld.idx.msk [tilespmem:v2+s2+$0x0], $0xffff;
	[tilespmem:s7+$0x0] =	vst v6  }
0x344: {  	s10 =	sadd.s32 $0x80, s10;
	v2 =	vld.idx.msk [tilespmem:v7+s2+$0x0], $0xffff;
	[tilespmem:s7+$0xFFFFFFA0] =	vst v8  }
0x345: {  	[tilespmem:s7+$0xFFFFFFB0] =	vst v5  }
0x346: {  	[tilespmem:s7+$0xFFFFFFC0] =	vst v4  }
0x347: {  	s9 =	sadd.s32 s30, s16;
	s13 =	sadd.s32 $0x1, s13;
	[tilespmem:s7+$0xFFFFFFD0] =	vst v3  }
0x348: {  	s9 =	sshll.u32 s9, $0x9;
	p0 =	sne.s32 s13, $0xF;
	[tilespmem:s7+$0xFFFFFFE0] =	vst v1  }
.Ltmp18:
0x349: {  	s9 =	sand.u32 $0x1FFFFE00, s9;
	[tilespmem:s7+$0xFFFFFFF0] =	vst v0;
	(pc) =	sbr.rel @p0 .LBB2_32-.Ltmp18, $4  }
0x34a: {  	s10 =	sadd.s32 s4, s9;
	[tilespmem:s7+$0xFFFFFF90] =	vst v2  }
0x34b: {  	[hbm4b:s10+s2] =	stream.linear.scatter [tilespmem:s28], [sflag:$0x4], $0x1000, $0x38;
	[tilespmem:$0x1E6A0] =	vst v63  }
0x34c: {  	s16 =	sadd.s32 $0xA00, s8  }
0x34d: {  	[tilespmem:s23], [sflag:$0x1] =	stream.linear.gather [hbm4b:s16+s2], $0x1000, $0x38;
	[tilespmem:$0x1E6A0] =	vst v63  }
0x34e: {  	_ =	swait.ge [sflag:s24], $0x1000  }
0x34f: {  	[sflag:s24] =	ssyncset.done $0x0  }
0x350: {  	[sflag:s24] =	ssyncadd.s32 $0xFFFFF000  }
0x351: {  	_ =	swait.ge [sflag:s31], $0x1000  }
0x352: {  	[sflag:s31] =	ssyncset.done $0x0  }
0x353: {  	s7 =	simm.s32 $0x186E0;
	[sflag:s31] =	ssyncadd.s32 $0xFFFFF000  }
0x354: {  	v0 =	vld [tilespmem:s7+$0x30]  }
0x355: {  	v1 =	vld [tilespmem:s7+$0xFFFFFFD0]  }
0x356: {  	v2 =	vld [tilespmem:s7+$0xFFFFFFE0]  }
0x357: {  	v3 =	vld [tilespmem:s7+$0xFFFFFFF0]  }
0x358: {  	v4 =	vld [tilespmem:s7+$0x0]  }
0x359: {  	v6 =	vld [tilespmem:s7+$0x10]  }
0x35a: {  	v7 =	vld [tilespmem:s7+$0x20]  }
0x35b: {  	v8 =	vld [tilespmem:s7+$0xFFFFFFC0]  }
0x35c: {  	v9 =	vld.idx.msk [tilespmem:v0+s2+$0x0], $0xffff  }
0x35d: {  	v10 =	vld.idx.msk [tilespmem:v1+s2+$0x0], $0xffff  }
0x35e: {  	v5 =	vld.idx.msk [tilespmem:v2+s2+$0x0], $0xffff  }
0x35f: {  	v3 =	vld.idx.msk [tilespmem:v3+s2+$0x0], $0xffff  }
0x360: {  	v0 =	vld.idx.msk [tilespmem:v4+s2+$0x0], $0xffff  }
0x361: {  	s7 =	simm.s32 $0x1B6E0;
	v1 =	vld.idx.msk [tilespmem:v6+s2+$0x0], $0xffff  }
0x362: {  	v2 =	vld.idx.msk [tilespmem:v7+s2+$0x0], $0xffff;
	[tilespmem:s7+$0x30] =	vst v9  }
0x363: {  	s8 =	simm.s32 $0x0;
	s9 =	simm.s32 $0x18760;
	v4 =	vld.idx.msk [tilespmem:v8+s2+$0x0], $0xffff;
	[tilespmem:s7+$0xFFFFFFD0] =	vst v10  }
.LBB2_40:
0x364: {  	v6 =	vld [tilespmem:s9+$0x30];
	s8 =	sadd.s32 $0x80, s8;
	[tilespmem:s7+$0xFFFFFFE0] =	vst v5  }
0x365: {  	v5 =	vld [tilespmem:s9+$0xFFFFFFD0];
	p0 =	slt.u32 s8, $0xF80;
	[tilespmem:s7+$0xFFFFFFF0] =	vst v3  }
0x366: {  	v3 =	vld [tilespmem:s9+$0xFFFFFFE0];
	[tilespmem:s7+$0x0] =	vst v0  }
0x367: {  	v0 =	vld [tilespmem:s9+$0xFFFFFFF0];
	[tilespmem:s7+$0x10] =	vst v1  }
0x368: {  	v1 =	vld [tilespmem:s9+$0x0];
	[tilespmem:s7+$0x20] =	vst v2  }
0x369: {  	v2 =	vld [tilespmem:s9+$0x10];
	[tilespmem:s7+$0xFFFFFFC0] =	vst v4  }
0x36a: {  	v4 =	vld [tilespmem:s9+$0x20]  }
0x36b: {  	v7 =	vld [tilespmem:s9+$0xFFFFFFC0]  }
0x36c: {  	v6 =	vld.idx.msk [tilespmem:v6+s2+$0x0], $0xffff  }
0x36d: {  	v8 =	vld.idx.msk [tilespmem:v5+s2+$0x0], $0xffff  }
0x36e: {  	v5 =	vld.idx.msk [tilespmem:v3+s2+$0x0], $0xffff  }
.Ltmp19:
0x36f: {  	v3 =	vld.idx.msk [tilespmem:v0+s2+$0x0], $0xffff;
	(pc) =	sbr.rel @p0 .LBB2_40-.Ltmp19, $4  }
0x370: {  	v0 =	vld.idx.msk [tilespmem:v1+s2+$0x0], $0xffff  }
0x371: {  	s7 =	sadd.s32 $0x80, s7;
	v1 =	vld.idx.msk [tilespmem:v2+s2+$0x0], $0xffff  }
0x372: {  	v2 =	vld.idx.msk [tilespmem:v4+s2+$0x0], $0xffff;
	[tilespmem:s7+$0x30] =	vst v6  }
0x373: {  	s9 =	sadd.s32 $0x80, s9;
	v4 =	vld.idx.msk [tilespmem:v7+s2+$0x0], $0xffff;
	[tilespmem:s7+$0xFFFFFFD0] =	vst v8  }
0x374: {  	[tilespmem:s7+$0xFFFFFFE0] =	vst v5  }
0x375: {  	[tilespmem:s7+$0xFFFFFFF0] =	vst v3  }
0x376: {  	[tilespmem:s7+$0x0] =	vst v0  }
0x377: {  	[tilespmem:s7+$0x10] =	vst v1  }
0x378: {  	[tilespmem:s7+$0x20] =	vst v2  }
0x379: {  	[tilespmem:s7+$0xFFFFFFC0] =	vst v4  }
0x37a: {  	s7 =	rddreg [dreg:$0x13]  }
0x37b: {  	[hbm4b:s7+s2] =	stream.linear.scatter [tilespmem:s25], [sflag:$0x2], $0x1000, $0x38;
	[tilespmem:$0x1E6A0] =	vst v63  }
0x37c: {  	_ = 	snop  }
0x37d: {  	[tilespmem:s21], [sflag:$0x1] =	stream.linear.gather [hbm4b:s18+s2], $0x1000, $0x38;
	[tilespmem:$0x1E6A0] =	vst v63  }
0x37e: {  	_ =	swait.ge [sflag:s24], $0x1000  }
0x37f: {  	[sflag:s24] =	ssyncset.done $0x0  }
0x380: {  	[sflag:s24] =	ssyncadd.s32 $0xFFFFF000  }
0x381: {  	_ =	swait.ge [sflag:s1], $0x1000  }
0x382: {  	[sflag:s1] =	ssyncset.done $0x0  }
0x383: {  	s16 =	simm.s32 $0x19710;
	[sflag:s1] =	ssyncadd.s32 $0xFFFFF000  }
0x384: {  	v0 =	vld [tilespmem:s16+$0x0]  }
0x385: {  	v1 =	vld [tilespmem:s16+$0xFFFFFFA0]  }
0x386: {  	v2 =	vld [tilespmem:s16+$0xFFFFFFB0]  }
0x387: {  	v3 =	vld [tilespmem:s16+$0xFFFFFFC0]  }
0x388: {  	v4 =	vld [tilespmem:s16+$0xFFFFFFD0]  }
0x389: {  	v6 =	vld [tilespmem:s16+$0xFFFFFFE0]  }
0x38a: {  	v7 =	vld [tilespmem:s16+$0xFFFFFFF0]  }
0x38b: {  	v8 =	vld [tilespmem:s16+$0xFFFFFF90]  }
0x38c: {  	v9 =	vld.idx.msk [tilespmem:v0+s2+$0x0], $0xffff  }
0x38d: {  	v10 =	vld.idx.msk [tilespmem:v1+s2+$0x0], $0xffff  }
0x38e: {  	v5 =	vld.idx.msk [tilespmem:v2+s2+$0x0], $0xffff  }
0x38f: {  	v3 =	vld.idx.msk [tilespmem:v3+s2+$0x0], $0xffff  }
0x390: {  	v0 =	vld.idx.msk [tilespmem:v4+s2+$0x0], $0xffff  }
0x391: {  	s7 =	simm.s32 $0x1C710;
	v1 =	vld.idx.msk [tilespmem:v6+s2+$0x0], $0xffff  }
0x392: {  	v2 =	vld.idx.msk [tilespmem:v7+s2+$0x0], $0xffff;
	[tilespmem:s7+$0x0] =	vst v9  }
0x393: {  	s8 =	simm.s32 $0x0;
	s9 =	simm.s32 $0x19790;
	v4 =	vld.idx.msk [tilespmem:v8+s2+$0x0], $0xffff;
	[tilespmem:s7+$0xFFFFFFA0] =	vst v10  }
.LBB2_42:
0x394: {  	v6 =	vld [tilespmem:s9+$0x0];
	s8 =	sadd.s32 $0x80, s8;
	[tilespmem:s7+$0xFFFFFFB0] =	vst v5  }
0x395: {  	v5 =	vld [tilespmem:s9+$0xFFFFFFA0];
	p0 =	slt.u32 s8, $0xF80;
	[tilespmem:s7+$0xFFFFFFC0] =	vst v3  }
0x396: {  	v3 =	vld [tilespmem:s9+$0xFFFFFFB0];
	[tilespmem:s7+$0xFFFFFFD0] =	vst v0  }
0x397: {  	v0 =	vld [tilespmem:s9+$0xFFFFFFC0];
	[tilespmem:s7+$0xFFFFFFE0] =	vst v1  }
0x398: {  	v1 =	vld [tilespmem:s9+$0xFFFFFFD0];
	[tilespmem:s7+$0xFFFFFFF0] =	vst v2  }
0x399: {  	v2 =	vld [tilespmem:s9+$0xFFFFFFE0];
	[tilespmem:s7+$0xFFFFFF90] =	vst v4  }
0x39a: {  	v4 =	vld [tilespmem:s9+$0xFFFFFFF0]  }
0x39b: {  	v7 =	vld [tilespmem:s9+$0xFFFFFF90]  }
0x39c: {  	v6 =	vld.idx.msk [tilespmem:v6+s2+$0x0], $0xffff  }
0x39d: {  	v8 =	vld.idx.msk [tilespmem:v5+s2+$0x0], $0xffff  }
0x39e: {  	v5 =	vld.idx.msk [tilespmem:v3+s2+$0x0], $0xffff  }
.Ltmp20:
0x39f: {  	v3 =	vld.idx.msk [tilespmem:v0+s2+$0x0], $0xffff;
	(pc) =	sbr.rel @p0 .LBB2_42-.Ltmp20, $4  }
0x3a0: {  	v0 =	vld.idx.msk [tilespmem:v1+s2+$0x0], $0xffff  }
0x3a1: {  	s7 =	sadd.s32 $0x80, s7;
	v1 =	vld.idx.msk [tilespmem:v2+s2+$0x0], $0xffff  }
0x3a2: {  	v2 =	vld.idx.msk [tilespmem:v4+s2+$0x0], $0xffff;
	[tilespmem:s7+$0x0] =	vst v6  }
0x3a3: {  	s9 =	sadd.s32 $0x80, s9;
	v4 =	vld.idx.msk [tilespmem:v7+s2+$0x0], $0xffff;
	[tilespmem:s7+$0xFFFFFFA0] =	vst v8  }
0x3a4: {  	[tilespmem:s7+$0xFFFFFFB0] =	vst v5  }
0x3a5: {  	[tilespmem:s7+$0xFFFFFFC0] =	vst v3  }
0x3a6: {  	[tilespmem:s7+$0xFFFFFFD0] =	vst v0  }
0x3a7: {  	[tilespmem:s7+$0xFFFFFFE0] =	vst v1  }
0x3a8: {  	[tilespmem:s7+$0xFFFFFFF0] =	vst v2  }
0x3a9: {  	[tilespmem:s7+$0xFFFFFF90] =	vst v4  }
0x3aa: {  	s7 =	rddreg [dreg:$0x14]  }
0x3ab: {  	[hbm4b:s7+s2] =	stream.linear.scatter [tilespmem:s26], [sflag:$0x3], $0x1000, $0x38;
	[tilespmem:$0x1E6A0] =	vst v63  }
0x3ac: {  	_ = 	snop  }
0x3ad: {  	[tilespmem:s22], [sflag:$0x1] =	stream.linear.gather [hbm4b:s20+s2], $0x1000, $0x38;
	[tilespmem:$0x1E6A0] =	vst v63  }
0x3ae: {  	_ =	swait.ge [sflag:s24], $0x1000  }
0x3af: {  	[sflag:s24] =	ssyncset.done $0x0  }
0x3b0: {  	[sflag:s24] =	ssyncadd.s32 $0xFFFFF000  }
0x3b1: {  	_ =	swait.ge [sflag:s6], $0x1000  }
0x3b2: {  	[sflag:s6] =	ssyncset.done $0x0  }
0x3b3: {  	s16 =	simm.s32 $0x1A710;
	[sflag:s6] =	ssyncadd.s32 $0xFFFFF000  }
0x3b4: {  	v0 =	vld [tilespmem:s16+$0x0]  }
0x3b5: {  	v1 =	vld [tilespmem:s16+$0xFFFFFFA0]  }
0x3b6: {  	v2 =	vld [tilespmem:s16+$0xFFFFFFB0]  }
0x3b7: {  	v3 =	vld [tilespmem:s16+$0xFFFFFFC0]  }
0x3b8: {  	v4 =	vld [tilespmem:s16+$0xFFFFFFD0]  }
0x3b9: {  	v6 =	vld [tilespmem:s16+$0xFFFFFFE0]  }
0x3ba: {  	v7 =	vld [tilespmem:s16+$0xFFFFFFF0]  }
0x3bb: {  	v8 =	vld [tilespmem:s16+$0xFFFFFF90]  }
0x3bc: {  	v9 =	vld.idx.msk [tilespmem:v0+s2+$0x0], $0xffff  }
0x3bd: {  	v10 =	vld.idx.msk [tilespmem:v1+s2+$0x0], $0xffff  }
0x3be: {  	v5 =	vld.idx.msk [tilespmem:v2+s2+$0x0], $0xffff  }
0x3bf: {  	v3 =	vld.idx.msk [tilespmem:v3+s2+$0x0], $0xffff  }
0x3c0: {  	v0 =	vld.idx.msk [tilespmem:v4+s2+$0x0], $0xffff  }
0x3c1: {  	s7 =	simm.s32 $0x1D710;
	v1 =	vld.idx.msk [tilespmem:v6+s2+$0x0], $0xffff  }
0x3c2: {  	v2 =	vld.idx.msk [tilespmem:v7+s2+$0x0], $0xffff;
	[tilespmem:s7+$0x0] =	vst v9  }
0x3c3: {  	s8 =	simm.s32 $0x0;
	s9 =	simm.s32 $0x1A790;
	v4 =	vld.idx.msk [tilespmem:v8+s2+$0x0], $0xffff;
	[tilespmem:s7+$0xFFFFFFA0] =	vst v10  }
.LBB2_44:
0x3c4: {  	v6 =	vld [tilespmem:s9+$0x0];
	s8 =	sadd.s32 $0x80, s8;
	[tilespmem:s7+$0xFFFFFFB0] =	vst v5  }
0x3c5: {  	v5 =	vld [tilespmem:s9+$0xFFFFFFA0];
	p0 =	slt.u32 s8, $0xF80;
	[tilespmem:s7+$0xFFFFFFC0] =	vst v3  }
0x3c6: {  	v3 =	vld [tilespmem:s9+$0xFFFFFFB0];
	[tilespmem:s7+$0xFFFFFFD0] =	vst v0  }
0x3c7: {  	v0 =	vld [tilespmem:s9+$0xFFFFFFC0];
	[tilespmem:s7+$0xFFFFFFE0] =	vst v1  }
0x3c8: {  	v1 =	vld [tilespmem:s9+$0xFFFFFFD0];
	[tilespmem:s7+$0xFFFFFFF0] =	vst v2  }
0x3c9: {  	v2 =	vld [tilespmem:s9+$0xFFFFFFE0];
	[tilespmem:s7+$0xFFFFFF90] =	vst v4  }
0x3ca: {  	v4 =	vld [tilespmem:s9+$0xFFFFFFF0]  }
0x3cb: {  	v7 =	vld [tilespmem:s9+$0xFFFFFF90]  }
0x3cc: {  	v6 =	vld.idx.msk [tilespmem:v6+s2+$0x0], $0xffff  }
0x3cd: {  	v8 =	vld.idx.msk [tilespmem:v5+s2+$0x0], $0xffff  }
0x3ce: {  	v5 =	vld.idx.msk [tilespmem:v3+s2+$0x0], $0xffff  }
.Ltmp21:
0x3cf: {  	v3 =	vld.idx.msk [tilespmem:v0+s2+$0x0], $0xffff;
	(pc) =	sbr.rel @p0 .LBB2_44-.Ltmp21, $4  }
0x3d0: {  	v0 =	vld.idx.msk [tilespmem:v1+s2+$0x0], $0xffff  }
0x3d1: {  	s7 =	sadd.s32 $0x80, s7;
	v1 =	vld.idx.msk [tilespmem:v2+s2+$0x0], $0xffff  }
0x3d2: {  	v2 =	vld.idx.msk [tilespmem:v4+s2+$0x0], $0xffff;
	[tilespmem:s7+$0x0] =	vst v6  }
0x3d3: {  	s9 =	sadd.s32 $0x80, s9;
	v4 =	vld.idx.msk [tilespmem:v7+s2+$0x0], $0xffff;
	[tilespmem:s7+$0xFFFFFFA0] =	vst v8  }
0x3d4: {  	[tilespmem:s7+$0xFFFFFFB0] =	vst v5  }
0x3d5: {  	[tilespmem:s7+$0xFFFFFFC0] =	vst v3  }
0x3d6: {  	[tilespmem:s7+$0xFFFFFFD0] =	vst v0  }
0x3d7: {  	[tilespmem:s7+$0xFFFFFFE0] =	vst v1  }
0x3d8: {  	[tilespmem:s7+$0xFFFFFFF0] =	vst v2  }
0x3d9: {  	[tilespmem:s7+$0xFFFFFF90] =	vst v4  }
0x3da: {  	s7 =	rddreg [dreg:$0x15]  }
0x3db: {  	[hbm4b:s7+s2] =	stream.linear.scatter [tilespmem:s28], [sflag:$0x4], $0x1000, $0x38;
	[tilespmem:$0x1E6A0] =	vst v63  }
0x3dc: {  	_ =	swait.ge [sflag:s24], $0x1000  }
0x3dd: {  	[sflag:s24] =	ssyncset.done $0x0  }
0x3de: {  	[sflag:s24] =	ssyncadd.s32 $0xFFFFF000  }
0x3df: {  	_ =	swait.ge [sflag:s31], $0x1000  }
0x3e0: {  	[sflag:s31] =	ssyncset.done $0x0  }
0x3e1: {  	s16 =	simm.s32 $0x186E0;
	[sflag:s31] =	ssyncadd.s32 $0xFFFFF000  }
0x3e2: {  	v0 =	vld [tilespmem:s16+$0x30]  }
0x3e3: {  	v1 =	vld [tilespmem:s16+$0xFFFFFFD0]  }
0x3e4: {  	v2 =	vld [tilespmem:s16+$0xFFFFFFE0]  }
0x3e5: {  	v3 =	vld [tilespmem:s16+$0xFFFFFFF0]  }
0x3e6: {  	v4 =	vld [tilespmem:s16+$0x0]  }
0x3e7: {  	v6 =	vld [tilespmem:s16+$0x10]  }
0x3e8: {  	v7 =	vld [tilespmem:s16+$0x20]  }
0x3e9: {  	v8 =	vld [tilespmem:s16+$0xFFFFFFC0]  }
0x3ea: {  	v9 =	vld.idx.msk [tilespmem:v0+s2+$0x0], $0xffff  }
0x3eb: {  	v10 =	vld.idx.msk [tilespmem:v1+s2+$0x0], $0xffff  }
0x3ec: {  	v5 =	vld.idx.msk [tilespmem:v2+s2+$0x0], $0xffff  }
0x3ed: {  	v3 =	vld.idx.msk [tilespmem:v3+s2+$0x0], $0xffff  }
0x3ee: {  	v0 =	vld.idx.msk [tilespmem:v4+s2+$0x0], $0xffff  }
0x3ef: {  	s7 =	simm.s32 $0x1B6E0;
	v1 =	vld.idx.msk [tilespmem:v6+s2+$0x0], $0xffff  }
0x3f0: {  	v2 =	vld.idx.msk [tilespmem:v7+s2+$0x0], $0xffff;
	[tilespmem:s7+$0x30] =	vst v9  }
0x3f1: {  	s8 =	simm.s32 $0x0;
	s9 =	simm.s32 $0x18760;
	v4 =	vld.idx.msk [tilespmem:v8+s2+$0x0], $0xffff;
	[tilespmem:s7+$0xFFFFFFD0] =	vst v10  }
.LBB2_46:
0x3f2: {  	v6 =	vld [tilespmem:s9+$0x30];
	s8 =	sadd.s32 $0x80, s8;
	[tilespmem:s7+$0xFFFFFFE0] =	vst v5  }
0x3f3: {  	v5 =	vld [tilespmem:s9+$0xFFFFFFD0];
	p0 =	slt.u32 s8, $0xF80;
	[tilespmem:s7+$0xFFFFFFF0] =	vst v3  }
0x3f4: {  	v3 =	vld [tilespmem:s9+$0xFFFFFFE0];
	[tilespmem:s7+$0x0] =	vst v0  }
0x3f5: {  	v0 =	vld [tilespmem:s9+$0xFFFFFFF0];
	[tilespmem:s7+$0x10] =	vst v1  }
0x3f6: {  	v1 =	vld [tilespmem:s9+$0x0];
	[tilespmem:s7+$0x20] =	vst v2  }
0x3f7: {  	v2 =	vld [tilespmem:s9+$0x10];
	[tilespmem:s7+$0xFFFFFFC0] =	vst v4  }
0x3f8: {  	v4 =	vld [tilespmem:s9+$0x20]  }
0x3f9: {  	v7 =	vld [tilespmem:s9+$0xFFFFFFC0]  }
0x3fa: {  	v6 =	vld.idx.msk [tilespmem:v6+s2+$0x0], $0xffff  }
0x3fb: {  	v8 =	vld.idx.msk [tilespmem:v5+s2+$0x0], $0xffff  }
0x3fc: {  	v5 =	vld.idx.msk [tilespmem:v3+s2+$0x0], $0xffff  }
.Ltmp22:
0x3fd: {  	v3 =	vld.idx.msk [tilespmem:v0+s2+$0x0], $0xffff;
	(pc) =	sbr.rel @p0 .LBB2_46-.Ltmp22, $4  }
0x3fe: {  	v0 =	vld.idx.msk [tilespmem:v1+s2+$0x0], $0xffff  }
0x3ff: {  	s7 =	sadd.s32 $0x80, s7;
	v1 =	vld.idx.msk [tilespmem:v2+s2+$0x0], $0xffff  }
0x400: {  	v2 =	vld.idx.msk [tilespmem:v4+s2+$0x0], $0xffff;
	[tilespmem:s7+$0x30] =	vst v6  }
0x401: {  	s9 =	sadd.s32 $0x80, s9;
	v4 =	vld.idx.msk [tilespmem:v7+s2+$0x0], $0xffff;
	[tilespmem:s7+$0xFFFFFFD0] =	vst v8  }
0x402: {  	[tilespmem:s7+$0xFFFFFFE0] =	vst v5  }
0x403: {  	[tilespmem:s7+$0xFFFFFFF0] =	vst v3  }
0x404: {  	[tilespmem:s7+$0x0] =	vst v0  }
0x405: {  	[tilespmem:s7+$0x10] =	vst v1  }
0x406: {  	[tilespmem:s7+$0x20] =	vst v2  }
0x407: {  	[tilespmem:s7+$0xFFFFFFC0] =	vst v4  }
0x408: {  	s7 =	rddreg [dreg:$0x17]  }
0x409: {  	[hbm4b:s7+s2] =	stream.linear.scatter [tilespmem:s25], [sflag:$0x2], $0x1000, $0x38;
	[tilespmem:$0x1E6A0] =	vst v63  }
0x40a: {  	_ =	swait.ge [sflag:s24], $0x1000  }
0x40b: {  	[sflag:s24] =	ssyncset.done $0x0  }
0x40c: {  	[sflag:s24] =	ssyncadd.s32 $0xFFFFF000  }
0x40d: {  	_ =	swait.ge [sflag:s1], $0x1000  }
0x40e: {  	[sflag:s1] =	ssyncset.done $0x0  }
0x40f: {  	s16 =	simm.s32 $0x19710;
	[sflag:s1] =	ssyncadd.s32 $0xFFFFF000  }
0x410: {  	v0 =	vld [tilespmem:s16+$0x0]  }
0x411: {  	v1 =	vld [tilespmem:s16+$0xFFFFFFA0]  }
0x412: {  	v2 =	vld [tilespmem:s16+$0xFFFFFFB0]  }
0x413: {  	v3 =	vld [tilespmem:s16+$0xFFFFFFC0]  }
0x414: {  	v4 =	vld [tilespmem:s16+$0xFFFFFFD0]  }
0x415: {  	v6 =	vld [tilespmem:s16+$0xFFFFFFE0]  }
0x416: {  	v7 =	vld [tilespmem:s16+$0xFFFFFFF0]  }
0x417: {  	v8 =	vld [tilespmem:s16+$0xFFFFFF90]  }
0x418: {  	v9 =	vld.idx.msk [tilespmem:v0+s2+$0x0], $0xffff  }
0x419: {  	v10 =	vld.idx.msk [tilespmem:v1+s2+$0x0], $0xffff  }
0x41a: {  	v5 =	vld.idx.msk [tilespmem:v2+s2+$0x0], $0xffff  }
0x41b: {  	v3 =	vld.idx.msk [tilespmem:v3+s2+$0x0], $0xffff  }
0x41c: {  	v0 =	vld.idx.msk [tilespmem:v4+s2+$0x0], $0xffff  }
0x41d: {  	s7 =	simm.s32 $0x1C710;
	v1 =	vld.idx.msk [tilespmem:v6+s2+$0x0], $0xffff  }
0x41e: {  	v2 =	vld.idx.msk [tilespmem:v7+s2+$0x0], $0xffff;
	[tilespmem:s7+$0x0] =	vst v9  }
0x41f: {  	s8 =	simm.s32 $0x0;
	s9 =	simm.s32 $0x19790;
	v4 =	vld.idx.msk [tilespmem:v8+s2+$0x0], $0xffff;
	[tilespmem:s7+$0xFFFFFFA0] =	vst v10  }
.LBB2_48:
0x420: {  	v6 =	vld [tilespmem:s9+$0x0];
	s8 =	sadd.s32 $0x80, s8;
	[tilespmem:s7+$0xFFFFFFB0] =	vst v5  }
0x421: {  	v5 =	vld [tilespmem:s9+$0xFFFFFFA0];
	p0 =	slt.u32 s8, $0xF80;
	[tilespmem:s7+$0xFFFFFFC0] =	vst v3  }
0x422: {  	v3 =	vld [tilespmem:s9+$0xFFFFFFB0];
	[tilespmem:s7+$0xFFFFFFD0] =	vst v0  }
0x423: {  	v0 =	vld [tilespmem:s9+$0xFFFFFFC0];
	[tilespmem:s7+$0xFFFFFFE0] =	vst v1  }
0x424: {  	v1 =	vld [tilespmem:s9+$0xFFFFFFD0];
	[tilespmem:s7+$0xFFFFFFF0] =	vst v2  }
0x425: {  	v2 =	vld [tilespmem:s9+$0xFFFFFFE0];
	[tilespmem:s7+$0xFFFFFF90] =	vst v4  }
0x426: {  	v4 =	vld [tilespmem:s9+$0xFFFFFFF0]  }
0x427: {  	v7 =	vld [tilespmem:s9+$0xFFFFFF90]  }
0x428: {  	v6 =	vld.idx.msk [tilespmem:v6+s2+$0x0], $0xffff  }
0x429: {  	v8 =	vld.idx.msk [tilespmem:v5+s2+$0x0], $0xffff  }
0x42a: {  	v5 =	vld.idx.msk [tilespmem:v3+s2+$0x0], $0xffff  }
.Ltmp23:
0x42b: {  	v3 =	vld.idx.msk [tilespmem:v0+s2+$0x0], $0xffff;
	(pc) =	sbr.rel @p0 .LBB2_48-.Ltmp23, $4  }
0x42c: {  	v0 =	vld.idx.msk [tilespmem:v1+s2+$0x0], $0xffff  }
0x42d: {  	s7 =	sadd.s32 $0x80, s7;
	v1 =	vld.idx.msk [tilespmem:v2+s2+$0x0], $0xffff  }
0x42e: {  	v2 =	vld.idx.msk [tilespmem:v4+s2+$0x0], $0xffff;
	[tilespmem:s7+$0x0] =	vst v6  }
0x42f: {  	s9 =	sadd.s32 $0x80, s9;
	v4 =	vld.idx.msk [tilespmem:v7+s2+$0x0], $0xffff;
	[tilespmem:s7+$0xFFFFFFA0] =	vst v8  }
0x430: {  	[tilespmem:s7+$0xFFFFFFB0] =	vst v5  }
0x431: {  	[tilespmem:s7+$0xFFFFFFC0] =	vst v3  }
0x432: {  	[tilespmem:s7+$0xFFFFFFD0] =	vst v0  }
0x433: {  	[tilespmem:s7+$0xFFFFFFE0] =	vst v1  }
0x434: {  	[tilespmem:s7+$0xFFFFFFF0] =	vst v2  }
0x435: {  	[tilespmem:s7+$0xFFFFFF90] =	vst v4  }
0x436: {  	s7 =	rddreg [dreg:$0x18]  }
0x437: {  	[hbm4b:s7+s2] =	stream.linear.scatter [tilespmem:s26], [sflag:$0x3], $0x1000, $0x38;
	[tilespmem:$0x1E6A0] =	vst v63  }
0x438: {  	_ =	swait.ge [sflag:s6], $0x1000  }
0x439: {  	[sflag:s6] =	ssyncset.done $0x0  }
0x43a: {  	[sflag:s6] =	ssyncadd.s32 $0xFFFFF000  }
0x43b: {  	_ =	swait.ge [sflag:s31], $0x1000  }
0x43c: {  	[sflag:s31] =	ssyncset.done $0x0  }
0x43d: {  	[sflag:s31] =	ssyncadd.s32 $0xFFFFF000  }
0x43e: {  	_ =	swait.ge [sflag:s1], $0x1000  }
0x43f: {  	s11 =	sadd.s32 $0x1, s11;
	s16 =	rddreg [dreg:$0x10]  }
0x440: {  	p0 =	sne.s32 s11, s16  }
.Ltmp24:
0x441: {  	_ = 	snop;
	(pc) =	sbr.rel @p0 .LBB2_1-.Ltmp24, $3  }
0x442: {  	_ =	sdelay $0x1  }
0x443: {  	[sflag:s1] =	ssyncset.done $0x0  }
0x444: {  	[sflag:s1] =	ssyncadd.s32 $0xFFFFF000  }
0x445: {  	_ =	sfence.sel $0x180000  }
0x446: {  	[bflag:$0x0] =	sbarrier.arrive $0xFFFF  }
0x447: {  	_ =	strace $0x90000047  }
0x448: {  	s0 =	stileid.u32;
	[bflag:$0x2] =	sbarrier.arrive $0xFFFF  }
0x449: {  	p0 =	sne.s32 s0, $0x0;
	s0 =	rddreg [dreg:$0x2]  }
0x44a: {  	s0 =	sadd.s32 @!p0 $0x100000, s0  }
0x44b: {  	[sflag:s0] =	ssyncadd.tile.s32 @!p0 $0x1;
	_ =	shalt  }
.Lfunc_end2:
_tile_overlayer_lowered:
.L_overlay_start_2:
0x44c: {  	(tag) =	ssettag $0x2  }
0x44d: {  	s0 =	rddreg [dreg:$0x0];
	s2 =	stileid.u32  }
0x44e: {  	s1 =	rddreg [dreg:$0x1];
	p0 =	sne.s32 s2, $0x0  }
0x44f: {  	s3 =	rddreg [dreg:$0x2];
	[bflag:$0x3] =	sbarrier.arrive $0xFFFF;
	s2 =	simm.s32 @!p0 $0x1C05  }
0x450: {  	[timem:s3], [sflag:s2] =	dma.local @!p0 [hbm:s0], s1  }
0x451: {  	s0 =	simm.s32 @!p0 $0x5  }
0x452: {  	_ =	swait.ge @!p0 [sflag:s0], s1  }
0x453: {  	s1 =	ssub.s32 @!p0 $0x0, s1;
	[sflag:s0] =	ssyncset.done @!p0 $0x0  }
0x454: {  	[sflag:s0] =	ssyncadd.s32 @!p0 s1  }
0x455: {  	[bflag:$0x3] =	sbarrier.arrive $0xFFFF  }
0x456: {  	_ =	shalt  }

</sc_bundles>
